<compile_context>
chip_gen: v7x
topology: tpu7x:2x2x1
jax: 0.10.2.dev20260603
libtpu: 0.0.44.dev20260713+nightly
codegen_flags: <defaults>
</compile_context>

<pallas_src>
import functools

import jax
import jax.numpy as jnp
from jax import lax
from jax.experimental import pallas as pl
from jax.experimental.pallas import tpu as pltpu
from jax.experimental.pallas import tpu_sc as plsc

_E = 320000
_D = 128
_NC = 2
_NS = 16
_NW = _NC * _NS
_EW = _E // _NW
_CHUNK = 80
_G = _CHUNK // 16
_NBUF = 5
_ROUNDS = _EW // (_CHUNK * _NBUF)


def _sc_body(ea_hbm, idx_hbm, w_hbm, out_hbm, w_v, idx_v, ea_v, in_sem, out_sem):
    wid = lax.axis_index("s") * _NC + lax.axis_index("c")
    e0 = wid * _EW
    lane = lax.iota(jnp.int32, 16)

    def wait_in(b):
        pltpu.make_async_copy(
            ea_hbm.at[pl.ds(0, _CHUNK)], ea_v.at[b], in_sem.at[b]
        ).wait()

    def wait_out(b):
        pltpu.make_async_copy(
            ea_v.at[b], out_hbm.at[pl.ds(0, _CHUNK)], out_sem.at[b]
        ).wait()

    def start_in(c, b):
        pltpu.async_copy(
            ea_hbm.at[pl.ds(e0 + c * _CHUNK, _CHUNK)], ea_v.at[b], in_sem.at[b]
        )

    def start_out(c, b):
        pltpu.async_copy(
            ea_v.at[b], out_hbm.at[pl.ds(e0 + c * _CHUNK, _CHUNK)], out_sem.at[b]
        )

    def compute(c, b):
        buf = ea_v.at[b]
        idxvs = []
        for g in range(_G):
            iv = jnp.full((16,), c * _CHUNK + g * 16, jnp.int32) + lane
            idxvs.append(plsc.load_gather(idx_v, [iv]))
        rows = [lane + g * 16 for g in range(_G)]

        for g in range(_G):

            @plsc.parallel_loop(0, _D, step=1, unroll=8)
            def _dloop(d):
                dv = (jnp.full((16,), d, jnp.int32) + lane) & (_D - 1)
                col = plsc.load_gather(w_v, [idxvs[g], dv])
                plsc.addupdate_scatter(buf, [rows[g], dv], col)

    for b in range(_NBUF):
        start_in(b, b)
    pltpu.sync_copy(w_hbm, w_v)
    pltpu.sync_copy(idx_hbm.at[pl.ds(e0, _EW)], idx_v)

    def round_body(r, carry):
        for b in range(_NBUF):
            c = r * _NBUF + b
            wait_in(b)
            compute(c, b)
            start_out(c, b)
            bp = (b + _NBUF - 2) % _NBUF

            def refill():
                wait_out(bp)
                start_in(c + _NBUF - 2, bp)

            if b <= 1:
                @pl.when(r > 0)
                def _():
                    refill()
            else:
                @pl.when(r < _ROUNDS - 1)
                def _():
                    refill()
        return carry

    lax.fori_loop(0, _ROUNDS, round_body, 0)
    for b in range(_NBUF):
        wait_out(b)


_sc_call = functools.partial(
    pl.kernel,
    out_type=jax.ShapeDtypeStruct((_E, _D), jnp.float32),
    mesh=plsc.VectorSubcoreMesh(core_axis_name="c", subcore_axis_name="s"),
    compiler_params=pltpu.CompilerParams(needs_layout_passes=False),
    scratch_types=[
        pltpu.VMEM((5, _D), jnp.float32),
        pltpu.VMEM((_EW,), jnp.int32),
        pltpu.VMEM((_NBUF, _CHUNK, _D), jnp.float32),
        pltpu.SemaphoreType.DMA((_NBUF,)),
        pltpu.SemaphoreType.DMA((_NBUF,)),
    ],
)(_sc_body)


def kernel(edge_attr, edge_onehot, W):
    return _sc_call(edge_attr, edge_onehot.astype(jnp.int32), W)

# --- scband reference (transcript-rebuilt; emitter-appended) ---
"""Pipeline reference for scband-edge-one-hot-64991445123830 (READ-ONLY COPY).

The authoritative reference and input builder live on the scoring server;
editing this copy changes nothing except your own understanding.
"""

import jax, jax.numpy as jnp
import numpy as np

E = 320000
DIM_IN = 5   # 1 + 2*len(cfg.hsg.num_hierarchy_nodes) with len == 2
DIM_OUT = 128


def setup_inputs(seed: int = 0) -> dict:
    key = jax.random.key(seed)
    k1, k2, k3 = jax.random.split(key, 3)
    edge_onehot = jax.random.randint(k1, (E,), 0, DIM_IN)
    edge_attr = jax.random.normal(k2, (E, DIM_OUT), dtype=jnp.float32)
    # learned embedding table of the nn.Embedding(dim_in, dim_out)
    W = jax.random.normal(k3, (DIM_IN, DIM_OUT), dtype=jnp.float32) * 0.02
    return {"edge_attr": edge_attr, "edge_onehot": edge_onehot, "W": W}


def reference(edge_attr, edge_onehot, W):
    # type_embs = self.model(batch.edge_onehot.long())  -> embedding gather
    type_embs = jnp.take(W, edge_onehot, axis=0)
    # cfg.hsg.mask_hsg_edges == False branch: additive combination
    new_edge_attr = type_embs + edge_attr
    return new_edge_attr

if __name__ == "__main__":
    import jax
    _d = setup_inputs()
    print(jax.jit(kernel)(*tuple(_d.values())))

</pallas_src>

<mosaic_0001>
#map = affine_map<(d0, d1) -> (0, 0)>
#map1 = affine_map<(d0, d1) -> (0)>
module attributes {stable_mosaic.version = 14 : i64} {
  func.func @_sc_body(%arg0: i32, %arg1: i32, %arg2: memref<320000x128xf32, #tpu.memory_space<hbm>>, %arg3: memref<320000xi32, #tpu.memory_space<hbm>>, %arg4: memref<5x128xf32, #tpu.memory_space<hbm>>, %arg5: memref<320000x128xf32, #tpu.memory_space<hbm>>, %arg6: memref<5x128xf32, #tpu.memory_space<vmem>>, %arg7: memref<10000xi32, #tpu.memory_space<vmem>>, %arg8: memref<5x80x128xf32, #tpu.memory_space<vmem>>, %arg9: memref<5x!tpu.dma_semaphore, #tpu.memory_space<semaphore_mem>>, %arg10: memref<5x!tpu.dma_semaphore, #tpu.memory_space<semaphore_mem>>) attributes {dimension_semantics = [#tpu.dimension_semantics<core_parallel>, #tpu.dimension_semantics<subcore_parallel>], iteration_bounds = array<i64: 2, 16>, scalar_prefetch = 0 : i64, scratch_operands = 5 : i64, tpu.core_type = #tpu.core_type<sc_vector_subcore>, window_params = [{transform_indices = #map}, {transform_indices = #map1}, {transform_indices = #map}, {transform_indices = #map}]} {
    %mul3A = arith.constant 2 : i32
    %mul3A_0 = arith.muli %arg1, %mul3A : i32
    %add3A = arith.addi %mul3A_0, %arg0 : i32
    %mul3A_1 = arith.constant 10000 : i32
    %mul3A_2 = arith.muli %add3A, %mul3A_1 : i32
    %iota3A = tpu.iota {dimensions = array<i32: 0>} : vector<16xi32>
    %add3A_3 = arith.constant 0 : i32
    %add3A_4 = arith.addi %mul3A_2, %add3A_3 : i32
    %dma_start3A = arith.constant 0 : i32
    %dma_start3A_5 = arith.constant 0 : i32
    %dma_start3A_6 = arith.constant 0 : i32
    %dma_start3A_7 = arith.constant 0 : i32
    %dma_start3A_8 = tpu.memref_slice %arg8[%dma_start3A, %dma_start3A_6, %dma_start3A_7] : memref<5x80x128xf32, #tpu.memory_space<vmem>> -> memref<1x80x128xf32, #tpu.memory_space<vmem>>
    %dma_start3A_9 = tpu.memref_squeeze %dma_start3A_8 : memref<1x80x128xf32, #tpu.memory_space<vmem>> -> memref<80x128xf32, #tpu.memory_space<vmem>>
    %dma_start3A_10 = arith.constant 0 : i32
    %dma_start3A_11 = tpu.memref_slice %arg2[%add3A_4, %dma_start3A_10] : memref<320000x128xf32, #tpu.memory_space<hbm>> -> memref<80x128xf32, #tpu.memory_space<hbm>>
    %dma_start3A_12 = tpu.memref_slice %arg9[%dma_start3A_5] : memref<5x!tpu.dma_semaphore, #tpu.memory_space<semaphore_mem>> -> memref<1x!tpu.dma_semaphore, #tpu.memory_space<semaphore_mem>>
    %dma_start3A_13 = tpu.memref_squeeze %dma_start3A_12 : memref<1x!tpu.dma_semaphore, #tpu.memory_space<semaphore_mem>> -> memref<!tpu.dma_semaphore, #tpu.memory_space<semaphore_mem>>
    %dma_start3A_14 = arith.constant 0 : i32
    %dma_start3A_15 = arith.constant 0 : i32
    %dma_start3A_16 = tpu.memref_slice %arg8[%dma_start3A, %dma_start3A_14, %dma_start3A_15] : memref<5x80x128xf32, #tpu.memory_space<vmem>> -> memref<1x80x128xf32, #tpu.memory_space<vmem>>
    %dma_start3A_17 = tpu.memref_squeeze %dma_start3A_16 : memref<1x80x128xf32, #tpu.memory_space<vmem>> -> memref<80x128xf32, #tpu.memory_space<vmem>>
    %dma_start3A_18 = arith.constant 0 : i32
    %dma_start3A_19 = tpu.memref_slice %arg2[%add3A_4, %dma_start3A_18] : memref<320000x128xf32, #tpu.memory_space<hbm>> -> memref<80x128xf32, #tpu.memory_space<hbm>>
    tpu.enqueue_dma source(%dma_start3A_19 : memref<80x128xf32, #tpu.memory_space<hbm>>) target(%dma_start3A_17 : memref<80x128xf32, #tpu.memory_space<vmem>>) target_semaphore(%dma_start3A_13 : memref<!tpu.dma_semaphore, #tpu.memory_space<semaphore_mem>>)
    %add3A_20 = arith.constant 80 : i32
    %add3A_21 = arith.addi %mul3A_2, %add3A_20 : i32
    %dma_start3A_22 = arith.constant 1 : i32
    %dma_start3A_23 = arith.constant 1 : i32
    %dma_start3A_24 = arith.constant 0 : i32
    %dma_start3A_25 = arith.constant 0 : i32
    %dma_start3A_26 = tpu.memref_slice %arg8[%dma_start3A_22, %dma_start3A_24, %dma_start3A_25] : memref<5x80x128xf32, #tpu.memory_space<vmem>> -> memref<1x80x128xf32, #tpu.memory_space<vmem>>
    %dma_start3A_27 = tpu.memref_squeeze %dma_start3A_26 : memref<1x80x128xf32, #tpu.memory_space<vmem>> -> memref<80x128xf32, #tpu.memory_space<vmem>>
    %dma_start3A_28 = arith.constant 0 : i32
    %dma_start3A_29 = tpu.memref_slice %arg2[%add3A_21, %dma_start3A_28] : memref<320000x128xf32, #tpu.memory_space<hbm>> -> memref<80x128xf32, #tpu.memory_space<hbm>>
    %dma_start3A_30 = tpu.memref_slice %arg9[%dma_start3A_23] : memref<5x!tpu.dma_semaphore, #tpu.memory_space<semaphore_mem>> -> memref<1x!tpu.dma_semaphore, #tpu.memory_space<semaphore_mem>>
    %dma_start3A_31 = tpu.memref_squeeze %dma_start3A_30 : memref<1x!tpu.dma_semaphore, #tpu.memory_space<semaphore_mem>> -> memref<!tpu.dma_semaphore, #tpu.memory_space<semaphore_mem>>
    %dma_start3A_32 = arith.constant 0 : i32
    %dma_start3A_33 = arith.constant 0 : i32
    %dma_start3A_34 = tpu.memref_slice %arg8[%dma_start3A_22, %dma_start3A_32, %dma_start3A_33] : memref<5x80x128xf32, #tpu.memory_space<vmem>> -> memref<1x80x128xf32, #tpu.memory_space<vmem>>
    %dma_start3A_35 = tpu.memref_squeeze %dma_start3A_34 : memref<1x80x128xf32, #tpu.memory_space<vmem>> -> memref<80x128xf32, #tpu.memory_space<vmem>>
    %dma_start3A_36 = arith.constant 0 : i32
    %dma_start3A_37 = tpu.memref_slice %arg2[%add3A_21, %dma_start3A_36] : memref<320000x128xf32, #tpu.memory_space<hbm>> -> memref<80x128xf32, #tpu.memory_space<hbm>>
    tpu.enqueue_dma source(%dma_start3A_37 : memref<80x128xf32, #tpu.memory_space<hbm>>) target(%dma_start3A_35 : memref<80x128xf32, #tpu.memory_space<vmem>>) target_semaphore(%dma_start3A_31 : memref<!tpu.dma_semaphore, #tpu.memory_space<semaphore_mem>>)
    %add3A_38 = arith.constant 160 : i32
    %add3A_39 = arith.addi %mul3A_2, %add3A_38 : i32
    %dma_start3A_40 = arith.constant 2 : i32
    %dma_start3A_41 = arith.constant 2 : i32
    %dma_start3A_42 = arith.constant 0 : i32
    %dma_start3A_43 = arith.constant 0 : i32
    %dma_start3A_44 = tpu.memref_slice %arg8[%dma_start3A_40, %dma_start3A_42, %dma_start3A_43] : memref<5x80x128xf32, #tpu.memory_space<vmem>> -> memref<1x80x128xf32, #tpu.memory_space<vmem>>
    %dma_start3A_45 = tpu.memref_squeeze %dma_start3A_44 : memref<1x80x128xf32, #tpu.memory_space<vmem>> -> memref<80x128xf32, #tpu.memory_space<vmem>>
    %dma_start3A_46 = arith.constant 0 : i32
    %dma_start3A_47 = tpu.memref_slice %arg2[%add3A_39, %dma_start3A_46] : memref<320000x128xf32, #tpu.memory_space<hbm>> -> memref<80x128xf32, #tpu.memory_space<hbm>>
    %dma_start3A_48 = tpu.memref_slice %arg9[%dma_start3A_41] : memref<5x!tpu.dma_semaphore, #tpu.memory_space<semaphore_mem>> -> memref<1x!tpu.dma_semaphore, #tpu.memory_space<semaphore_mem>>
    %dma_start3A_49 = tpu.memref_squeeze %dma_start3A_48 : memref<1x!tpu.dma_semaphore, #tpu.memory_space<semaphore_mem>> -> memref<!tpu.dma_semaphore, #tpu.memory_space<semaphore_mem>>
    %dma_start3A_50 = arith.constant 0 : i32
    %dma_start3A_51 = arith.constant 0 : i32
    %dma_start3A_52 = tpu.memref_slice %arg8[%dma_start3A_40, %dma_start3A_50, %dma_start3A_51] : memref<5x80x128xf32, #tpu.memory_space<vmem>> -> memref<1x80x128xf32, #tpu.memory_space<vmem>>
    %dma_start3A_53 = tpu.memref_squeeze %dma_start3A_52 : memref<1x80x128xf32, #tpu.memory_space<vmem>> -> memref<80x128xf32, #tpu.memory_space<vmem>>
    %dma_start3A_54 = arith.constant 0 : i32
    %dma_start3A_55 = tpu.memref_slice %arg2[%add3A_39, %dma_start3A_54] : memref<320000x128xf32, #tpu.memory_space<hbm>> -> memref<80x128xf32, #tpu.memory_space<hbm>>
    tpu.enqueue_dma source(%dma_start3A_55 : memref<80x128xf32, #tpu.memory_space<hbm>>) target(%dma_start3A_53 : memref<80x128xf32, #tpu.memory_space<vmem>>) target_semaphore(%dma_start3A_49 : memref<!tpu.dma_semaphore, #tpu.memory_space<semaphore_mem>>)
    %add3A_56 = arith.constant 240 : i32
    %add3A_57 = arith.addi %mul3A_2, %add3A_56 : i32
    %dma_start3A_58 = arith.constant 3 : i32
    %dma_start3A_59 = arith.constant 3 : i32
    %dma_start3A_60 = arith.constant 0 : i32
    %dma_start3A_61 = arith.constant 0 : i32
    %dma_start3A_62 = tpu.memref_slice %arg8[%dma_start3A_58, %dma_start3A_60, %dma_start3A_61] : memref<5x80x128xf32, #tpu.memory_space<vmem>> -> memref<1x80x128xf32, #tpu.memory_space<vmem>>
    %dma_start3A_63 = tpu.memref_squeeze %dma_start3A_62 : memref<1x80x128xf32, #tpu.memory_space<vmem>> -> memref<80x128xf32, #tpu.memory_space<vmem>>
    %dma_start3A_64 = arith.constant 0 : i32
    %dma_start3A_65 = tpu.memref_slice %arg2[%add3A_57, %dma_start3A_64] : memref<320000x128xf32, #tpu.memory_space<hbm>> -> memref<80x128xf32, #tpu.memory_space<hbm>>
    %dma_start3A_66 = tpu.memref_slice %arg9[%dma_start3A_59] : memref<5x!tpu.dma_semaphore, #tpu.memory_space<semaphore_mem>> -> memref<1x!tpu.dma_semaphore, #tpu.memory_space<semaphore_mem>>
    %dma_start3A_67 = tpu.memref_squeeze %dma_start3A_66 : memref<1x!tpu.dma_semaphore, #tpu.memory_space<semaphore_mem>> -> memref<!tpu.dma_semaphore, #tpu.memory_space<semaphore_mem>>
    %dma_start3A_68 = arith.constant 0 : i32
    %dma_start3A_69 = arith.constant 0 : i32
    %dma_start3A_70 = tpu.memref_slice %arg8[%dma_start3A_58, %dma_start3A_68, %dma_start3A_69] : memref<5x80x128xf32, #tpu.memory_space<vmem>> -> memref<1x80x128xf32, #tpu.memory_space<vmem>>
    %dma_start3A_71 = tpu.memref_squeeze %dma_start3A_70 : memref<1x80x128xf32, #tpu.memory_space<vmem>> -> memref<80x128xf32, #tpu.memory_space<vmem>>
    %dma_start3A_72 = arith.constant 0 : i32
    %dma_start3A_73 = tpu.memref_slice %arg2[%add3A_57, %dma_start3A_72] : memref<320000x128xf32, #tpu.memory_space<hbm>> -> memref<80x128xf32, #tpu.memory_space<hbm>>
    tpu.enqueue_dma source(%dma_start3A_73 : memref<80x128xf32, #tpu.memory_space<hbm>>) target(%dma_start3A_71 : memref<80x128xf32, #tpu.memory_space<vmem>>) target_semaphore(%dma_start3A_67 : memref<!tpu.dma_semaphore, #tpu.memory_space<semaphore_mem>>)
    %add3A_74 = arith.constant 320 : i32
    %add3A_75 = arith.addi %mul3A_2, %add3A_74 : i32
    %dma_start3A_76 = arith.constant 4 : i32
    %dma_start3A_77 = arith.constant 4 : i32
    %dma_start3A_78 = arith.constant 0 : i32
    %dma_start3A_79 = arith.constant 0 : i32
    %dma_start3A_80 = tpu.memref_slice %arg8[%dma_start3A_76, %dma_start3A_78, %dma_start3A_79] : memref<5x80x128xf32, #tpu.memory_space<vmem>> -> memref<1x80x128xf32, #tpu.memory_space<vmem>>
    %dma_start3A_81 = tpu.memref_squeeze %dma_start3A_80 : memref<1x80x128xf32, #tpu.memory_space<vmem>> -> memref<80x128xf32, #tpu.memory_space<vmem>>
    %dma_start3A_82 = arith.constant 0 : i32
    %dma_start3A_83 = tpu.memref_slice %arg2[%add3A_75, %dma_start3A_82] : memref<320000x128xf32, #tpu.memory_space<hbm>> -> memref<80x128xf32, #tpu.memory_space<hbm>>
    %dma_start3A_84 = tpu.memref_slice %arg9[%dma_start3A_77] : memref<5x!tpu.dma_semaphore, #tpu.memory_space<semaphore_mem>> -> memref<1x!tpu.dma_semaphore, #tpu.memory_space<semaphore_mem>>
    %dma_start3A_85 = tpu.memref_squeeze %dma_start3A_84 : memref<1x!tpu.dma_semaphore, #tpu.memory_space<semaphore_mem>> -> memref<!tpu.dma_semaphore, #tpu.memory_space<semaphore_mem>>
    %dma_start3A_86 = arith.constant 0 : i32
    %dma_start3A_87 = arith.constant 0 : i32
    %dma_start3A_88 = tpu.memref_slice %arg8[%dma_start3A_76, %dma_start3A_86, %dma_start3A_87] : memref<5x80x128xf32, #tpu.memory_space<vmem>> -> memref<1x80x128xf32, #tpu.memory_space<vmem>>
    %dma_start3A_89 = tpu.memref_squeeze %dma_start3A_88 : memref<1x80x128xf32, #tpu.memory_space<vmem>> -> memref<80x128xf32, #tpu.memory_space<vmem>>
    %dma_start3A_90 = arith.constant 0 : i32
    %dma_start3A_91 = tpu.memref_slice %arg2[%add3A_75, %dma_start3A_90] : memref<320000x128xf32, #tpu.memory_space<hbm>> -> memref<80x128xf32, #tpu.memory_space<hbm>>
    tpu.enqueue_dma source(%dma_start3A_91 : memref<80x128xf32, #tpu.memory_space<hbm>>) target(%dma_start3A_89 : memref<80x128xf32, #tpu.memory_space<vmem>>) target_semaphore(%dma_start3A_85 : memref<!tpu.dma_semaphore, #tpu.memory_space<semaphore_mem>>)
    "tpu.region"() ({
      %run_scoped3A = tpu.sem_alloc : memref<!tpu.dma_semaphore, #tpu.memory_space<semaphore_mem>>
      tpu.enqueue_dma source(%arg4 : memref<5x128xf32, #tpu.memory_space<hbm>>) target(%arg6 : memref<5x128xf32, #tpu.memory_space<vmem>>) target_semaphore(%run_scoped3A : memref<!tpu.dma_semaphore, #tpu.memory_space<semaphore_mem>>)
      tpu.wait_dma2 semaphore(%run_scoped3A : memref<!tpu.dma_semaphore, #tpu.memory_space<semaphore_mem>>) src(%arg4 : memref<5x128xf32, #tpu.memory_space<hbm>>) dst(%arg6 : memref<5x128xf32, #tpu.memory_space<vmem>>)
      tpu.yield
    }) : () -> ()
    "tpu.region"() ({
      %run_scoped3A = tpu.sem_alloc : memref<!tpu.dma_semaphore, #tpu.memory_space<semaphore_mem>>
      %dma_start3A_186 = tpu.memref_slice %arg3[%mul3A_2] : memref<320000xi32, #tpu.memory_space<hbm>> -> memref<10000xi32, #tpu.memory_space<hbm>>
      %dma_start3A_187 = tpu.memref_slice %arg3[%mul3A_2] : memref<320000xi32, #tpu.memory_space<hbm>> -> memref<10000xi32, #tpu.memory_space<hbm>>
      tpu.enqueue_dma source(%dma_start3A_187 : memref<10000xi32, #tpu.memory_space<hbm>>) target(%arg7 : memref<10000xi32, #tpu.memory_space<vmem>>) target_semaphore(%run_scoped3A : memref<!tpu.dma_semaphore, #tpu.memory_space<semaphore_mem>>)
      %dma_wait3A_188 = tpu.memref_slice %arg3[%mul3A_2] : memref<320000xi32, #tpu.memory_space<hbm>> -> memref<10000xi32, #tpu.memory_space<hbm>>
      %dma_wait3A_189 = tpu.memref_slice %arg3[%mul3A_2] : memref<320000xi32, #tpu.memory_space<hbm>> -> memref<10000xi32, #tpu.memory_space<hbm>>
      tpu.wait_dma2 semaphore(%run_scoped3A : memref<!tpu.dma_semaphore, #tpu.memory_space<semaphore_mem>>) src(%dma_wait3A_189 : memref<10000xi32, #tpu.memory_space<hbm>>) dst(%arg7 : memref<10000xi32, #tpu.memory_space<vmem>>)
      tpu.yield
    }) : () -> ()
    %scan3A = arith.constant 0 : i32
    %scan3A_92 = arith.constant 0 : i32
    %scan3A_93 = arith.constant 25 : i32
    %scan3A_94 = arith.addi %scan3A_92, %scan3A_93 : i32
    %scan3A_95 = arith.constant 1 : i32
    scf.for %scan3A_186 = %scan3A_92 to %scan3A_94 step %scan3A_95  : i32 {
      %mul3A_187 = arith.constant 5 : i32
      %mul3A_188 = arith.muli %scan3A_186, %mul3A_187 : i32
      %add3A_189 = arith.constant 0 : i32
      %add3A_190 = arith.addi %mul3A_188, %add3A_189 : i32
      %dma_wait3A_191 = arith.constant 0 : i32
      %dma_wait3A_192 = arith.constant 0 : i32
      %dma_wait3A_193 = arith.constant 0 : i32
      %dma_wait3A_194 = arith.constant 0 : i32
      %dma_wait3A_195 = tpu.memref_slice %arg8[%dma_wait3A_191, %dma_wait3A_193, %dma_wait3A_194] : memref<5x80x128xf32, #tpu.memory_space<vmem>> -> memref<1x80x128xf32, #tpu.memory_space<vmem>>
      %dma_wait3A_196 = tpu.memref_squeeze %dma_wait3A_195 : memref<1x80x128xf32, #tpu.memory_space<vmem>> -> memref<80x128xf32, #tpu.memory_space<vmem>>
      %dma_wait3A_197 = arith.constant 0 : i32
      %dma_wait3A_198 = arith.constant 0 : i32
      %dma_wait3A_199 = tpu.memref_slice %arg2[%dma_wait3A_197, %dma_wait3A_198] : memref<320000x128xf32, #tpu.memory_space<hbm>> -> memref<80x128xf32, #tpu.memory_space<hbm>>
      %dma_wait3A_200 = tpu.memref_slice %arg9[%dma_wait3A_192] : memref<5x!tpu.dma_semaphore, #tpu.memory_space<semaphore_mem>> -> memref<1x!tpu.dma_semaphore, #tpu.memory_space<semaphore_mem>>
      %dma_wait3A_201 = tpu.memref_squeeze %dma_wait3A_200 : memref<1x!tpu.dma_semaphore, #tpu.memory_space<semaphore_mem>> -> memref<!tpu.dma_semaphore, #tpu.memory_space<semaphore_mem>>
      %dma_wait3A_202 = arith.constant 0 : i32
      %dma_wait3A_203 = arith.constant 0 : i32
      %dma_wait3A_204 = tpu.memref_slice %arg8[%dma_wait3A_191, %dma_wait3A_202, %dma_wait3A_203] : memref<5x80x128xf32, #tpu.memory_space<vmem>> -> memref<1x80x128xf32, #tpu.memory_space<vmem>>
      %dma_wait3A_205 = tpu.memref_squeeze %dma_wait3A_204 : memref<1x80x128xf32, #tpu.memory_space<vmem>> -> memref<80x128xf32, #tpu.memory_space<vmem>>
      %dma_wait3A_206 = arith.constant 0 : i32
      %dma_wait3A_207 = arith.constant 0 : i32
      %dma_wait3A_208 = tpu.memref_slice %arg2[%dma_wait3A_206, %dma_wait3A_207] : memref<320000x128xf32, #tpu.memory_space<hbm>> -> memref<80x128xf32, #tpu.memory_space<hbm>>
      tpu.wait_dma2 semaphore(%dma_wait3A_201 : memref<!tpu.dma_semaphore, #tpu.memory_space<semaphore_mem>>) src(%dma_wait3A_208 : memref<80x128xf32, #tpu.memory_space<hbm>>) dst(%dma_wait3A_205 : memref<80x128xf32, #tpu.memory_space<vmem>>)
      %mul3A_209 = arith.constant 80 : i32
      %mul3A_210 = arith.muli %add3A_190, %mul3A_209 : i32
      %add3A_211 = arith.constant 0 : i32
      %add3A_212 = arith.addi %mul3A_210, %add3A_211 : i32
      %broadcast_in_dim3A = vector.broadcast %add3A_212 : i32 to vector<16xi32>
      %add3A_213 = arith.addi %broadcast_in_dim3A, %iota3A : vector<16xi32>
      %gather3A = tpu.vector_load_idx %arg7[%add3A_213] : memref<10000xi32, #tpu.memory_space<vmem>>[vector<16xi32>], vector<16xi32>,
      %mul3A_214 = arith.constant 80 : i32
      %mul3A_215 = arith.muli %add3A_190, %mul3A_214 : i32
      %add3A_216 = arith.constant 16 : i32
      %add3A_217 = arith.addi %mul3A_215, %add3A_216 : i32
      %broadcast_in_dim3A_218 = vector.broadcast %add3A_217 : i32 to vector<16xi32>
      %add3A_219 = arith.addi %broadcast_in_dim3A_218, %iota3A : vector<16xi32>
      %gather3A_220 = tpu.vector_load_idx %arg7[%add3A_219] : memref<10000xi32, #tpu.memory_space<vmem>>[vector<16xi32>], vector<16xi32>,
      %mul3A_221 = arith.constant 80 : i32
      %mul3A_222 = arith.muli %add3A_190, %mul3A_221 : i32
      %add3A_223 = arith.constant 32 : i32
      %add3A_224 = arith.addi %mul3A_222, %add3A_223 : i32
      %broadcast_in_dim3A_225 = vector.broadcast %add3A_224 : i32 to vector<16xi32>
      %add3A_226 = arith.addi %broadcast_in_dim3A_225, %iota3A : vector<16xi32>
      %gather3A_227 = tpu.vector_load_idx %arg7[%add3A_226] : memref<10000xi32, #tpu.memory_space<vmem>>[vector<16xi32>], vector<16xi32>,
      %mul3A_228 = arith.constant 80 : i32
      %mul3A_229 = arith.muli %add3A_190, %mul3A_228 : i32
      %add3A_230 = arith.constant 48 : i32
      %add3A_231 = arith.addi %mul3A_229, %add3A_230 : i32
      %broadcast_in_dim3A_232 = vector.broadcast %add3A_231 : i32 to vector<16xi32>
      %add3A_233 = arith.addi %broadcast_in_dim3A_232, %iota3A : vector<16xi32>
      %gather3A_234 = tpu.vector_load_idx %arg7[%add3A_233] : memref<10000xi32, #tpu.memory_space<vmem>>[vector<16xi32>], vector<16xi32>,
      %mul3A_235 = arith.constant 80 : i32
      %mul3A_236 = arith.muli %add3A_190, %mul3A_235 : i32
      %add3A_237 = arith.constant 64 : i32
      %add3A_238 = arith.addi %mul3A_236, %add3A_237 : i32
      %broadcast_in_dim3A_239 = vector.broadcast %add3A_238 : i32 to vector<16xi32>
      %add3A_240 = arith.addi %broadcast_in_dim3A_239, %iota3A : vector<16xi32>
      %gather3A_241 = tpu.vector_load_idx %arg7[%add3A_240] : memref<10000xi32, #tpu.memory_space<vmem>>[vector<16xi32>], vector<16xi32>,
      %add3A_242 = arith.constant 0 : i32
      %add3A_243 = vector.broadcast %add3A_242 : i32 to vector<16xi32>
      %add3A_244 = arith.addi %iota3A, %add3A_243 : vector<16xi32>
      %add3A_245 = arith.constant 16 : i32
      %add3A_246 = vector.broadcast %add3A_245 : i32 to vector<16xi32>
      %add3A_247 = arith.addi %iota3A, %add3A_246 : vector<16xi32>
      %add3A_248 = arith.constant 32 : i32
      %add3A_249 = vector.broadcast %add3A_248 : i32 to vector<16xi32>
      %add3A_250 = arith.addi %iota3A, %add3A_249 : vector<16xi32>
      %add3A_251 = arith.constant 48 : i32
      %add3A_252 = vector.broadcast %add3A_251 : i32 to vector<16xi32>
      %add3A_253 = arith.addi %iota3A, %add3A_252 : vector<16xi32>
      %add3A_254 = arith.constant 64 : i32
      %add3A_255 = vector.broadcast %add3A_254 : i32 to vector<16xi32>
      %add3A_256 = arith.addi %iota3A, %add3A_255 : vector<16xi32>
      %parallel_loop3A = arith.constant 0 : i32
      %parallel_loop3A_257 = arith.constant 128 : i32
      %parallel_loop3A_258 = arith.constant 1 : i32
      %parallel_loop3A_259 = arith.constant 0 : i32
      scf.for %parallel_loop3A_760 = %parallel_loop3A to %parallel_loop3A_257 step %parallel_loop3A_258  : i32 {
        %parallel_loop3A_761 = vector.broadcast %parallel_loop3A_760 : i32 to vector<16xi32>
        %parallel_loop3A_762 = arith.addi %parallel_loop3A_761, %iota3A : vector<16xi32>
        %parallel_loop3A_763 = arith.constant 127 : i32
        %parallel_loop3A_764 = vector.broadcast %parallel_loop3A_763 : i32 to vector<16xi32>
        %parallel_loop3A_765 = arith.andi %parallel_loop3A_762, %parallel_loop3A_764 : vector<16xi32>
        %parallel_loop3A_766 = tpu.vector_load_idx %arg6[%gather3A, %parallel_loop3A_765] : memref<5x128xf32, #tpu.memory_space<vmem>>[vector<16xi32>, vector<16xi32>], vector<16xf32>,
        %parallel_loop3A_767 = arith.constant 0 : i32
        %parallel_loop3A_768 = arith.constant 0 : i32
        %parallel_loop3A_769 = tpu.memref_slice %arg8[%parallel_loop3A_259, %parallel_loop3A_767, %parallel_loop3A_768] : memref<5x80x128xf32, #tpu.memory_space<vmem>> -> memref<1x80x128xf32, #tpu.memory_space<vmem>>
        %parallel_loop3A_770 = tpu.memref_squeeze %parallel_loop3A_769 : memref<1x80x128xf32, #tpu.memory_space<vmem>> -> memref<80x128xf32, #tpu.memory_space<vmem>>
        tpu.vector_store_idx %parallel_loop3A_770[%add3A_244, %parallel_loop3A_765], %parallel_loop3A_766 {add = true} : memref<80x128xf32, #tpu.memory_space<vmem>>[vector<16xi32>, vector<16xi32>], vector<16xf32>,
      } {sc.loop_unroll_factor = 8 : i64, sc.parallel_access}
      %parallel_loop3A_260 = arith.constant 0 : i32
      %parallel_loop3A_261 = arith.constant 128 : i32
      %parallel_loop3A_262 = arith.constant 1 : i32
      %parallel_loop3A_263 = arith.constant 0 : i32
      scf.for %parallel_loop3A_760 = %parallel_loop3A_260 to %parallel_loop3A_261 step %parallel_loop3A_262  : i32 {
        %parallel_loop3A_761 = vector.broadcast %parallel_loop3A_760 : i32 to vector<16xi32>
        %parallel_loop3A_762 = arith.addi %parallel_loop3A_761, %iota3A : vector<16xi32>
        %parallel_loop3A_763 = arith.constant 127 : i32
        %parallel_loop3A_764 = vector.broadcast %parallel_loop3A_763 : i32 to vector<16xi32>
        %parallel_loop3A_765 = arith.andi %parallel_loop3A_762, %parallel_loop3A_764 : vector<16xi32>
        %parallel_loop3A_766 = tpu.vector_load_idx %arg6[%gather3A_220, %parallel_loop3A_765] : memref<5x128xf32, #tpu.memory_space<vmem>>[vector<16xi32>, vector<16xi32>], vector<16xf32>,
        %parallel_loop3A_767 = arith.constant 0 : i32
        %parallel_loop3A_768 = arith.constant 0 : i32
        %parallel_loop3A_769 = tpu.memref_slice %arg8[%parallel_loop3A_263, %parallel_loop3A_767, %parallel_loop3A_768] : memref<5x80x128xf32, #tpu.memory_space<vmem>> -> memref<1x80x128xf32, #tpu.memory_space<vmem>>
        %parallel_loop3A_770 = tpu.memref_squeeze %parallel_loop3A_769 : memref<1x80x128xf32, #tpu.memory_space<vmem>> -> memref<80x128xf32, #tpu.memory_space<vmem>>
        tpu.vector_store_idx %parallel_loop3A_770[%add3A_247, %parallel_loop3A_765], %parallel_loop3A_766 {add = true} : memref<80x128xf32, #tpu.memory_space<vmem>>[vector<16xi32>, vector<16xi32>], vector<16xf32>,
      } {sc.loop_unroll_factor = 8 : i64, sc.parallel_access}
      %parallel_loop3A_264 = arith.constant 0 : i32
      %parallel_loop3A_265 = arith.constant 128 : i32
      %parallel_loop3A_266 = arith.constant 1 : i32
      %parallel_loop3A_267 = arith.constant 0 : i32
      scf.for %parallel_loop3A_760 = %parallel_loop3A_264 to %parallel_loop3A_265 step %parallel_loop3A_266  : i32 {
        %parallel_loop3A_761 = vector.broadcast %parallel_loop3A_760 : i32 to vector<16xi32>
        %parallel_loop3A_762 = arith.addi %parallel_loop3A_761, %iota3A : vector<16xi32>
        %parallel_loop3A_763 = arith.constant 127 : i32
        %parallel_loop3A_764 = vector.broadcast %parallel_loop3A_763 : i32 to vector<16xi32>
        %parallel_loop3A_765 = arith.andi %parallel_loop3A_762, %parallel_loop3A_764 : vector<16xi32>
        %parallel_loop3A_766 = tpu.vector_load_idx %arg6[%gather3A_227, %parallel_loop3A_765] : memref<5x128xf32, #tpu.memory_space<vmem>>[vector<16xi32>, vector<16xi32>], vector<16xf32>,
        %parallel_loop3A_767 = arith.constant 0 : i32
        %parallel_loop3A_768 = arith.constant 0 : i32
        %parallel_loop3A_769 = tpu.memref_slice %arg8[%parallel_loop3A_267, %parallel_loop3A_767, %parallel_loop3A_768] : memref<5x80x128xf32, #tpu.memory_space<vmem>> -> memref<1x80x128xf32, #tpu.memory_space<vmem>>
        %parallel_loop3A_770 = tpu.memref_squeeze %parallel_loop3A_769 : memref<1x80x128xf32, #tpu.memory_space<vmem>> -> memref<80x128xf32, #tpu.memory_space<vmem>>
        tpu.vector_store_idx %parallel_loop3A_770[%add3A_250, %parallel_loop3A_765], %parallel_loop3A_766 {add = true} : memref<80x128xf32, #tpu.memory_space<vmem>>[vector<16xi32>, vector<16xi32>], vector<16xf32>,
      } {sc.loop_unroll_factor = 8 : i64, sc.parallel_access}
      %parallel_loop3A_268 = arith.constant 0 : i32
      %parallel_loop3A_269 = arith.constant 128 : i32
      %parallel_loop3A_270 = arith.constant 1 : i32
      %parallel_loop3A_271 = arith.constant 0 : i32
      scf.for %parallel_loop3A_760 = %parallel_loop3A_268 to %parallel_loop3A_269 step %parallel_loop3A_270  : i32 {
        %parallel_loop3A_761 = vector.broadcast %parallel_loop3A_760 : i32 to vector<16xi32>
        %parallel_loop3A_762 = arith.addi %parallel_loop3A_761, %iota3A : vector<16xi32>
        %parallel_loop3A_763 = arith.constant 127 : i32
        %parallel_loop3A_764 = vector.broadcast %parallel_loop3A_763 : i32 to vector<16xi32>
        %parallel_loop3A_765 = arith.andi %parallel_loop3A_762, %parallel_loop3A_764 : vector<16xi32>
        %parallel_loop3A_766 = tpu.vector_load_idx %arg6[%gather3A_234, %parallel_loop3A_765] : memref<5x128xf32, #tpu.memory_space<vmem>>[vector<16xi32>, vector<16xi32>], vector<16xf32>,
        %parallel_loop3A_767 = arith.constant 0 : i32
        %parallel_loop3A_768 = arith.constant 0 : i32
        %parallel_loop3A_769 = tpu.memref_slice %arg8[%parallel_loop3A_271, %parallel_loop3A_767, %parallel_loop3A_768] : memref<5x80x128xf32, #tpu.memory_space<vmem>> -> memref<1x80x128xf32, #tpu.memory_space<vmem>>
        %parallel_loop3A_770 = tpu.memref_squeeze %parallel_loop3A_769 : memref<1x80x128xf32, #tpu.memory_space<vmem>> -> memref<80x128xf32, #tpu.memory_space<vmem>>
        tpu.vector_store_idx %parallel_loop3A_770[%add3A_253, %parallel_loop3A_765], %parallel_loop3A_766 {add = true} : memref<80x128xf32, #tpu.memory_space<vmem>>[vector<16xi32>, vector<16xi32>], vector<16xf32>,
      } {sc.loop_unroll_factor = 8 : i64, sc.parallel_access}
      %parallel_loop3A_272 = arith.constant 0 : i32
      %parallel_loop3A_273 = arith.constant 128 : i32
      %parallel_loop3A_274 = arith.constant 1 : i32
      %parallel_loop3A_275 = arith.constant 0 : i32
      scf.for %parallel_loop3A_760 = %parallel_loop3A_272 to %parallel_loop3A_273 step %parallel_loop3A_274  : i32 {
        %parallel_loop3A_761 = vector.broadcast %parallel_loop3A_760 : i32 to vector<16xi32>
        %parallel_loop3A_762 = arith.addi %parallel_loop3A_761, %iota3A : vector<16xi32>
        %parallel_loop3A_763 = arith.constant 127 : i32
        %parallel_loop3A_764 = vector.broadcast %parallel_loop3A_763 : i32 to vector<16xi32>
        %parallel_loop3A_765 = arith.andi %parallel_loop3A_762, %parallel_loop3A_764 : vector<16xi32>
        %parallel_loop3A_766 = tpu.vector_load_idx %arg6[%gather3A_241, %parallel_loop3A_765] : memref<5x128xf32, #tpu.memory_space<vmem>>[vector<16xi32>, vector<16xi32>], vector<16xf32>,
        %parallel_loop3A_767 = arith.constant 0 : i32
        %parallel_loop3A_768 = arith.constant 0 : i32
        %parallel_loop3A_769 = tpu.memref_slice %arg8[%parallel_loop3A_275, %parallel_loop3A_767, %parallel_loop3A_768] : memref<5x80x128xf32, #tpu.memory_space<vmem>> -> memref<1x80x128xf32, #tpu.memory_space<vmem>>
        %parallel_loop3A_770 = tpu.memref_squeeze %parallel_loop3A_769 : memref<1x80x128xf32, #tpu.memory_space<vmem>> -> memref<80x128xf32, #tpu.memory_space<vmem>>
        tpu.vector_store_idx %parallel_loop3A_770[%add3A_256, %parallel_loop3A_765], %parallel_loop3A_766 {add = true} : memref<80x128xf32, #tpu.memory_space<vmem>>[vector<16xi32>, vector<16xi32>], vector<16xf32>,
      } {sc.loop_unroll_factor = 8 : i64, sc.parallel_access}
      %mul3A_276 = arith.constant 80 : i32
      %mul3A_277 = arith.muli %add3A_190, %mul3A_276 : i32
      %add3A_278 = arith.addi %mul3A_2, %mul3A_277 : i32
      %dma_start3A_279 = arith.constant 0 : i32
      %dma_start3A_280 = arith.constant 0 : i32
      %dma_start3A_281 = arith.constant 0 : i32
      %dma_start3A_282 = arith.constant 0 : i32
      %dma_start3A_283 = tpu.memref_slice %arg8[%dma_start3A_279, %dma_start3A_281, %dma_start3A_282] : memref<5x80x128xf32, #tpu.memory_space<vmem>> -> memref<1x80x128xf32, #tpu.memory_space<vmem>>
      %dma_start3A_284 = tpu.memref_squeeze %dma_start3A_283 : memref<1x80x128xf32, #tpu.memory_space<vmem>> -> memref<80x128xf32, #tpu.memory_space<vmem>>
      %dma_start3A_285 = arith.constant 0 : i32
      %dma_start3A_286 = tpu.memref_slice %arg5[%add3A_278, %dma_start3A_285] : memref<320000x128xf32, #tpu.memory_space<hbm>> -> memref<80x128xf32, #tpu.memory_space<hbm>>
      %dma_start3A_287 = tpu.memref_slice %arg10[%dma_start3A_280] : memref<5x!tpu.dma_semaphore, #tpu.memory_space<semaphore_mem>> -> memref<1x!tpu.dma_semaphore, #tpu.memory_space<semaphore_mem>>
      %dma_start3A_288 = tpu.memref_squeeze %dma_start3A_287 : memref<1x!tpu.dma_semaphore, #tpu.memory_space<semaphore_mem>> -> memref<!tpu.dma_semaphore, #tpu.memory_space<semaphore_mem>>
      %dma_start3A_289 = arith.constant 0 : i32
      %dma_start3A_290 = tpu.memref_slice %arg5[%add3A_278, %dma_start3A_289] : memref<320000x128xf32, #tpu.memory_space<hbm>> -> memref<80x128xf32, #tpu.memory_space<hbm>>
      %dma_start3A_291 = arith.constant 0 : i32
      %dma_start3A_292 = arith.constant 0 : i32
      %dma_start3A_293 = tpu.memref_slice %arg8[%dma_start3A_279, %dma_start3A_291, %dma_start3A_292] : memref<5x80x128xf32, #tpu.memory_space<vmem>> -> memref<1x80x128xf32, #tpu.memory_space<vmem>>
      %dma_start3A_294 = tpu.memref_squeeze %dma_start3A_293 : memref<1x80x128xf32, #tpu.memory_space<vmem>> -> memref<80x128xf32, #tpu.memory_space<vmem>>
      tpu.enqueue_dma source(%dma_start3A_294 : memref<80x128xf32, #tpu.memory_space<vmem>>) target(%dma_start3A_290 : memref<80x128xf32, #tpu.memory_space<hbm>>) target_semaphore(%dma_start3A_288 : memref<!tpu.dma_semaphore, #tpu.memory_space<semaphore_mem>>)
      %gt3A = arith.constant 0 : i32
      %gt3A_295 = arith.cmpi sgt, %scan3A_186, %gt3A : i32
      %convert_element_type3A = arith.extui %gt3A_295 : i1 to i32
      %cond3A = arith.constant 0 : i32
      %cond3A_296 = arith.cmpi ne, %convert_element_type3A, %cond3A : i32
      scf.if %cond3A_296 {
        %dma_wait3A_760 = arith.constant 3 : i32
        %dma_wait3A_761 = arith.constant 3 : i32
        %dma_wait3A_762 = arith.constant 0 : i32
        %dma_wait3A_763 = arith.constant 0 : i32
        %dma_wait3A_764 = tpu.memref_slice %arg8[%dma_wait3A_760, %dma_wait3A_762, %dma_wait3A_763] : memref<5x80x128xf32, #tpu.memory_space<vmem>> -> memref<1x80x128xf32, #tpu.memory_space<vmem>>
        %dma_wait3A_765 = tpu.memref_squeeze %dma_wait3A_764 : memref<1x80x128xf32, #tpu.memory_space<vmem>> -> memref<80x128xf32, #tpu.memory_space<vmem>>
        %dma_wait3A_766 = arith.constant 0 : i32
        %dma_wait3A_767 = arith.constant 0 : i32
        %dma_wait3A_768 = tpu.memref_slice %arg5[%dma_wait3A_766, %dma_wait3A_767] : memref<320000x128xf32, #tpu.memory_space<hbm>> -> memref<80x128xf32, #tpu.memory_space<hbm>>
        %dma_wait3A_769 = tpu.memref_slice %arg10[%dma_wait3A_761] : memref<5x!tpu.dma_semaphore, #tpu.memory_space<semaphore_mem>> -> memref<1x!tpu.dma_semaphore, #tpu.memory_space<semaphore_mem>>
        %dma_wait3A_770 = tpu.memref_squeeze %dma_wait3A_769 : memref<1x!tpu.dma_semaphore, #tpu.memory_space<semaphore_mem>> -> memref<!tpu.dma_semaphore, #tpu.memory_space<semaphore_mem>>
        %dma_wait3A_771 = arith.constant 0 : i32
        %dma_wait3A_772 = arith.constant 0 : i32
        %dma_wait3A_773 = tpu.memref_slice %arg5[%dma_wait3A_771, %dma_wait3A_772] : memref<320000x128xf32, #tpu.memory_space<hbm>> -> memref<80x128xf32, #tpu.memory_space<hbm>>
        %dma_wait3A_774 = arith.constant 0 : i32
        %dma_wait3A_775 = arith.constant 0 : i32
        %dma_wait3A_776 = tpu.memref_slice %arg8[%dma_wait3A_760, %dma_wait3A_774, %dma_wait3A_775] : memref<5x80x128xf32, #tpu.memory_space<vmem>> -> memref<1x80x128xf32, #tpu.memory_space<vmem>>
        %dma_wait3A_777 = tpu.memref_squeeze %dma_wait3A_776 : memref<1x80x128xf32, #tpu.memory_space<vmem>> -> memref<80x128xf32, #tpu.memory_space<vmem>>
        tpu.wait_dma2 semaphore(%dma_wait3A_770 : memref<!tpu.dma_semaphore, #tpu.memory_space<semaphore_mem>>) src(%dma_wait3A_777 : memref<80x128xf32, #tpu.memory_space<vmem>>) dst(%dma_wait3A_773 : memref<80x128xf32, #tpu.memory_space<hbm>>)
        %add3A_778 = arith.constant 5 : i32
        %add3A_779 = arith.addi %add3A_190, %add3A_778 : i32
        %sub3A = arith.constant 2 : i32
        %sub3A_780 = arith.subi %add3A_779, %sub3A : i32
        %mul3A_781 = arith.constant 80 : i32
        %mul3A_782 = arith.muli %sub3A_780, %mul3A_781 : i32
        %add3A_783 = arith.addi %mul3A_2, %mul3A_782 : i32
        %dma_start3A_784 = arith.constant 3 : i32
        %dma_start3A_785 = arith.constant 3 : i32
        %dma_start3A_786 = arith.constant 0 : i32
        %dma_start3A_787 = arith.constant 0 : i32
        %dma_start3A_788 = tpu.memref_slice %arg8[%dma_start3A_784, %dma_start3A_786, %dma_start3A_787] : memref<5x80x128xf32, #tpu.memory_space<vmem>> -> memref<1x80x128xf32, #tpu.memory_space<vmem>>
        %dma_start3A_789 = tpu.memref_squeeze %dma_start3A_788 : memref<1x80x128xf32, #tpu.memory_space<vmem>> -> memref<80x128xf32, #tpu.memory_space<vmem>>
        %dma_start3A_790 = arith.constant 0 : i32
        %dma_start3A_791 = tpu.memref_slice %arg2[%add3A_783, %dma_start3A_790] : memref<320000x128xf32, #tpu.memory_space<hbm>> -> memref<80x128xf32, #tpu.memory_space<hbm>>
        %dma_start3A_792 = tpu.memref_slice %arg9[%dma_start3A_785] : memref<5x!tpu.dma_semaphore, #tpu.memory_space<semaphore_mem>> -> memref<1x!tpu.dma_semaphore, #tpu.memory_space<semaphore_mem>>
        %dma_start3A_793 = tpu.memref_squeeze %dma_start3A_792 : memref<1x!tpu.dma_semaphore, #tpu.memory_space<semaphore_mem>> -> memref<!tpu.dma_semaphore, #tpu.memory_space<semaphore_mem>>
        %dma_start3A_794 = arith.constant 0 : i32
        %dma_start3A_795 = arith.constant 0 : i32
        %dma_start3A_796 = tpu.memref_slice %arg8[%dma_start3A_784, %dma_start3A_794, %dma_start3A_795] : memref<5x80x128xf32, #tpu.memory_space<vmem>> -> memref<1x80x128xf32, #tpu.memory_space<vmem>>
        %dma_start3A_797 = tpu.memref_squeeze %dma_start3A_796 : memref<1x80x128xf32, #tpu.memory_space<vmem>> -> memref<80x128xf32, #tpu.memory_space<vmem>>
        %dma_start3A_798 = arith.constant 0 : i32
        %dma_start3A_799 = tpu.memref_slice %arg2[%add3A_783, %dma_start3A_798] : memref<320000x128xf32, #tpu.memory_space<hbm>> -> memref<80x128xf32, #tpu.memory_space<hbm>>
        tpu.enqueue_dma source(%dma_start3A_799 : memref<80x128xf32, #tpu.memory_space<hbm>>) target(%dma_start3A_797 : memref<80x128xf32, #tpu.memory_space<vmem>>) target_semaphore(%dma_start3A_793 : memref<!tpu.dma_semaphore, #tpu.memory_space<semaphore_mem>>)
      } else {
      }
      %mul3A_297 = arith.constant 5 : i32
      %mul3A_298 = arith.muli %scan3A_186, %mul3A_297 : i32
      %add3A_299 = arith.constant 1 : i32
      %add3A_300 = arith.addi %mul3A_298, %add3A_299 : i32
      %dma_wait3A_301 = arith.constant 1 : i32
      %dma_wait3A_302 = arith.constant 1 : i32
      %dma_wait3A_303 = arith.constant 0 : i32
      %dma_wait3A_304 = arith.constant 0 : i32
      %dma_wait3A_305 = tpu.memref_slice %arg8[%dma_wait3A_301, %dma_wait3A_303, %dma_wait3A_304] : memref<5x80x128xf32, #tpu.memory_space<vmem>> -> memref<1x80x128xf32, #tpu.memory_space<vmem>>
      %dma_wait3A_306 = tpu.memref_squeeze %dma_wait3A_305 : memref<1x80x128xf32, #tpu.memory_space<vmem>> -> memref<80x128xf32, #tpu.memory_space<vmem>>
      %dma_wait3A_307 = arith.constant 0 : i32
      %dma_wait3A_308 = arith.constant 0 : i32
      %dma_wait3A_309 = tpu.memref_slice %arg2[%dma_wait3A_307, %dma_wait3A_308] : memref<320000x128xf32, #tpu.memory_space<hbm>> -> memref<80x128xf32, #tpu.memory_space<hbm>>
      %dma_wait3A_310 = tpu.memref_slice %arg9[%dma_wait3A_302] : memref<5x!tpu.dma_semaphore, #tpu.memory_space<semaphore_mem>> -> memref<1x!tpu.dma_semaphore, #tpu.memory_space<semaphore_mem>>
      %dma_wait3A_311 = tpu.memref_squeeze %dma_wait3A_310 : memref<1x!tpu.dma_semaphore, #tpu.memory_space<semaphore_mem>> -> memref<!tpu.dma_semaphore, #tpu.memory_space<semaphore_mem>>
      %dma_wait3A_312 = arith.constant 0 : i32
      %dma_wait3A_313 = arith.constant 0 : i32
      %dma_wait3A_314 = tpu.memref_slice %arg8[%dma_wait3A_301, %dma_wait3A_312, %dma_wait3A_313] : memref<5x80x128xf32, #tpu.memory_space<vmem>> -> memref<1x80x128xf32, #tpu.memory_space<vmem>>
      %dma_wait3A_315 = tpu.memref_squeeze %dma_wait3A_314 : memref<1x80x128xf32, #tpu.memory_space<vmem>> -> memref<80x128xf32, #tpu.memory_space<vmem>>
      %dma_wait3A_316 = arith.constant 0 : i32
      %dma_wait3A_317 = arith.constant 0 : i32
      %dma_wait3A_318 = tpu.memref_slice %arg2[%dma_wait3A_316, %dma_wait3A_317] : memref<320000x128xf32, #tpu.memory_space<hbm>> -> memref<80x128xf32, #tpu.memory_space<hbm>>
      tpu.wait_dma2 semaphore(%dma_wait3A_311 : memref<!tpu.dma_semaphore, #tpu.memory_space<semaphore_mem>>) src(%dma_wait3A_318 : memref<80x128xf32, #tpu.memory_space<hbm>>) dst(%dma_wait3A_315 : memref<80x128xf32, #tpu.memory_space<vmem>>)
      %mul3A_319 = arith.constant 80 : i32
      %mul3A_320 = arith.muli %add3A_300, %mul3A_319 : i32
      %add3A_321 = arith.constant 0 : i32
      %add3A_322 = arith.addi %mul3A_320, %add3A_321 : i32
      %broadcast_in_dim3A_323 = vector.broadcast %add3A_322 : i32 to vector<16xi32>
      %add3A_324 = arith.addi %broadcast_in_dim3A_323, %iota3A : vector<16xi32>
      %gather3A_325 = tpu.vector_load_idx %arg7[%add3A_324] : memref<10000xi32, #tpu.memory_space<vmem>>[vector<16xi32>], vector<16xi32>,
      %mul3A_326 = arith.constant 80 : i32
      %mul3A_327 = arith.muli %add3A_300, %mul3A_326 : i32
      %add3A_328 = arith.constant 16 : i32
      %add3A_329 = arith.addi %mul3A_327, %add3A_328 : i32
      %broadcast_in_dim3A_330 = vector.broadcast %add3A_329 : i32 to vector<16xi32>
      %add3A_331 = arith.addi %broadcast_in_dim3A_330, %iota3A : vector<16xi32>
      %gather3A_332 = tpu.vector_load_idx %arg7[%add3A_331] : memref<10000xi32, #tpu.memory_space<vmem>>[vector<16xi32>], vector<16xi32>,
      %mul3A_333 = arith.constant 80 : i32
      %mul3A_334 = arith.muli %add3A_300, %mul3A_333 : i32
      %add3A_335 = arith.constant 32 : i32
      %add3A_336 = arith.addi %mul3A_334, %add3A_335 : i32
      %broadcast_in_dim3A_337 = vector.broadcast %add3A_336 : i32 to vector<16xi32>
      %add3A_338 = arith.addi %broadcast_in_dim3A_337, %iota3A : vector<16xi32>
      %gather3A_339 = tpu.vector_load_idx %arg7[%add3A_338] : memref<10000xi32, #tpu.memory_space<vmem>>[vector<16xi32>], vector<16xi32>,
      %mul3A_340 = arith.constant 80 : i32
      %mul3A_341 = arith.muli %add3A_300, %mul3A_340 : i32
      %add3A_342 = arith.constant 48 : i32
      %add3A_343 = arith.addi %mul3A_341, %add3A_342 : i32
      %broadcast_in_dim3A_344 = vector.broadcast %add3A_343 : i32 to vector<16xi32>
      %add3A_345 = arith.addi %broadcast_in_dim3A_344, %iota3A : vector<16xi32>
      %gather3A_346 = tpu.vector_load_idx %arg7[%add3A_345] : memref<10000xi32, #tpu.memory_space<vmem>>[vector<16xi32>], vector<16xi32>,
      %mul3A_347 = arith.constant 80 : i32
      %mul3A_348 = arith.muli %add3A_300, %mul3A_347 : i32
      %add3A_349 = arith.constant 64 : i32
      %add3A_350 = arith.addi %mul3A_348, %add3A_349 : i32
      %broadcast_in_dim3A_351 = vector.broadcast %add3A_350 : i32 to vector<16xi32>
      %add3A_352 = arith.addi %broadcast_in_dim3A_351, %iota3A : vector<16xi32>
      %gather3A_353 = tpu.vector_load_idx %arg7[%add3A_352] : memref<10000xi32, #tpu.memory_space<vmem>>[vector<16xi32>], vector<16xi32>,
      %add3A_354 = arith.constant 0 : i32
      %add3A_355 = vector.broadcast %add3A_354 : i32 to vector<16xi32>
      %add3A_356 = arith.addi %iota3A, %add3A_355 : vector<16xi32>
      %add3A_357 = arith.constant 16 : i32
      %add3A_358 = vector.broadcast %add3A_357 : i32 to vector<16xi32>
      %add3A_359 = arith.addi %iota3A, %add3A_358 : vector<16xi32>
      %add3A_360 = arith.constant 32 : i32
      %add3A_361 = vector.broadcast %add3A_360 : i32 to vector<16xi32>
      %add3A_362 = arith.addi %iota3A, %add3A_361 : vector<16xi32>
      %add3A_363 = arith.constant 48 : i32
      %add3A_364 = vector.broadcast %add3A_363 : i32 to vector<16xi32>
      %add3A_365 = arith.addi %iota3A, %add3A_364 : vector<16xi32>
      %add3A_366 = arith.constant 64 : i32
      %add3A_367 = vector.broadcast %add3A_366 : i32 to vector<16xi32>
      %add3A_368 = arith.addi %iota3A, %add3A_367 : vector<16xi32>
      %parallel_loop3A_369 = arith.constant 0 : i32
      %parallel_loop3A_370 = arith.constant 128 : i32
      %parallel_loop3A_371 = arith.constant 1 : i32
      %parallel_loop3A_372 = arith.constant 1 : i32
      scf.for %parallel_loop3A_760 = %parallel_loop3A_369 to %parallel_loop3A_370 step %parallel_loop3A_371  : i32 {
        %parallel_loop3A_761 = vector.broadcast %parallel_loop3A_760 : i32 to vector<16xi32>
        %parallel_loop3A_762 = arith.addi %parallel_loop3A_761, %iota3A : vector<16xi32>
        %parallel_loop3A_763 = arith.constant 127 : i32
        %parallel_loop3A_764 = vector.broadcast %parallel_loop3A_763 : i32 to vector<16xi32>
        %parallel_loop3A_765 = arith.andi %parallel_loop3A_762, %parallel_loop3A_764 : vector<16xi32>
        %parallel_loop3A_766 = tpu.vector_load_idx %arg6[%gather3A_325, %parallel_loop3A_765] : memref<5x128xf32, #tpu.memory_space<vmem>>[vector<16xi32>, vector<16xi32>], vector<16xf32>,
        %parallel_loop3A_767 = arith.constant 0 : i32
        %parallel_loop3A_768 = arith.constant 0 : i32
        %parallel_loop3A_769 = tpu.memref_slice %arg8[%parallel_loop3A_372, %parallel_loop3A_767, %parallel_loop3A_768] : memref<5x80x128xf32, #tpu.memory_space<vmem>> -> memref<1x80x128xf32, #tpu.memory_space<vmem>>
        %parallel_loop3A_770 = tpu.memref_squeeze %parallel_loop3A_769 : memref<1x80x128xf32, #tpu.memory_space<vmem>> -> memref<80x128xf32, #tpu.memory_space<vmem>>
        tpu.vector_store_idx %parallel_loop3A_770[%add3A_356, %parallel_loop3A_765], %parallel_loop3A_766 {add = true} : memref<80x128xf32, #tpu.memory_space<vmem>>[vector<16xi32>, vector<16xi32>], vector<16xf32>,
      } {sc.loop_unroll_factor = 8 : i64, sc.parallel_access}
      %parallel_loop3A_373 = arith.constant 0 : i32
      %parallel_loop3A_374 = arith.constant 128 : i32
      %parallel_loop3A_375 = arith.constant 1 : i32
      %parallel_loop3A_376 = arith.constant 1 : i32
      scf.for %parallel_loop3A_760 = %parallel_loop3A_373 to %parallel_loop3A_374 step %parallel_loop3A_375  : i32 {
        %parallel_loop3A_761 = vector.broadcast %parallel_loop3A_760 : i32 to vector<16xi32>
        %parallel_loop3A_762 = arith.addi %parallel_loop3A_761, %iota3A : vector<16xi32>
        %parallel_loop3A_763 = arith.constant 127 : i32
        %parallel_loop3A_764 = vector.broadcast %parallel_loop3A_763 : i32 to vector<16xi32>
        %parallel_loop3A_765 = arith.andi %parallel_loop3A_762, %parallel_loop3A_764 : vector<16xi32>
        %parallel_loop3A_766 = tpu.vector_load_idx %arg6[%gather3A_332, %parallel_loop3A_765] : memref<5x128xf32, #tpu.memory_space<vmem>>[vector<16xi32>, vector<16xi32>], vector<16xf32>,
        %parallel_loop3A_767 = arith.constant 0 : i32
        %parallel_loop3A_768 = arith.constant 0 : i32
        %parallel_loop3A_769 = tpu.memref_slice %arg8[%parallel_loop3A_376, %parallel_loop3A_767, %parallel_loop3A_768] : memref<5x80x128xf32, #tpu.memory_space<vmem>> -> memref<1x80x128xf32, #tpu.memory_space<vmem>>
        %parallel_loop3A_770 = tpu.memref_squeeze %parallel_loop3A_769 : memref<1x80x128xf32, #tpu.memory_space<vmem>> -> memref<80x128xf32, #tpu.memory_space<vmem>>
        tpu.vector_store_idx %parallel_loop3A_770[%add3A_359, %parallel_loop3A_765], %parallel_loop3A_766 {add = true} : memref<80x128xf32, #tpu.memory_space<vmem>>[vector<16xi32>, vector<16xi32>], vector<16xf32>,
      } {sc.loop_unroll_factor = 8 : i64, sc.parallel_access}
      %parallel_loop3A_377 = arith.constant 0 : i32
      %parallel_loop3A_378 = arith.constant 128 : i32
      %parallel_loop3A_379 = arith.constant 1 : i32
      %parallel_loop3A_380 = arith.constant 1 : i32
      scf.for %parallel_loop3A_760 = %parallel_loop3A_377 to %parallel_loop3A_378 step %parallel_loop3A_379  : i32 {
        %parallel_loop3A_761 = vector.broadcast %parallel_loop3A_760 : i32 to vector<16xi32>
        %parallel_loop3A_762 = arith.addi %parallel_loop3A_761, %iota3A : vector<16xi32>
        %parallel_loop3A_763 = arith.constant 127 : i32
        %parallel_loop3A_764 = vector.broadcast %parallel_loop3A_763 : i32 to vector<16xi32>
        %parallel_loop3A_765 = arith.andi %parallel_loop3A_762, %parallel_loop3A_764 : vector<16xi32>
        %parallel_loop3A_766 = tpu.vector_load_idx %arg6[%gather3A_339, %parallel_loop3A_765] : memref<5x128xf32, #tpu.memory_space<vmem>>[vector<16xi32>, vector<16xi32>], vector<16xf32>,
        %parallel_loop3A_767 = arith.constant 0 : i32
        %parallel_loop3A_768 = arith.constant 0 : i32
        %parallel_loop3A_769 = tpu.memref_slice %arg8[%parallel_loop3A_380, %parallel_loop3A_767, %parallel_loop3A_768] : memref<5x80x128xf32, #tpu.memory_space<vmem>> -> memref<1x80x128xf32, #tpu.memory_space<vmem>>
        %parallel_loop3A_770 = tpu.memref_squeeze %parallel_loop3A_769 : memref<1x80x128xf32, #tpu.memory_space<vmem>> -> memref<80x128xf32, #tpu.memory_space<vmem>>
        tpu.vector_store_idx %parallel_loop3A_770[%add3A_362, %parallel_loop3A_765], %parallel_loop3A_766 {add = true} : memref<80x128xf32, #tpu.memory_space<vmem>>[vector<16xi32>, vector<16xi32>], vector<16xf32>,
      } {sc.loop_unroll_factor = 8 : i64, sc.parallel_access}
      %parallel_loop3A_381 = arith.constant 0 : i32
      %parallel_loop3A_382 = arith.constant 128 : i32
      %parallel_loop3A_383 = arith.constant 1 : i32
      %parallel_loop3A_384 = arith.constant 1 : i32
      scf.for %parallel_loop3A_760 = %parallel_loop3A_381 to %parallel_loop3A_382 step %parallel_loop3A_383  : i32 {
        %parallel_loop3A_761 = vector.broadcast %parallel_loop3A_760 : i32 to vector<16xi32>
        %parallel_loop3A_762 = arith.addi %parallel_loop3A_761, %iota3A : vector<16xi32>
        %parallel_loop3A_763 = arith.constant 127 : i32
        %parallel_loop3A_764 = vector.broadcast %parallel_loop3A_763 : i32 to vector<16xi32>
        %parallel_loop3A_765 = arith.andi %parallel_loop3A_762, %parallel_loop3A_764 : vector<16xi32>
        %parallel_loop3A_766 = tpu.vector_load_idx %arg6[%gather3A_346, %parallel_loop3A_765] : memref<5x128xf32, #tpu.memory_space<vmem>>[vector<16xi32>, vector<16xi32>], vector<16xf32>,
        %parallel_loop3A_767 = arith.constant 0 : i32
        %parallel_loop3A_768 = arith.constant 0 : i32
        %parallel_loop3A_769 = tpu.memref_slice %arg8[%parallel_loop3A_384, %parallel_loop3A_767, %parallel_loop3A_768] : memref<5x80x128xf32, #tpu.memory_space<vmem>> -> memref<1x80x128xf32, #tpu.memory_space<vmem>>
        %parallel_loop3A_770 = tpu.memref_squeeze %parallel_loop3A_769 : memref<1x80x128xf32, #tpu.memory_space<vmem>> -> memref<80x128xf32, #tpu.memory_space<vmem>>
        tpu.vector_store_idx %parallel_loop3A_770[%add3A_365, %parallel_loop3A_765], %parallel_loop3A_766 {add = true} : memref<80x128xf32, #tpu.memory_space<vmem>>[vector<16xi32>, vector<16xi32>], vector<16xf32>,
      } {sc.loop_unroll_factor = 8 : i64, sc.parallel_access}
      %parallel_loop3A_385 = arith.constant 0 : i32
      %parallel_loop3A_386 = arith.constant 128 : i32
      %parallel_loop3A_387 = arith.constant 1 : i32
      %parallel_loop3A_388 = arith.constant 1 : i32
      scf.for %parallel_loop3A_760 = %parallel_loop3A_385 to %parallel_loop3A_386 step %parallel_loop3A_387  : i32 {
        %parallel_loop3A_761 = vector.broadcast %parallel_loop3A_760 : i32 to vector<16xi32>
        %parallel_loop3A_762 = arith.addi %parallel_loop3A_761, %iota3A : vector<16xi32>
        %parallel_loop3A_763 = arith.constant 127 : i32
        %parallel_loop3A_764 = vector.broadcast %parallel_loop3A_763 : i32 to vector<16xi32>
        %parallel_loop3A_765 = arith.andi %parallel_loop3A_762, %parallel_loop3A_764 : vector<16xi32>
        %parallel_loop3A_766 = tpu.vector_load_idx %arg6[%gather3A_353, %parallel_loop3A_765] : memref<5x128xf32, #tpu.memory_space<vmem>>[vector<16xi32>, vector<16xi32>], vector<16xf32>,
        %parallel_loop3A_767 = arith.constant 0 : i32
        %parallel_loop3A_768 = arith.constant 0 : i32
        %parallel_loop3A_769 = tpu.memref_slice %arg8[%parallel_loop3A_388, %parallel_loop3A_767, %parallel_loop3A_768] : memref<5x80x128xf32, #tpu.memory_space<vmem>> -> memref<1x80x128xf32, #tpu.memory_space<vmem>>
        %parallel_loop3A_770 = tpu.memref_squeeze %parallel_loop3A_769 : memref<1x80x128xf32, #tpu.memory_space<vmem>> -> memref<80x128xf32, #tpu.memory_space<vmem>>
        tpu.vector_store_idx %parallel_loop3A_770[%add3A_368, %parallel_loop3A_765], %parallel_loop3A_766 {add = true} : memref<80x128xf32, #tpu.memory_space<vmem>>[vector<16xi32>, vector<16xi32>], vector<16xf32>,
      } {sc.loop_unroll_factor = 8 : i64, sc.parallel_access}
      %mul3A_389 = arith.constant 80 : i32
      %mul3A_390 = arith.muli %add3A_300, %mul3A_389 : i32
      %add3A_391 = arith.addi %mul3A_2, %mul3A_390 : i32
      %dma_start3A_392 = arith.constant 1 : i32
      %dma_start3A_393 = arith.constant 1 : i32
      %dma_start3A_394 = arith.constant 0 : i32
      %dma_start3A_395 = arith.constant 0 : i32
      %dma_start3A_396 = tpu.memref_slice %arg8[%dma_start3A_392, %dma_start3A_394, %dma_start3A_395] : memref<5x80x128xf32, #tpu.memory_space<vmem>> -> memref<1x80x128xf32, #tpu.memory_space<vmem>>
      %dma_start3A_397 = tpu.memref_squeeze %dma_start3A_396 : memref<1x80x128xf32, #tpu.memory_space<vmem>> -> memref<80x128xf32, #tpu.memory_space<vmem>>
      %dma_start3A_398 = arith.constant 0 : i32
      %dma_start3A_399 = tpu.memref_slice %arg5[%add3A_391, %dma_start3A_398] : memref<320000x128xf32, #tpu.memory_space<hbm>> -> memref<80x128xf32, #tpu.memory_space<hbm>>
      %dma_start3A_400 = tpu.memref_slice %arg10[%dma_start3A_393] : memref<5x!tpu.dma_semaphore, #tpu.memory_space<semaphore_mem>> -> memref<1x!tpu.dma_semaphore, #tpu.memory_space<semaphore_mem>>
      %dma_start3A_401 = tpu.memref_squeeze %dma_start3A_400 : memref<1x!tpu.dma_semaphore, #tpu.memory_space<semaphore_mem>> -> memref<!tpu.dma_semaphore, #tpu.memory_space<semaphore_mem>>
      %dma_start3A_402 = arith.constant 0 : i32
      %dma_start3A_403 = tpu.memref_slice %arg5[%add3A_391, %dma_start3A_402] : memref<320000x128xf32, #tpu.memory_space<hbm>> -> memref<80x128xf32, #tpu.memory_space<hbm>>
      %dma_start3A_404 = arith.constant 0 : i32
      %dma_start3A_405 = arith.constant 0 : i32
      %dma_start3A_406 = tpu.memref_slice %arg8[%dma_start3A_392, %dma_start3A_404, %dma_start3A_405] : memref<5x80x128xf32, #tpu.memory_space<vmem>> -> memref<1x80x128xf32, #tpu.memory_space<vmem>>
      %dma_start3A_407 = tpu.memref_squeeze %dma_start3A_406 : memref<1x80x128xf32, #tpu.memory_space<vmem>> -> memref<80x128xf32, #tpu.memory_space<vmem>>
      tpu.enqueue_dma source(%dma_start3A_407 : memref<80x128xf32, #tpu.memory_space<vmem>>) target(%dma_start3A_403 : memref<80x128xf32, #tpu.memory_space<hbm>>) target_semaphore(%dma_start3A_401 : memref<!tpu.dma_semaphore, #tpu.memory_space<semaphore_mem>>)
      %gt3A_408 = arith.constant 0 : i32
      %gt3A_409 = arith.cmpi sgt, %scan3A_186, %gt3A_408 : i32
      %convert_element_type3A_410 = arith.extui %gt3A_409 : i1 to i32
      %cond3A_411 = arith.constant 0 : i32
      %cond3A_412 = arith.cmpi ne, %convert_element_type3A_410, %cond3A_411 : i32
      scf.if %cond3A_412 {
        %dma_wait3A_760 = arith.constant 4 : i32
        %dma_wait3A_761 = arith.constant 4 : i32
        %dma_wait3A_762 = arith.constant 0 : i32
        %dma_wait3A_763 = arith.constant 0 : i32
        %dma_wait3A_764 = tpu.memref_slice %arg8[%dma_wait3A_760, %dma_wait3A_762, %dma_wait3A_763] : memref<5x80x128xf32, #tpu.memory_space<vmem>> -> memref<1x80x128xf32, #tpu.memory_space<vmem>>
        %dma_wait3A_765 = tpu.memref_squeeze %dma_wait3A_764 : memref<1x80x128xf32, #tpu.memory_space<vmem>> -> memref<80x128xf32, #tpu.memory_space<vmem>>
        %dma_wait3A_766 = arith.constant 0 : i32
        %dma_wait3A_767 = arith.constant 0 : i32
        %dma_wait3A_768 = tpu.memref_slice %arg5[%dma_wait3A_766, %dma_wait3A_767] : memref<320000x128xf32, #tpu.memory_space<hbm>> -> memref<80x128xf32, #tpu.memory_space<hbm>>
        %dma_wait3A_769 = tpu.memref_slice %arg10[%dma_wait3A_761] : memref<5x!tpu.dma_semaphore, #tpu.memory_space<semaphore_mem>> -> memref<1x!tpu.dma_semaphore, #tpu.memory_space<semaphore_mem>>
        %dma_wait3A_770 = tpu.memref_squeeze %dma_wait3A_769 : memref<1x!tpu.dma_semaphore, #tpu.memory_space<semaphore_mem>> -> memref<!tpu.dma_semaphore, #tpu.memory_space<semaphore_mem>>
        %dma_wait3A_771 = arith.constant 0 : i32
        %dma_wait3A_772 = arith.constant 0 : i32
        %dma_wait3A_773 = tpu.memref_slice %arg5[%dma_wait3A_771, %dma_wait3A_772] : memref<320000x128xf32, #tpu.memory_space<hbm>> -> memref<80x128xf32, #tpu.memory_space<hbm>>
        %dma_wait3A_774 = arith.constant 0 : i32
        %dma_wait3A_775 = arith.constant 0 : i32
        %dma_wait3A_776 = tpu.memref_slice %arg8[%dma_wait3A_760, %dma_wait3A_774, %dma_wait3A_775] : memref<5x80x128xf32, #tpu.memory_space<vmem>> -> memref<1x80x128xf32, #tpu.memory_space<vmem>>
        %dma_wait3A_777 = tpu.memref_squeeze %dma_wait3A_776 : memref<1x80x128xf32, #tpu.memory_space<vmem>> -> memref<80x128xf32, #tpu.memory_space<vmem>>
        tpu.wait_dma2 semaphore(%dma_wait3A_770 : memref<!tpu.dma_semaphore, #tpu.memory_space<semaphore_mem>>) src(%dma_wait3A_777 : memref<80x128xf32, #tpu.memory_space<vmem>>) dst(%dma_wait3A_773 : memref<80x128xf32, #tpu.memory_space<hbm>>)
        %add3A_778 = arith.constant 5 : i32
        %add3A_779 = arith.addi %add3A_300, %add3A_778 : i32
        %sub3A = arith.constant 2 : i32
        %sub3A_780 = arith.subi %add3A_779, %sub3A : i32
        %mul3A_781 = arith.constant 80 : i32
        %mul3A_782 = arith.muli %sub3A_780, %mul3A_781 : i32
        %add3A_783 = arith.addi %mul3A_2, %mul3A_782 : i32
        %dma_start3A_784 = arith.constant 4 : i32
        %dma_start3A_785 = arith.constant 4 : i32
        %dma_start3A_786 = arith.constant 0 : i32
        %dma_start3A_787 = arith.constant 0 : i32
        %dma_start3A_788 = tpu.memref_slice %arg8[%dma_start3A_784, %dma_start3A_786, %dma_start3A_787] : memref<5x80x128xf32, #tpu.memory_space<vmem>> -> memref<1x80x128xf32, #tpu.memory_space<vmem>>
        %dma_start3A_789 = tpu.memref_squeeze %dma_start3A_788 : memref<1x80x128xf32, #tpu.memory_space<vmem>> -> memref<80x128xf32, #tpu.memory_space<vmem>>
        %dma_start3A_790 = arith.constant 0 : i32
        %dma_start3A_791 = tpu.memref_slice %arg2[%add3A_783, %dma_start3A_790] : memref<320000x128xf32, #tpu.memory_space<hbm>> -> memref<80x128xf32, #tpu.memory_space<hbm>>
        %dma_start3A_792 = tpu.memref_slice %arg9[%dma_start3A_785] : memref<5x!tpu.dma_semaphore, #tpu.memory_space<semaphore_mem>> -> memref<1x!tpu.dma_semaphore, #tpu.memory_space<semaphore_mem>>
        %dma_start3A_793 = tpu.memref_squeeze %dma_start3A_792 : memref<1x!tpu.dma_semaphore, #tpu.memory_space<semaphore_mem>> -> memref<!tpu.dma_semaphore, #tpu.memory_space<semaphore_mem>>
        %dma_start3A_794 = arith.constant 0 : i32
        %dma_start3A_795 = arith.constant 0 : i32
        %dma_start3A_796 = tpu.memref_slice %arg8[%dma_start3A_784, %dma_start3A_794, %dma_start3A_795] : memref<5x80x128xf32, #tpu.memory_space<vmem>> -> memref<1x80x128xf32, #tpu.memory_space<vmem>>
        %dma_start3A_797 = tpu.memref_squeeze %dma_start3A_796 : memref<1x80x128xf32, #tpu.memory_space<vmem>> -> memref<80x128xf32, #tpu.memory_space<vmem>>
        %dma_start3A_798 = arith.constant 0 : i32
        %dma_start3A_799 = tpu.memref_slice %arg2[%add3A_783, %dma_start3A_798] : memref<320000x128xf32, #tpu.memory_space<hbm>> -> memref<80x128xf32, #tpu.memory_space<hbm>>
        tpu.enqueue_dma source(%dma_start3A_799 : memref<80x128xf32, #tpu.memory_space<hbm>>) target(%dma_start3A_797 : memref<80x128xf32, #tpu.memory_space<vmem>>) target_semaphore(%dma_start3A_793 : memref<!tpu.dma_semaphore, #tpu.memory_space<semaphore_mem>>)
      } else {
      }
      %mul3A_413 = arith.constant 5 : i32
      %mul3A_414 = arith.muli %scan3A_186, %mul3A_413 : i32
      %add3A_415 = arith.constant 2 : i32
      %add3A_416 = arith.addi %mul3A_414, %add3A_415 : i32
      %dma_wait3A_417 = arith.constant 2 : i32
      %dma_wait3A_418 = arith.constant 2 : i32
      %dma_wait3A_419 = arith.constant 0 : i32
      %dma_wait3A_420 = arith.constant 0 : i32
      %dma_wait3A_421 = tpu.memref_slice %arg8[%dma_wait3A_417, %dma_wait3A_419, %dma_wait3A_420] : memref<5x80x128xf32, #tpu.memory_space<vmem>> -> memref<1x80x128xf32, #tpu.memory_space<vmem>>
      %dma_wait3A_422 = tpu.memref_squeeze %dma_wait3A_421 : memref<1x80x128xf32, #tpu.memory_space<vmem>> -> memref<80x128xf32, #tpu.memory_space<vmem>>
      %dma_wait3A_423 = arith.constant 0 : i32
      %dma_wait3A_424 = arith.constant 0 : i32
      %dma_wait3A_425 = tpu.memref_slice %arg2[%dma_wait3A_423, %dma_wait3A_424] : memref<320000x128xf32, #tpu.memory_space<hbm>> -> memref<80x128xf32, #tpu.memory_space<hbm>>
      %dma_wait3A_426 = tpu.memref_slice %arg9[%dma_wait3A_418] : memref<5x!tpu.dma_semaphore, #tpu.memory_space<semaphore_mem>> -> memref<1x!tpu.dma_semaphore, #tpu.memory_space<semaphore_mem>>
      %dma_wait3A_427 = tpu.memref_squeeze %dma_wait3A_426 : memref<1x!tpu.dma_semaphore, #tpu.memory_space<semaphore_mem>> -> memref<!tpu.dma_semaphore, #tpu.memory_space<semaphore_mem>>
      %dma_wait3A_428 = arith.constant 0 : i32
      %dma_wait3A_429 = arith.constant 0 : i32
      %dma_wait3A_430 = tpu.memref_slice %arg8[%dma_wait3A_417, %dma_wait3A_428, %dma_wait3A_429] : memref<5x80x128xf32, #tpu.memory_space<vmem>> -> memref<1x80x128xf32, #tpu.memory_space<vmem>>
      %dma_wait3A_431 = tpu.memref_squeeze %dma_wait3A_430 : memref<1x80x128xf32, #tpu.memory_space<vmem>> -> memref<80x128xf32, #tpu.memory_space<vmem>>
      %dma_wait3A_432 = arith.constant 0 : i32
      %dma_wait3A_433 = arith.constant 0 : i32
      %dma_wait3A_434 = tpu.memref_slice %arg2[%dma_wait3A_432, %dma_wait3A_433] : memref<320000x128xf32, #tpu.memory_space<hbm>> -> memref<80x128xf32, #tpu.memory_space<hbm>>
      tpu.wait_dma2 semaphore(%dma_wait3A_427 : memref<!tpu.dma_semaphore, #tpu.memory_space<semaphore_mem>>) src(%dma_wait3A_434 : memref<80x128xf32, #tpu.memory_space<hbm>>) dst(%dma_wait3A_431 : memref<80x128xf32, #tpu.memory_space<vmem>>)
      %mul3A_435 = arith.constant 80 : i32
      %mul3A_436 = arith.muli %add3A_416, %mul3A_435 : i32
      %add3A_437 = arith.constant 0 : i32
      %add3A_438 = arith.addi %mul3A_436, %add3A_437 : i32
      %broadcast_in_dim3A_439 = vector.broadcast %add3A_438 : i32 to vector<16xi32>
      %add3A_440 = arith.addi %broadcast_in_dim3A_439, %iota3A : vector<16xi32>
      %gather3A_441 = tpu.vector_load_idx %arg7[%add3A_440] : memref<10000xi32, #tpu.memory_space<vmem>>[vector<16xi32>], vector<16xi32>,
      %mul3A_442 = arith.constant 80 : i32
      %mul3A_443 = arith.muli %add3A_416, %mul3A_442 : i32
      %add3A_444 = arith.constant 16 : i32
      %add3A_445 = arith.addi %mul3A_443, %add3A_444 : i32
      %broadcast_in_dim3A_446 = vector.broadcast %add3A_445 : i32 to vector<16xi32>
      %add3A_447 = arith.addi %broadcast_in_dim3A_446, %iota3A : vector<16xi32>
      %gather3A_448 = tpu.vector_load_idx %arg7[%add3A_447] : memref<10000xi32, #tpu.memory_space<vmem>>[vector<16xi32>], vector<16xi32>,
      %mul3A_449 = arith.constant 80 : i32
      %mul3A_450 = arith.muli %add3A_416, %mul3A_449 : i32
      %add3A_451 = arith.constant 32 : i32
      %add3A_452 = arith.addi %mul3A_450, %add3A_451 : i32
      %broadcast_in_dim3A_453 = vector.broadcast %add3A_452 : i32 to vector<16xi32>
      %add3A_454 = arith.addi %broadcast_in_dim3A_453, %iota3A : vector<16xi32>
      %gather3A_455 = tpu.vector_load_idx %arg7[%add3A_454] : memref<10000xi32, #tpu.memory_space<vmem>>[vector<16xi32>], vector<16xi32>,
      %mul3A_456 = arith.constant 80 : i32
      %mul3A_457 = arith.muli %add3A_416, %mul3A_456 : i32
      %add3A_458 = arith.constant 48 : i32
      %add3A_459 = arith.addi %mul3A_457, %add3A_458 : i32
      %broadcast_in_dim3A_460 = vector.broadcast %add3A_459 : i32 to vector<16xi32>
      %add3A_461 = arith.addi %broadcast_in_dim3A_460, %iota3A : vector<16xi32>
      %gather3A_462 = tpu.vector_load_idx %arg7[%add3A_461] : memref<10000xi32, #tpu.memory_space<vmem>>[vector<16xi32>], vector<16xi32>,
      %mul3A_463 = arith.constant 80 : i32
      %mul3A_464 = arith.muli %add3A_416, %mul3A_463 : i32
      %add3A_465 = arith.constant 64 : i32
      %add3A_466 = arith.addi %mul3A_464, %add3A_465 : i32
      %broadcast_in_dim3A_467 = vector.broadcast %add3A_466 : i32 to vector<16xi32>
      %add3A_468 = arith.addi %broadcast_in_dim3A_467, %iota3A : vector<16xi32>
      %gather3A_469 = tpu.vector_load_idx %arg7[%add3A_468] : memref<10000xi32, #tpu.memory_space<vmem>>[vector<16xi32>], vector<16xi32>,
      %add3A_470 = arith.constant 0 : i32
      %add3A_471 = vector.broadcast %add3A_470 : i32 to vector<16xi32>
      %add3A_472 = arith.addi %iota3A, %add3A_471 : vector<16xi32>
      %add3A_473 = arith.constant 16 : i32
      %add3A_474 = vector.broadcast %add3A_473 : i32 to vector<16xi32>
      %add3A_475 = arith.addi %iota3A, %add3A_474 : vector<16xi32>
      %add3A_476 = arith.constant 32 : i32
      %add3A_477 = vector.broadcast %add3A_476 : i32 to vector<16xi32>
      %add3A_478 = arith.addi %iota3A, %add3A_477 : vector<16xi32>
      %add3A_479 = arith.constant 48 : i32
      %add3A_480 = vector.broadcast %add3A_479 : i32 to vector<16xi32>
      %add3A_481 = arith.addi %iota3A, %add3A_480 : vector<16xi32>
      %add3A_482 = arith.constant 64 : i32
      %add3A_483 = vector.broadcast %add3A_482 : i32 to vector<16xi32>
      %add3A_484 = arith.addi %iota3A, %add3A_483 : vector<16xi32>
      %parallel_loop3A_485 = arith.constant 0 : i32
      %parallel_loop3A_486 = arith.constant 128 : i32
      %parallel_loop3A_487 = arith.constant 1 : i32
      %parallel_loop3A_488 = arith.constant 2 : i32
      scf.for %parallel_loop3A_760 = %parallel_loop3A_485 to %parallel_loop3A_486 step %parallel_loop3A_487  : i32 {
        %parallel_loop3A_761 = vector.broadcast %parallel_loop3A_760 : i32 to vector<16xi32>
        %parallel_loop3A_762 = arith.addi %parallel_loop3A_761, %iota3A : vector<16xi32>
        %parallel_loop3A_763 = arith.constant 127 : i32
        %parallel_loop3A_764 = vector.broadcast %parallel_loop3A_763 : i32 to vector<16xi32>
        %parallel_loop3A_765 = arith.andi %parallel_loop3A_762, %parallel_loop3A_764 : vector<16xi32>
        %parallel_loop3A_766 = tpu.vector_load_idx %arg6[%gather3A_441, %parallel_loop3A_765] : memref<5x128xf32, #tpu.memory_space<vmem>>[vector<16xi32>, vector<16xi32>], vector<16xf32>,
        %parallel_loop3A_767 = arith.constant 0 : i32
        %parallel_loop3A_768 = arith.constant 0 : i32
        %parallel_loop3A_769 = tpu.memref_slice %arg8[%parallel_loop3A_488, %parallel_loop3A_767, %parallel_loop3A_768] : memref<5x80x128xf32, #tpu.memory_space<vmem>> -> memref<1x80x128xf32, #tpu.memory_space<vmem>>
        %parallel_loop3A_770 = tpu.memref_squeeze %parallel_loop3A_769 : memref<1x80x128xf32, #tpu.memory_space<vmem>> -> memref<80x128xf32, #tpu.memory_space<vmem>>
        tpu.vector_store_idx %parallel_loop3A_770[%add3A_472, %parallel_loop3A_765], %parallel_loop3A_766 {add = true} : memref<80x128xf32, #tpu.memory_space<vmem>>[vector<16xi32>, vector<16xi32>], vector<16xf32>,
      } {sc.loop_unroll_factor = 8 : i64, sc.parallel_access}
      %parallel_loop3A_489 = arith.constant 0 : i32
      %parallel_loop3A_490 = arith.constant 128 : i32
      %parallel_loop3A_491 = arith.constant 1 : i32
      %parallel_loop3A_492 = arith.constant 2 : i32
      scf.for %parallel_loop3A_760 = %parallel_loop3A_489 to %parallel_loop3A_490 step %parallel_loop3A_491  : i32 {
        %parallel_loop3A_761 = vector.broadcast %parallel_loop3A_760 : i32 to vector<16xi32>
        %parallel_loop3A_762 = arith.addi %parallel_loop3A_761, %iota3A : vector<16xi32>
        %parallel_loop3A_763 = arith.constant 127 : i32
        %parallel_loop3A_764 = vector.broadcast %parallel_loop3A_763 : i32 to vector<16xi32>
        %parallel_loop3A_765 = arith.andi %parallel_loop3A_762, %parallel_loop3A_764 : vector<16xi32>
        %parallel_loop3A_766 = tpu.vector_load_idx %arg6[%gather3A_448, %parallel_loop3A_765] : memref<5x128xf32, #tpu.memory_space<vmem>>[vector<16xi32>, vector<16xi32>], vector<16xf32>,
        %parallel_loop3A_767 = arith.constant 0 : i32
        %parallel_loop3A_768 = arith.constant 0 : i32
        %parallel_loop3A_769 = tpu.memref_slice %arg8[%parallel_loop3A_492, %parallel_loop3A_767, %parallel_loop3A_768] : memref<5x80x128xf32, #tpu.memory_space<vmem>> -> memref<1x80x128xf32, #tpu.memory_space<vmem>>
        %parallel_loop3A_770 = tpu.memref_squeeze %parallel_loop3A_769 : memref<1x80x128xf32, #tpu.memory_space<vmem>> -> memref<80x128xf32, #tpu.memory_space<vmem>>
        tpu.vector_store_idx %parallel_loop3A_770[%add3A_475, %parallel_loop3A_765], %parallel_loop3A_766 {add = true} : memref<80x128xf32, #tpu.memory_space<vmem>>[vector<16xi32>, vector<16xi32>], vector<16xf32>,
      } {sc.loop_unroll_factor = 8 : i64, sc.parallel_access}
      %parallel_loop3A_493 = arith.constant 0 : i32
      %parallel_loop3A_494 = arith.constant 128 : i32
      %parallel_loop3A_495 = arith.constant 1 : i32
      %parallel_loop3A_496 = arith.constant 2 : i32
      scf.for %parallel_loop3A_760 = %parallel_loop3A_493 to %parallel_loop3A_494 step %parallel_loop3A_495  : i32 {
        %parallel_loop3A_761 = vector.broadcast %parallel_loop3A_760 : i32 to vector<16xi32>
        %parallel_loop3A_762 = arith.addi %parallel_loop3A_761, %iota3A : vector<16xi32>
        %parallel_loop3A_763 = arith.constant 127 : i32
        %parallel_loop3A_764 = vector.broadcast %parallel_loop3A_763 : i32 to vector<16xi32>
        %parallel_loop3A_765 = arith.andi %parallel_loop3A_762, %parallel_loop3A_764 : vector<16xi32>
        %parallel_loop3A_766 = tpu.vector_load_idx %arg6[%gather3A_455, %parallel_loop3A_765] : memref<5x128xf32, #tpu.memory_space<vmem>>[vector<16xi32>, vector<16xi32>], vector<16xf32>,
        %parallel_loop3A_767 = arith.constant 0 : i32
        %parallel_loop3A_768 = arith.constant 0 : i32
        %parallel_loop3A_769 = tpu.memref_slice %arg8[%parallel_loop3A_496, %parallel_loop3A_767, %parallel_loop3A_768] : memref<5x80x128xf32, #tpu.memory_space<vmem>> -> memref<1x80x128xf32, #tpu.memory_space<vmem>>
        %parallel_loop3A_770 = tpu.memref_squeeze %parallel_loop3A_769 : memref<1x80x128xf32, #tpu.memory_space<vmem>> -> memref<80x128xf32, #tpu.memory_space<vmem>>
        tpu.vector_store_idx %parallel_loop3A_770[%add3A_478, %parallel_loop3A_765], %parallel_loop3A_766 {add = true} : memref<80x128xf32, #tpu.memory_space<vmem>>[vector<16xi32>, vector<16xi32>], vector<16xf32>,
      } {sc.loop_unroll_factor = 8 : i64, sc.parallel_access}
      %parallel_loop3A_497 = arith.constant 0 : i32
      %parallel_loop3A_498 = arith.constant 128 : i32
      %parallel_loop3A_499 = arith.constant 1 : i32
      %parallel_loop3A_500 = arith.constant 2 : i32
      scf.for %parallel_loop3A_760 = %parallel_loop3A_497 to %parallel_loop3A_498 step %parallel_loop3A_499  : i32 {
        %parallel_loop3A_761 = vector.broadcast %parallel_loop3A_760 : i32 to vector<16xi32>
        %parallel_loop3A_762 = arith.addi %parallel_loop3A_761, %iota3A : vector<16xi32>
        %parallel_loop3A_763 = arith.constant 127 : i32
        %parallel_loop3A_764 = vector.broadcast %parallel_loop3A_763 : i32 to vector<16xi32>
        %parallel_loop3A_765 = arith.andi %parallel_loop3A_762, %parallel_loop3A_764 : vector<16xi32>
        %parallel_loop3A_766 = tpu.vector_load_idx %arg6[%gather3A_462, %parallel_loop3A_765] : memref<5x128xf32, #tpu.memory_space<vmem>>[vector<16xi32>, vector<16xi32>], vector<16xf32>,
        %parallel_loop3A_767 = arith.constant 0 : i32
        %parallel_loop3A_768 = arith.constant 0 : i32
        %parallel_loop3A_769 = tpu.memref_slice %arg8[%parallel_loop3A_500, %parallel_loop3A_767, %parallel_loop3A_768] : memref<5x80x128xf32, #tpu.memory_space<vmem>> -> memref<1x80x128xf32, #tpu.memory_space<vmem>>
        %parallel_loop3A_770 = tpu.memref_squeeze %parallel_loop3A_769 : memref<1x80x128xf32, #tpu.memory_space<vmem>> -> memref<80x128xf32, #tpu.memory_space<vmem>>
        tpu.vector_store_idx %parallel_loop3A_770[%add3A_481, %parallel_loop3A_765], %parallel_loop3A_766 {add = true} : memref<80x128xf32, #tpu.memory_space<vmem>>[vector<16xi32>, vector<16xi32>], vector<16xf32>,
      } {sc.loop_unroll_factor = 8 : i64, sc.parallel_access}
      %parallel_loop3A_501 = arith.constant 0 : i32
      %parallel_loop3A_502 = arith.constant 128 : i32
      %parallel_loop3A_503 = arith.constant 1 : i32
      %parallel_loop3A_504 = arith.constant 2 : i32
      scf.for %parallel_loop3A_760 = %parallel_loop3A_501 to %parallel_loop3A_502 step %parallel_loop3A_503  : i32 {
        %parallel_loop3A_761 = vector.broadcast %parallel_loop3A_760 : i32 to vector<16xi32>
        %parallel_loop3A_762 = arith.addi %parallel_loop3A_761, %iota3A : vector<16xi32>
        %parallel_loop3A_763 = arith.constant 127 : i32
        %parallel_loop3A_764 = vector.broadcast %parallel_loop3A_763 : i32 to vector<16xi32>
        %parallel_loop3A_765 = arith.andi %parallel_loop3A_762, %parallel_loop3A_764 : vector<16xi32>
        %parallel_loop3A_766 = tpu.vector_load_idx %arg6[%gather3A_469, %parallel_loop3A_765] : memref<5x128xf32, #tpu.memory_space<vmem>>[vector<16xi32>, vector<16xi32>], vector<16xf32>,
        %parallel_loop3A_767 = arith.constant 0 : i32
        %parallel_loop3A_768 = arith.constant 0 : i32
        %parallel_loop3A_769 = tpu.memref_slice %arg8[%parallel_loop3A_504, %parallel_loop3A_767, %parallel_loop3A_768] : memref<5x80x128xf32, #tpu.memory_space<vmem>> -> memref<1x80x128xf32, #tpu.memory_space<vmem>>
        %parallel_loop3A_770 = tpu.memref_squeeze %parallel_loop3A_769 : memref<1x80x128xf32, #tpu.memory_space<vmem>> -> memref<80x128xf32, #tpu.memory_space<vmem>>
        tpu.vector_store_idx %parallel_loop3A_770[%add3A_484, %parallel_loop3A_765], %parallel_loop3A_766 {add = true} : memref<80x128xf32, #tpu.memory_space<vmem>>[vector<16xi32>, vector<16xi32>], vector<16xf32>,
      } {sc.loop_unroll_factor = 8 : i64, sc.parallel_access}
      %mul3A_505 = arith.constant 80 : i32
      %mul3A_506 = arith.muli %add3A_416, %mul3A_505 : i32
      %add3A_507 = arith.addi %mul3A_2, %mul3A_506 : i32
      %dma_start3A_508 = arith.constant 2 : i32
      %dma_start3A_509 = arith.constant 2 : i32
      %dma_start3A_510 = arith.constant 0 : i32
      %dma_start3A_511 = arith.constant 0 : i32
      %dma_start3A_512 = tpu.memref_slice %arg8[%dma_start3A_508, %dma_start3A_510, %dma_start3A_511] : memref<5x80x128xf32, #tpu.memory_space<vmem>> -> memref<1x80x128xf32, #tpu.memory_space<vmem>>
      %dma_start3A_513 = tpu.memref_squeeze %dma_start3A_512 : memref<1x80x128xf32, #tpu.memory_space<vmem>> -> memref<80x128xf32, #tpu.memory_space<vmem>>
      %dma_start3A_514 = arith.constant 0 : i32
      %dma_start3A_515 = tpu.memref_slice %arg5[%add3A_507, %dma_start3A_514] : memref<320000x128xf32, #tpu.memory_space<hbm>> -> memref<80x128xf32, #tpu.memory_space<hbm>>
      %dma_start3A_516 = tpu.memref_slice %arg10[%dma_start3A_509] : memref<5x!tpu.dma_semaphore, #tpu.memory_space<semaphore_mem>> -> memref<1x!tpu.dma_semaphore, #tpu.memory_space<semaphore_mem>>
      %dma_start3A_517 = tpu.memref_squeeze %dma_start3A_516 : memref<1x!tpu.dma_semaphore, #tpu.memory_space<semaphore_mem>> -> memref<!tpu.dma_semaphore, #tpu.memory_space<semaphore_mem>>
      %dma_start3A_518 = arith.constant 0 : i32
      %dma_start3A_519 = tpu.memref_slice %arg5[%add3A_507, %dma_start3A_518] : memref<320000x128xf32, #tpu.memory_space<hbm>> -> memref<80x128xf32, #tpu.memory_space<hbm>>
      %dma_start3A_520 = arith.constant 0 : i32
      %dma_start3A_521 = arith.constant 0 : i32
      %dma_start3A_522 = tpu.memref_slice %arg8[%dma_start3A_508, %dma_start3A_520, %dma_start3A_521] : memref<5x80x128xf32, #tpu.memory_space<vmem>> -> memref<1x80x128xf32, #tpu.memory_space<vmem>>
      %dma_start3A_523 = tpu.memref_squeeze %dma_start3A_522 : memref<1x80x128xf32, #tpu.memory_space<vmem>> -> memref<80x128xf32, #tpu.memory_space<vmem>>
      tpu.enqueue_dma source(%dma_start3A_523 : memref<80x128xf32, #tpu.memory_space<vmem>>) target(%dma_start3A_519 : memref<80x128xf32, #tpu.memory_space<hbm>>) target_semaphore(%dma_start3A_517 : memref<!tpu.dma_semaphore, #tpu.memory_space<semaphore_mem>>)
      %lt3A = arith.constant 24 : i32
      %lt3A_524 = arith.cmpi slt, %scan3A_186, %lt3A : i32
      %convert_element_type3A_525 = arith.extui %lt3A_524 : i1 to i32
      %cond3A_526 = arith.constant 0 : i32
      %cond3A_527 = arith.cmpi ne, %convert_element_type3A_525, %cond3A_526 : i32
      scf.if %cond3A_527 {
        %dma_wait3A_760 = arith.constant 0 : i32
        %dma_wait3A_761 = arith.constant 0 : i32
        %dma_wait3A_762 = arith.constant 0 : i32
        %dma_wait3A_763 = arith.constant 0 : i32
        %dma_wait3A_764 = tpu.memref_slice %arg8[%dma_wait3A_760, %dma_wait3A_762, %dma_wait3A_763] : memref<5x80x128xf32, #tpu.memory_space<vmem>> -> memref<1x80x128xf32, #tpu.memory_space<vmem>>
        %dma_wait3A_765 = tpu.memref_squeeze %dma_wait3A_764 : memref<1x80x128xf32, #tpu.memory_space<vmem>> -> memref<80x128xf32, #tpu.memory_space<vmem>>
        %dma_wait3A_766 = arith.constant 0 : i32
        %dma_wait3A_767 = arith.constant 0 : i32
        %dma_wait3A_768 = tpu.memref_slice %arg5[%dma_wait3A_766, %dma_wait3A_767] : memref<320000x128xf32, #tpu.memory_space<hbm>> -> memref<80x128xf32, #tpu.memory_space<hbm>>
        %dma_wait3A_769 = tpu.memref_slice %arg10[%dma_wait3A_761] : memref<5x!tpu.dma_semaphore, #tpu.memory_space<semaphore_mem>> -> memref<1x!tpu.dma_semaphore, #tpu.memory_space<semaphore_mem>>
        %dma_wait3A_770 = tpu.memref_squeeze %dma_wait3A_769 : memref<1x!tpu.dma_semaphore, #tpu.memory_space<semaphore_mem>> -> memref<!tpu.dma_semaphore, #tpu.memory_space<semaphore_mem>>
        %dma_wait3A_771 = arith.constant 0 : i32
        %dma_wait3A_772 = arith.constant 0 : i32
        %dma_wait3A_773 = tpu.memref_slice %arg5[%dma_wait3A_771, %dma_wait3A_772] : memref<320000x128xf32, #tpu.memory_space<hbm>> -> memref<80x128xf32, #tpu.memory_space<hbm>>
        %dma_wait3A_774 = arith.constant 0 : i32
        %dma_wait3A_775 = arith.constant 0 : i32
        %dma_wait3A_776 = tpu.memref_slice %arg8[%dma_wait3A_760, %dma_wait3A_774, %dma_wait3A_775] : memref<5x80x128xf32, #tpu.memory_space<vmem>> -> memref<1x80x128xf32, #tpu.memory_space<vmem>>
        %dma_wait3A_777 = tpu.memref_squeeze %dma_wait3A_776 : memref<1x80x128xf32, #tpu.memory_space<vmem>> -> memref<80x128xf32, #tpu.memory_space<vmem>>
        tpu.wait_dma2 semaphore(%dma_wait3A_770 : memref<!tpu.dma_semaphore, #tpu.memory_space<semaphore_mem>>) src(%dma_wait3A_777 : memref<80x128xf32, #tpu.memory_space<vmem>>) dst(%dma_wait3A_773 : memref<80x128xf32, #tpu.memory_space<hbm>>)
        %add3A_778 = arith.constant 5 : i32
        %add3A_779 = arith.addi %add3A_416, %add3A_778 : i32
        %sub3A = arith.constant 2 : i32
        %sub3A_780 = arith.subi %add3A_779, %sub3A : i32
        %mul3A_781 = arith.constant 80 : i32
        %mul3A_782 = arith.muli %sub3A_780, %mul3A_781 : i32
        %add3A_783 = arith.addi %mul3A_2, %mul3A_782 : i32
        %dma_start3A_784 = arith.constant 0 : i32
        %dma_start3A_785 = arith.constant 0 : i32
        %dma_start3A_786 = arith.constant 0 : i32
        %dma_start3A_787 = arith.constant 0 : i32
        %dma_start3A_788 = tpu.memref_slice %arg8[%dma_start3A_784, %dma_start3A_786, %dma_start3A_787] : memref<5x80x128xf32, #tpu.memory_space<vmem>> -> memref<1x80x128xf32, #tpu.memory_space<vmem>>
        %dma_start3A_789 = tpu.memref_squeeze %dma_start3A_788 : memref<1x80x128xf32, #tpu.memory_space<vmem>> -> memref<80x128xf32, #tpu.memory_space<vmem>>
        %dma_start3A_790 = arith.constant 0 : i32
        %dma_start3A_791 = tpu.memref_slice %arg2[%add3A_783, %dma_start3A_790] : memref<320000x128xf32, #tpu.memory_space<hbm>> -> memref<80x128xf32, #tpu.memory_space<hbm>>
        %dma_start3A_792 = tpu.memref_slice %arg9[%dma_start3A_785] : memref<5x!tpu.dma_semaphore, #tpu.memory_space<semaphore_mem>> -> memref<1x!tpu.dma_semaphore, #tpu.memory_space<semaphore_mem>>
        %dma_start3A_793 = tpu.memref_squeeze %dma_start3A_792 : memref<1x!tpu.dma_semaphore, #tpu.memory_space<semaphore_mem>> -> memref<!tpu.dma_semaphore, #tpu.memory_space<semaphore_mem>>
        %dma_start3A_794 = arith.constant 0 : i32
        %dma_start3A_795 = arith.constant 0 : i32
        %dma_start3A_796 = tpu.memref_slice %arg8[%dma_start3A_784, %dma_start3A_794, %dma_start3A_795] : memref<5x80x128xf32, #tpu.memory_space<vmem>> -> memref<1x80x128xf32, #tpu.memory_space<vmem>>
        %dma_start3A_797 = tpu.memref_squeeze %dma_start3A_796 : memref<1x80x128xf32, #tpu.memory_space<vmem>> -> memref<80x128xf32, #tpu.memory_space<vmem>>
        %dma_start3A_798 = arith.constant 0 : i32
        %dma_start3A_799 = tpu.memref_slice %arg2[%add3A_783, %dma_start3A_798] : memref<320000x128xf32, #tpu.memory_space<hbm>> -> memref<80x128xf32, #tpu.memory_space<hbm>>
        tpu.enqueue_dma source(%dma_start3A_799 : memref<80x128xf32, #tpu.memory_space<hbm>>) target(%dma_start3A_797 : memref<80x128xf32, #tpu.memory_space<vmem>>) target_semaphore(%dma_start3A_793 : memref<!tpu.dma_semaphore, #tpu.memory_space<semaphore_mem>>)
      } else {
      }
      %mul3A_528 = arith.constant 5 : i32
      %mul3A_529 = arith.muli %scan3A_186, %mul3A_528 : i32
      %add3A_530 = arith.constant 3 : i32
      %add3A_531 = arith.addi %mul3A_529, %add3A_530 : i32
      %dma_wait3A_532 = arith.constant 3 : i32
      %dma_wait3A_533 = arith.constant 3 : i32
      %dma_wait3A_534 = arith.constant 0 : i32
      %dma_wait3A_535 = arith.constant 0 : i32
      %dma_wait3A_536 = tpu.memref_slice %arg8[%dma_wait3A_532, %dma_wait3A_534, %dma_wait3A_535] : memref<5x80x128xf32, #tpu.memory_space<vmem>> -> memref<1x80x128xf32, #tpu.memory_space<vmem>>
      %dma_wait3A_537 = tpu.memref_squeeze %dma_wait3A_536 : memref<1x80x128xf32, #tpu.memory_space<vmem>> -> memref<80x128xf32, #tpu.memory_space<vmem>>
      %dma_wait3A_538 = arith.constant 0 : i32
      %dma_wait3A_539 = arith.constant 0 : i32
      %dma_wait3A_540 = tpu.memref_slice %arg2[%dma_wait3A_538, %dma_wait3A_539] : memref<320000x128xf32, #tpu.memory_space<hbm>> -> memref<80x128xf32, #tpu.memory_space<hbm>>
      %dma_wait3A_541 = tpu.memref_slice %arg9[%dma_wait3A_533] : memref<5x!tpu.dma_semaphore, #tpu.memory_space<semaphore_mem>> -> memref<1x!tpu.dma_semaphore, #tpu.memory_space<semaphore_mem>>
      %dma_wait3A_542 = tpu.memref_squeeze %dma_wait3A_541 : memref<1x!tpu.dma_semaphore, #tpu.memory_space<semaphore_mem>> -> memref<!tpu.dma_semaphore, #tpu.memory_space<semaphore_mem>>
      %dma_wait3A_543 = arith.constant 0 : i32
      %dma_wait3A_544 = arith.constant 0 : i32
      %dma_wait3A_545 = tpu.memref_slice %arg8[%dma_wait3A_532, %dma_wait3A_543, %dma_wait3A_544] : memref<5x80x128xf32, #tpu.memory_space<vmem>> -> memref<1x80x128xf32, #tpu.memory_space<vmem>>
      %dma_wait3A_546 = tpu.memref_squeeze %dma_wait3A_545 : memref<1x80x128xf32, #tpu.memory_space<vmem>> -> memref<80x128xf32, #tpu.memory_space<vmem>>
      %dma_wait3A_547 = arith.constant 0 : i32
      %dma_wait3A_548 = arith.constant 0 : i32
      %dma_wait3A_549 = tpu.memref_slice %arg2[%dma_wait3A_547, %dma_wait3A_548] : memref<320000x128xf32, #tpu.memory_space<hbm>> -> memref<80x128xf32, #tpu.memory_space<hbm>>
      tpu.wait_dma2 semaphore(%dma_wait3A_542 : memref<!tpu.dma_semaphore, #tpu.memory_space<semaphore_mem>>) src(%dma_wait3A_549 : memref<80x128xf32, #tpu.memory_space<hbm>>) dst(%dma_wait3A_546 : memref<80x128xf32, #tpu.memory_space<vmem>>)
      %mul3A_550 = arith.constant 80 : i32
      %mul3A_551 = arith.muli %add3A_531, %mul3A_550 : i32
      %add3A_552 = arith.constant 0 : i32
      %add3A_553 = arith.addi %mul3A_551, %add3A_552 : i32
      %broadcast_in_dim3A_554 = vector.broadcast %add3A_553 : i32 to vector<16xi32>
      %add3A_555 = arith.addi %broadcast_in_dim3A_554, %iota3A : vector<16xi32>
      %gather3A_556 = tpu.vector_load_idx %arg7[%add3A_555] : memref<10000xi32, #tpu.memory_space<vmem>>[vector<16xi32>], vector<16xi32>,
      %mul3A_557 = arith.constant 80 : i32
      %mul3A_558 = arith.muli %add3A_531, %mul3A_557 : i32
      %add3A_559 = arith.constant 16 : i32
      %add3A_560 = arith.addi %mul3A_558, %add3A_559 : i32
      %broadcast_in_dim3A_561 = vector.broadcast %add3A_560 : i32 to vector<16xi32>
      %add3A_562 = arith.addi %broadcast_in_dim3A_561, %iota3A : vector<16xi32>
      %gather3A_563 = tpu.vector_load_idx %arg7[%add3A_562] : memref<10000xi32, #tpu.memory_space<vmem>>[vector<16xi32>], vector<16xi32>,
      %mul3A_564 = arith.constant 80 : i32
      %mul3A_565 = arith.muli %add3A_531, %mul3A_564 : i32
      %add3A_566 = arith.constant 32 : i32
      %add3A_567 = arith.addi %mul3A_565, %add3A_566 : i32
      %broadcast_in_dim3A_568 = vector.broadcast %add3A_567 : i32 to vector<16xi32>
      %add3A_569 = arith.addi %broadcast_in_dim3A_568, %iota3A : vector<16xi32>
      %gather3A_570 = tpu.vector_load_idx %arg7[%add3A_569] : memref<10000xi32, #tpu.memory_space<vmem>>[vector<16xi32>], vector<16xi32>,
      %mul3A_571 = arith.constant 80 : i32
      %mul3A_572 = arith.muli %add3A_531, %mul3A_571 : i32
      %add3A_573 = arith.constant 48 : i32
      %add3A_574 = arith.addi %mul3A_572, %add3A_573 : i32
      %broadcast_in_dim3A_575 = vector.broadcast %add3A_574 : i32 to vector<16xi32>
      %add3A_576 = arith.addi %broadcast_in_dim3A_575, %iota3A : vector<16xi32>
      %gather3A_577 = tpu.vector_load_idx %arg7[%add3A_576] : memref<10000xi32, #tpu.memory_space<vmem>>[vector<16xi32>], vector<16xi32>,
      %mul3A_578 = arith.constant 80 : i32
      %mul3A_579 = arith.muli %add3A_531, %mul3A_578 : i32
      %add3A_580 = arith.constant 64 : i32
      %add3A_581 = arith.addi %mul3A_579, %add3A_580 : i32
      %broadcast_in_dim3A_582 = vector.broadcast %add3A_581 : i32 to vector<16xi32>
      %add3A_583 = arith.addi %broadcast_in_dim3A_582, %iota3A : vector<16xi32>
      %gather3A_584 = tpu.vector_load_idx %arg7[%add3A_583] : memref<10000xi32, #tpu.memory_space<vmem>>[vector<16xi32>], vector<16xi32>,
      %add3A_585 = arith.constant 0 : i32
      %add3A_586 = vector.broadcast %add3A_585 : i32 to vector<16xi32>
      %add3A_587 = arith.addi %iota3A, %add3A_586 : vector<16xi32>
      %add3A_588 = arith.constant 16 : i32
      %add3A_589 = vector.broadcast %add3A_588 : i32 to vector<16xi32>
      %add3A_590 = arith.addi %iota3A, %add3A_589 : vector<16xi32>
      %add3A_591 = arith.constant 32 : i32
      %add3A_592 = vector.broadcast %add3A_591 : i32 to vector<16xi32>
      %add3A_593 = arith.addi %iota3A, %add3A_592 : vector<16xi32>
      %add3A_594 = arith.constant 48 : i32
      %add3A_595 = vector.broadcast %add3A_594 : i32 to vector<16xi32>
      %add3A_596 = arith.addi %iota3A, %add3A_595 : vector<16xi32>
      %add3A_597 = arith.constant 64 : i32
      %add3A_598 = vector.broadcast %add3A_597 : i32 to vector<16xi32>
      %add3A_599 = arith.addi %iota3A, %add3A_598 : vector<16xi32>
      %parallel_loop3A_600 = arith.constant 0 : i32
      %parallel_loop3A_601 = arith.constant 128 : i32
      %parallel_loop3A_602 = arith.constant 1 : i32
      %parallel_loop3A_603 = arith.constant 3 : i32
      scf.for %parallel_loop3A_760 = %parallel_loop3A_600 to %parallel_loop3A_601 step %parallel_loop3A_602  : i32 {
        %parallel_loop3A_761 = vector.broadcast %parallel_loop3A_760 : i32 to vector<16xi32>
        %parallel_loop3A_762 = arith.addi %parallel_loop3A_761, %iota3A : vector<16xi32>
        %parallel_loop3A_763 = arith.constant 127 : i32
        %parallel_loop3A_764 = vector.broadcast %parallel_loop3A_763 : i32 to vector<16xi32>
        %parallel_loop3A_765 = arith.andi %parallel_loop3A_762, %parallel_loop3A_764 : vector<16xi32>
        %parallel_loop3A_766 = tpu.vector_load_idx %arg6[%gather3A_556, %parallel_loop3A_765] : memref<5x128xf32, #tpu.memory_space<vmem>>[vector<16xi32>, vector<16xi32>], vector<16xf32>,
        %parallel_loop3A_767 = arith.constant 0 : i32
        %parallel_loop3A_768 = arith.constant 0 : i32
        %parallel_loop3A_769 = tpu.memref_slice %arg8[%parallel_loop3A_603, %parallel_loop3A_767, %parallel_loop3A_768] : memref<5x80x128xf32, #tpu.memory_space<vmem>> -> memref<1x80x128xf32, #tpu.memory_space<vmem>>
        %parallel_loop3A_770 = tpu.memref_squeeze %parallel_loop3A_769 : memref<1x80x128xf32, #tpu.memory_space<vmem>> -> memref<80x128xf32, #tpu.memory_space<vmem>>
        tpu.vector_store_idx %parallel_loop3A_770[%add3A_587, %parallel_loop3A_765], %parallel_loop3A_766 {add = true} : memref<80x128xf32, #tpu.memory_space<vmem>>[vector<16xi32>, vector<16xi32>], vector<16xf32>,
      } {sc.loop_unroll_factor = 8 : i64, sc.parallel_access}
      %parallel_loop3A_604 = arith.constant 0 : i32
      %parallel_loop3A_605 = arith.constant 128 : i32
      %parallel_loop3A_606 = arith.constant 1 : i32
      %parallel_loop3A_607 = arith.constant 3 : i32
      scf.for %parallel_loop3A_760 = %parallel_loop3A_604 to %parallel_loop3A_605 step %parallel_loop3A_606  : i32 {
        %parallel_loop3A_761 = vector.broadcast %parallel_loop3A_760 : i32 to vector<16xi32>
        %parallel_loop3A_762 = arith.addi %parallel_loop3A_761, %iota3A : vector<16xi32>
        %parallel_loop3A_763 = arith.constant 127 : i32
        %parallel_loop3A_764 = vector.broadcast %parallel_loop3A_763 : i32 to vector<16xi32>
        %parallel_loop3A_765 = arith.andi %parallel_loop3A_762, %parallel_loop3A_764 : vector<16xi32>
        %parallel_loop3A_766 = tpu.vector_load_idx %arg6[%gather3A_563, %parallel_loop3A_765] : memref<5x128xf32, #tpu.memory_space<vmem>>[vector<16xi32>, vector<16xi32>], vector<16xf32>,
        %parallel_loop3A_767 = arith.constant 0 : i32
        %parallel_loop3A_768 = arith.constant 0 : i32
        %parallel_loop3A_769 = tpu.memref_slice %arg8[%parallel_loop3A_607, %parallel_loop3A_767, %parallel_loop3A_768] : memref<5x80x128xf32, #tpu.memory_space<vmem>> -> memref<1x80x128xf32, #tpu.memory_space<vmem>>
        %parallel_loop3A_770 = tpu.memref_squeeze %parallel_loop3A_769 : memref<1x80x128xf32, #tpu.memory_space<vmem>> -> memref<80x128xf32, #tpu.memory_space<vmem>>
        tpu.vector_store_idx %parallel_loop3A_770[%add3A_590, %parallel_loop3A_765], %parallel_loop3A_766 {add = true} : memref<80x128xf32, #tpu.memory_space<vmem>>[vector<16xi32>, vector<16xi32>], vector<16xf32>,
      } {sc.loop_unroll_factor = 8 : i64, sc.parallel_access}
      %parallel_loop3A_608 = arith.constant 0 : i32
      %parallel_loop3A_609 = arith.constant 128 : i32
      %parallel_loop3A_610 = arith.constant 1 : i32
      %parallel_loop3A_611 = arith.constant 3 : i32
      scf.for %parallel_loop3A_760 = %parallel_loop3A_608 to %parallel_loop3A_609 step %parallel_loop3A_610  : i32 {
        %parallel_loop3A_761 = vector.broadcast %parallel_loop3A_760 : i32 to vector<16xi32>
        %parallel_loop3A_762 = arith.addi %parallel_loop3A_761, %iota3A : vector<16xi32>
        %parallel_loop3A_763 = arith.constant 127 : i32
        %parallel_loop3A_764 = vector.broadcast %parallel_loop3A_763 : i32 to vector<16xi32>
        %parallel_loop3A_765 = arith.andi %parallel_loop3A_762, %parallel_loop3A_764 : vector<16xi32>
        %parallel_loop3A_766 = tpu.vector_load_idx %arg6[%gather3A_570, %parallel_loop3A_765] : memref<5x128xf32, #tpu.memory_space<vmem>>[vector<16xi32>, vector<16xi32>], vector<16xf32>,
        %parallel_loop3A_767 = arith.constant 0 : i32
        %parallel_loop3A_768 = arith.constant 0 : i32
        %parallel_loop3A_769 = tpu.memref_slice %arg8[%parallel_loop3A_611, %parallel_loop3A_767, %parallel_loop3A_768] : memref<5x80x128xf32, #tpu.memory_space<vmem>> -> memref<1x80x128xf32, #tpu.memory_space<vmem>>
        %parallel_loop3A_770 = tpu.memref_squeeze %parallel_loop3A_769 : memref<1x80x128xf32, #tpu.memory_space<vmem>> -> memref<80x128xf32, #tpu.memory_space<vmem>>
        tpu.vector_store_idx %parallel_loop3A_770[%add3A_593, %parallel_loop3A_765], %parallel_loop3A_766 {add = true} : memref<80x128xf32, #tpu.memory_space<vmem>>[vector<16xi32>, vector<16xi32>], vector<16xf32>,
      } {sc.loop_unroll_factor = 8 : i64, sc.parallel_access}
      %parallel_loop3A_612 = arith.constant 0 : i32
      %parallel_loop3A_613 = arith.constant 128 : i32
      %parallel_loop3A_614 = arith.constant 1 : i32
      %parallel_loop3A_615 = arith.constant 3 : i32
      scf.for %parallel_loop3A_760 = %parallel_loop3A_612 to %parallel_loop3A_613 step %parallel_loop3A_614  : i32 {
        %parallel_loop3A_761 = vector.broadcast %parallel_loop3A_760 : i32 to vector<16xi32>
        %parallel_loop3A_762 = arith.addi %parallel_loop3A_761, %iota3A : vector<16xi32>
        %parallel_loop3A_763 = arith.constant 127 : i32
        %parallel_loop3A_764 = vector.broadcast %parallel_loop3A_763 : i32 to vector<16xi32>
        %parallel_loop3A_765 = arith.andi %parallel_loop3A_762, %parallel_loop3A_764 : vector<16xi32>
        %parallel_loop3A_766 = tpu.vector_load_idx %arg6[%gather3A_577, %parallel_loop3A_765] : memref<5x128xf32, #tpu.memory_space<vmem>>[vector<16xi32>, vector<16xi32>], vector<16xf32>,
        %parallel_loop3A_767 = arith.constant 0 : i32
        %parallel_loop3A_768 = arith.constant 0 : i32
        %parallel_loop3A_769 = tpu.memref_slice %arg8[%parallel_loop3A_615, %parallel_loop3A_767, %parallel_loop3A_768] : memref<5x80x128xf32, #tpu.memory_space<vmem>> -> memref<1x80x128xf32, #tpu.memory_space<vmem>>
        %parallel_loop3A_770 = tpu.memref_squeeze %parallel_loop3A_769 : memref<1x80x128xf32, #tpu.memory_space<vmem>> -> memref<80x128xf32, #tpu.memory_space<vmem>>
        tpu.vector_store_idx %parallel_loop3A_770[%add3A_596, %parallel_loop3A_765], %parallel_loop3A_766 {add = true} : memref<80x128xf32, #tpu.memory_space<vmem>>[vector<16xi32>, vector<16xi32>], vector<16xf32>,
      } {sc.loop_unroll_factor = 8 : i64, sc.parallel_access}
      %parallel_loop3A_616 = arith.constant 0 : i32
      %parallel_loop3A_617 = arith.constant 128 : i32
      %parallel_loop3A_618 = arith.constant 1 : i32
      %parallel_loop3A_619 = arith.constant 3 : i32
      scf.for %parallel_loop3A_760 = %parallel_loop3A_616 to %parallel_loop3A_617 step %parallel_loop3A_618  : i32 {
        %parallel_loop3A_761 = vector.broadcast %parallel_loop3A_760 : i32 to vector<16xi32>
        %parallel_loop3A_762 = arith.addi %parallel_loop3A_761, %iota3A : vector<16xi32>
        %parallel_loop3A_763 = arith.constant 127 : i32
        %parallel_loop3A_764 = vector.broadcast %parallel_loop3A_763 : i32 to vector<16xi32>
        %parallel_loop3A_765 = arith.andi %parallel_loop3A_762, %parallel_loop3A_764 : vector<16xi32>
        %parallel_loop3A_766 = tpu.vector_load_idx %arg6[%gather3A_584, %parallel_loop3A_765] : memref<5x128xf32, #tpu.memory_space<vmem>>[vector<16xi32>, vector<16xi32>], vector<16xf32>,
        %parallel_loop3A_767 = arith.constant 0 : i32
        %parallel_loop3A_768 = arith.constant 0 : i32
        %parallel_loop3A_769 = tpu.memref_slice %arg8[%parallel_loop3A_619, %parallel_loop3A_767, %parallel_loop3A_768] : memref<5x80x128xf32, #tpu.memory_space<vmem>> -> memref<1x80x128xf32, #tpu.memory_space<vmem>>
        %parallel_loop3A_770 = tpu.memref_squeeze %parallel_loop3A_769 : memref<1x80x128xf32, #tpu.memory_space<vmem>> -> memref<80x128xf32, #tpu.memory_space<vmem>>
        tpu.vector_store_idx %parallel_loop3A_770[%add3A_599, %parallel_loop3A_765], %parallel_loop3A_766 {add = true} : memref<80x128xf32, #tpu.memory_space<vmem>>[vector<16xi32>, vector<16xi32>], vector<16xf32>,
      } {sc.loop_unroll_factor = 8 : i64, sc.parallel_access}
      %mul3A_620 = arith.constant 80 : i32
      %mul3A_621 = arith.muli %add3A_531, %mul3A_620 : i32
      %add3A_622 = arith.addi %mul3A_2, %mul3A_621 : i32
      %dma_start3A_623 = arith.constant 3 : i32
      %dma_start3A_624 = arith.constant 3 : i32
      %dma_start3A_625 = arith.constant 0 : i32
      %dma_start3A_626 = arith.constant 0 : i32
      %dma_start3A_627 = tpu.memref_slice %arg8[%dma_start3A_623, %dma_start3A_625, %dma_start3A_626] : memref<5x80x128xf32, #tpu.memory_space<vmem>> -> memref<1x80x128xf32, #tpu.memory_space<vmem>>
      %dma_start3A_628 = tpu.memref_squeeze %dma_start3A_627 : memref<1x80x128xf32, #tpu.memory_space<vmem>> -> memref<80x128xf32, #tpu.memory_space<vmem>>
      %dma_start3A_629 = arith.constant 0 : i32
      %dma_start3A_630 = tpu.memref_slice %arg5[%add3A_622, %dma_start3A_629] : memref<320000x128xf32, #tpu.memory_space<hbm>> -> memref<80x128xf32, #tpu.memory_space<hbm>>
      %dma_start3A_631 = tpu.memref_slice %arg10[%dma_start3A_624] : memref<5x!tpu.dma_semaphore, #tpu.memory_space<semaphore_mem>> -> memref<1x!tpu.dma_semaphore, #tpu.memory_space<semaphore_mem>>
      %dma_start3A_632 = tpu.memref_squeeze %dma_start3A_631 : memref<1x!tpu.dma_semaphore, #tpu.memory_space<semaphore_mem>> -> memref<!tpu.dma_semaphore, #tpu.memory_space<semaphore_mem>>
      %dma_start3A_633 = arith.constant 0 : i32
      %dma_start3A_634 = tpu.memref_slice %arg5[%add3A_622, %dma_start3A_633] : memref<320000x128xf32, #tpu.memory_space<hbm>> -> memref<80x128xf32, #tpu.memory_space<hbm>>
      %dma_start3A_635 = arith.constant 0 : i32
      %dma_start3A_636 = arith.constant 0 : i32
      %dma_start3A_637 = tpu.memref_slice %arg8[%dma_start3A_623, %dma_start3A_635, %dma_start3A_636] : memref<5x80x128xf32, #tpu.memory_space<vmem>> -> memref<1x80x128xf32, #tpu.memory_space<vmem>>
      %dma_start3A_638 = tpu.memref_squeeze %dma_start3A_637 : memref<1x80x128xf32, #tpu.memory_space<vmem>> -> memref<80x128xf32, #tpu.memory_space<vmem>>
      tpu.enqueue_dma source(%dma_start3A_638 : memref<80x128xf32, #tpu.memory_space<vmem>>) target(%dma_start3A_634 : memref<80x128xf32, #tpu.memory_space<hbm>>) target_semaphore(%dma_start3A_632 : memref<!tpu.dma_semaphore, #tpu.memory_space<semaphore_mem>>)
      %lt3A_639 = arith.constant 24 : i32
      %lt3A_640 = arith.cmpi slt, %scan3A_186, %lt3A_639 : i32
      %convert_element_type3A_641 = arith.extui %lt3A_640 : i1 to i32
      %cond3A_642 = arith.constant 0 : i32
      %cond3A_643 = arith.cmpi ne, %convert_element_type3A_641, %cond3A_642 : i32
      scf.if %cond3A_643 {
        %dma_wait3A_760 = arith.constant 1 : i32
        %dma_wait3A_761 = arith.constant 1 : i32
        %dma_wait3A_762 = arith.constant 0 : i32
        %dma_wait3A_763 = arith.constant 0 : i32
        %dma_wait3A_764 = tpu.memref_slice %arg8[%dma_wait3A_760, %dma_wait3A_762, %dma_wait3A_763] : memref<5x80x128xf32, #tpu.memory_space<vmem>> -> memref<1x80x128xf32, #tpu.memory_space<vmem>>
        %dma_wait3A_765 = tpu.memref_squeeze %dma_wait3A_764 : memref<1x80x128xf32, #tpu.memory_space<vmem>> -> memref<80x128xf32, #tpu.memory_space<vmem>>
        %dma_wait3A_766 = arith.constant 0 : i32
        %dma_wait3A_767 = arith.constant 0 : i32
        %dma_wait3A_768 = tpu.memref_slice %arg5[%dma_wait3A_766, %dma_wait3A_767] : memref<320000x128xf32, #tpu.memory_space<hbm>> -> memref<80x128xf32, #tpu.memory_space<hbm>>
        %dma_wait3A_769 = tpu.memref_slice %arg10[%dma_wait3A_761] : memref<5x!tpu.dma_semaphore, #tpu.memory_space<semaphore_mem>> -> memref<1x!tpu.dma_semaphore, #tpu.memory_space<semaphore_mem>>
        %dma_wait3A_770 = tpu.memref_squeeze %dma_wait3A_769 : memref<1x!tpu.dma_semaphore, #tpu.memory_space<semaphore_mem>> -> memref<!tpu.dma_semaphore, #tpu.memory_space<semaphore_mem>>
        %dma_wait3A_771 = arith.constant 0 : i32
        %dma_wait3A_772 = arith.constant 0 : i32
        %dma_wait3A_773 = tpu.memref_slice %arg5[%dma_wait3A_771, %dma_wait3A_772] : memref<320000x128xf32, #tpu.memory_space<hbm>> -> memref<80x128xf32, #tpu.memory_space<hbm>>
        %dma_wait3A_774 = arith.constant 0 : i32
        %dma_wait3A_775 = arith.constant 0 : i32
        %dma_wait3A_776 = tpu.memref_slice %arg8[%dma_wait3A_760, %dma_wait3A_774, %dma_wait3A_775] : memref<5x80x128xf32, #tpu.memory_space<vmem>> -> memref<1x80x128xf32, #tpu.memory_space<vmem>>
        %dma_wait3A_777 = tpu.memref_squeeze %dma_wait3A_776 : memref<1x80x128xf32, #tpu.memory_space<vmem>> -> memref<80x128xf32, #tpu.memory_space<vmem>>
        tpu.wait_dma2 semaphore(%dma_wait3A_770 : memref<!tpu.dma_semaphore, #tpu.memory_space<semaphore_mem>>) src(%dma_wait3A_777 : memref<80x128xf32, #tpu.memory_space<vmem>>) dst(%dma_wait3A_773 : memref<80x128xf32, #tpu.memory_space<hbm>>)
        %add3A_778 = arith.constant 5 : i32
        %add3A_779 = arith.addi %add3A_531, %add3A_778 : i32
        %sub3A = arith.constant 2 : i32
        %sub3A_780 = arith.subi %add3A_779, %sub3A : i32
        %mul3A_781 = arith.constant 80 : i32
        %mul3A_782 = arith.muli %sub3A_780, %mul3A_781 : i32
        %add3A_783 = arith.addi %mul3A_2, %mul3A_782 : i32
        %dma_start3A_784 = arith.constant 1 : i32
        %dma_start3A_785 = arith.constant 1 : i32
        %dma_start3A_786 = arith.constant 0 : i32
        %dma_start3A_787 = arith.constant 0 : i32
        %dma_start3A_788 = tpu.memref_slice %arg8[%dma_start3A_784, %dma_start3A_786, %dma_start3A_787] : memref<5x80x128xf32, #tpu.memory_space<vmem>> -> memref<1x80x128xf32, #tpu.memory_space<vmem>>
        %dma_start3A_789 = tpu.memref_squeeze %dma_start3A_788 : memref<1x80x128xf32, #tpu.memory_space<vmem>> -> memref<80x128xf32, #tpu.memory_space<vmem>>
        %dma_start3A_790 = arith.constant 0 : i32
        %dma_start3A_791 = tpu.memref_slice %arg2[%add3A_783, %dma_start3A_790] : memref<320000x128xf32, #tpu.memory_space<hbm>> -> memref<80x128xf32, #tpu.memory_space<hbm>>
        %dma_start3A_792 = tpu.memref_slice %arg9[%dma_start3A_785] : memref<5x!tpu.dma_semaphore, #tpu.memory_space<semaphore_mem>> -> memref<1x!tpu.dma_semaphore, #tpu.memory_space<semaphore_mem>>
        %dma_start3A_793 = tpu.memref_squeeze %dma_start3A_792 : memref<1x!tpu.dma_semaphore, #tpu.memory_space<semaphore_mem>> -> memref<!tpu.dma_semaphore, #tpu.memory_space<semaphore_mem>>
        %dma_start3A_794 = arith.constant 0 : i32
        %dma_start3A_795 = arith.constant 0 : i32
        %dma_start3A_796 = tpu.memref_slice %arg8[%dma_start3A_784, %dma_start3A_794, %dma_start3A_795] : memref<5x80x128xf32, #tpu.memory_space<vmem>> -> memref<1x80x128xf32, #tpu.memory_space<vmem>>
        %dma_start3A_797 = tpu.memref_squeeze %dma_start3A_796 : memref<1x80x128xf32, #tpu.memory_space<vmem>> -> memref<80x128xf32, #tpu.memory_space<vmem>>
        %dma_start3A_798 = arith.constant 0 : i32
        %dma_start3A_799 = tpu.memref_slice %arg2[%add3A_783, %dma_start3A_798] : memref<320000x128xf32, #tpu.memory_space<hbm>> -> memref<80x128xf32, #tpu.memory_space<hbm>>
        tpu.enqueue_dma source(%dma_start3A_799 : memref<80x128xf32, #tpu.memory_space<hbm>>) target(%dma_start3A_797 : memref<80x128xf32, #tpu.memory_space<vmem>>) target_semaphore(%dma_start3A_793 : memref<!tpu.dma_semaphore, #tpu.memory_space<semaphore_mem>>)
      } else {
      }
      %mul3A_644 = arith.constant 5 : i32
      %mul3A_645 = arith.muli %scan3A_186, %mul3A_644 : i32
      %add3A_646 = arith.constant 4 : i32
      %add3A_647 = arith.addi %mul3A_645, %add3A_646 : i32
      %dma_wait3A_648 = arith.constant 4 : i32
      %dma_wait3A_649 = arith.constant 4 : i32
      %dma_wait3A_650 = arith.constant 0 : i32
      %dma_wait3A_651 = arith.constant 0 : i32
      %dma_wait3A_652 = tpu.memref_slice %arg8[%dma_wait3A_648, %dma_wait3A_650, %dma_wait3A_651] : memref<5x80x128xf32, #tpu.memory_space<vmem>> -> memref<1x80x128xf32, #tpu.memory_space<vmem>>
      %dma_wait3A_653 = tpu.memref_squeeze %dma_wait3A_652 : memref<1x80x128xf32, #tpu.memory_space<vmem>> -> memref<80x128xf32, #tpu.memory_space<vmem>>
      %dma_wait3A_654 = arith.constant 0 : i32
      %dma_wait3A_655 = arith.constant 0 : i32
      %dma_wait3A_656 = tpu.memref_slice %arg2[%dma_wait3A_654, %dma_wait3A_655] : memref<320000x128xf32, #tpu.memory_space<hbm>> -> memref<80x128xf32, #tpu.memory_space<hbm>>
      %dma_wait3A_657 = tpu.memref_slice %arg9[%dma_wait3A_649] : memref<5x!tpu.dma_semaphore, #tpu.memory_space<semaphore_mem>> -> memref<1x!tpu.dma_semaphore, #tpu.memory_space<semaphore_mem>>
      %dma_wait3A_658 = tpu.memref_squeeze %dma_wait3A_657 : memref<1x!tpu.dma_semaphore, #tpu.memory_space<semaphore_mem>> -> memref<!tpu.dma_semaphore, #tpu.memory_space<semaphore_mem>>
      %dma_wait3A_659 = arith.constant 0 : i32
      %dma_wait3A_660 = arith.constant 0 : i32
      %dma_wait3A_661 = tpu.memref_slice %arg8[%dma_wait3A_648, %dma_wait3A_659, %dma_wait3A_660] : memref<5x80x128xf32, #tpu.memory_space<vmem>> -> memref<1x80x128xf32, #tpu.memory_space<vmem>>
      %dma_wait3A_662 = tpu.memref_squeeze %dma_wait3A_661 : memref<1x80x128xf32, #tpu.memory_space<vmem>> -> memref<80x128xf32, #tpu.memory_space<vmem>>
      %dma_wait3A_663 = arith.constant 0 : i32
      %dma_wait3A_664 = arith.constant 0 : i32
      %dma_wait3A_665 = tpu.memref_slice %arg2[%dma_wait3A_663, %dma_wait3A_664] : memref<320000x128xf32, #tpu.memory_space<hbm>> -> memref<80x128xf32, #tpu.memory_space<hbm>>
      tpu.wait_dma2 semaphore(%dma_wait3A_658 : memref<!tpu.dma_semaphore, #tpu.memory_space<semaphore_mem>>) src(%dma_wait3A_665 : memref<80x128xf32, #tpu.memory_space<hbm>>) dst(%dma_wait3A_662 : memref<80x128xf32, #tpu.memory_space<vmem>>)
      %mul3A_666 = arith.constant 80 : i32
      %mul3A_667 = arith.muli %add3A_647, %mul3A_666 : i32
      %add3A_668 = arith.constant 0 : i32
      %add3A_669 = arith.addi %mul3A_667, %add3A_668 : i32
      %broadcast_in_dim3A_670 = vector.broadcast %add3A_669 : i32 to vector<16xi32>
      %add3A_671 = arith.addi %broadcast_in_dim3A_670, %iota3A : vector<16xi32>
      %gather3A_672 = tpu.vector_load_idx %arg7[%add3A_671] : memref<10000xi32, #tpu.memory_space<vmem>>[vector<16xi32>], vector<16xi32>,
      %mul3A_673 = arith.constant 80 : i32
      %mul3A_674 = arith.muli %add3A_647, %mul3A_673 : i32
      %add3A_675 = arith.constant 16 : i32
      %add3A_676 = arith.addi %mul3A_674, %add3A_675 : i32
      %broadcast_in_dim3A_677 = vector.broadcast %add3A_676 : i32 to vector<16xi32>
      %add3A_678 = arith.addi %broadcast_in_dim3A_677, %iota3A : vector<16xi32>
      %gather3A_679 = tpu.vector_load_idx %arg7[%add3A_678] : memref<10000xi32, #tpu.memory_space<vmem>>[vector<16xi32>], vector<16xi32>,
      %mul3A_680 = arith.constant 80 : i32
      %mul3A_681 = arith.muli %add3A_647, %mul3A_680 : i32
      %add3A_682 = arith.constant 32 : i32
      %add3A_683 = arith.addi %mul3A_681, %add3A_682 : i32
      %broadcast_in_dim3A_684 = vector.broadcast %add3A_683 : i32 to vector<16xi32>
      %add3A_685 = arith.addi %broadcast_in_dim3A_684, %iota3A : vector<16xi32>
      %gather3A_686 = tpu.vector_load_idx %arg7[%add3A_685] : memref<10000xi32, #tpu.memory_space<vmem>>[vector<16xi32>], vector<16xi32>,
      %mul3A_687 = arith.constant 80 : i32
      %mul3A_688 = arith.muli %add3A_647, %mul3A_687 : i32
      %add3A_689 = arith.constant 48 : i32
      %add3A_690 = arith.addi %mul3A_688, %add3A_689 : i32
      %broadcast_in_dim3A_691 = vector.broadcast %add3A_690 : i32 to vector<16xi32>
      %add3A_692 = arith.addi %broadcast_in_dim3A_691, %iota3A : vector<16xi32>
      %gather3A_693 = tpu.vector_load_idx %arg7[%add3A_692] : memref<10000xi32, #tpu.memory_space<vmem>>[vector<16xi32>], vector<16xi32>,
      %mul3A_694 = arith.constant 80 : i32
      %mul3A_695 = arith.muli %add3A_647, %mul3A_694 : i32
      %add3A_696 = arith.constant 64 : i32
      %add3A_697 = arith.addi %mul3A_695, %add3A_696 : i32
      %broadcast_in_dim3A_698 = vector.broadcast %add3A_697 : i32 to vector<16xi32>
      %add3A_699 = arith.addi %broadcast_in_dim3A_698, %iota3A : vector<16xi32>
      %gather3A_700 = tpu.vector_load_idx %arg7[%add3A_699] : memref<10000xi32, #tpu.memory_space<vmem>>[vector<16xi32>], vector<16xi32>,
      %add3A_701 = arith.constant 0 : i32
      %add3A_702 = vector.broadcast %add3A_701 : i32 to vector<16xi32>
      %add3A_703 = arith.addi %iota3A, %add3A_702 : vector<16xi32>
      %add3A_704 = arith.constant 16 : i32
      %add3A_705 = vector.broadcast %add3A_704 : i32 to vector<16xi32>
      %add3A_706 = arith.addi %iota3A, %add3A_705 : vector<16xi32>
      %add3A_707 = arith.constant 32 : i32
      %add3A_708 = vector.broadcast %add3A_707 : i32 to vector<16xi32>
      %add3A_709 = arith.addi %iota3A, %add3A_708 : vector<16xi32>
      %add3A_710 = arith.constant 48 : i32
      %add3A_711 = vector.broadcast %add3A_710 : i32 to vector<16xi32>
      %add3A_712 = arith.addi %iota3A, %add3A_711 : vector<16xi32>
      %add3A_713 = arith.constant 64 : i32
      %add3A_714 = vector.broadcast %add3A_713 : i32 to vector<16xi32>
      %add3A_715 = arith.addi %iota3A, %add3A_714 : vector<16xi32>
      %parallel_loop3A_716 = arith.constant 0 : i32
      %parallel_loop3A_717 = arith.constant 128 : i32
      %parallel_loop3A_718 = arith.constant 1 : i32
      %parallel_loop3A_719 = arith.constant 4 : i32
      scf.for %parallel_loop3A_760 = %parallel_loop3A_716 to %parallel_loop3A_717 step %parallel_loop3A_718  : i32 {
        %parallel_loop3A_761 = vector.broadcast %parallel_loop3A_760 : i32 to vector<16xi32>
        %parallel_loop3A_762 = arith.addi %parallel_loop3A_761, %iota3A : vector<16xi32>
        %parallel_loop3A_763 = arith.constant 127 : i32
        %parallel_loop3A_764 = vector.broadcast %parallel_loop3A_763 : i32 to vector<16xi32>
        %parallel_loop3A_765 = arith.andi %parallel_loop3A_762, %parallel_loop3A_764 : vector<16xi32>
        %parallel_loop3A_766 = tpu.vector_load_idx %arg6[%gather3A_672, %parallel_loop3A_765] : memref<5x128xf32, #tpu.memory_space<vmem>>[vector<16xi32>, vector<16xi32>], vector<16xf32>,
        %parallel_loop3A_767 = arith.constant 0 : i32
        %parallel_loop3A_768 = arith.constant 0 : i32
        %parallel_loop3A_769 = tpu.memref_slice %arg8[%parallel_loop3A_719, %parallel_loop3A_767, %parallel_loop3A_768] : memref<5x80x128xf32, #tpu.memory_space<vmem>> -> memref<1x80x128xf32, #tpu.memory_space<vmem>>
        %parallel_loop3A_770 = tpu.memref_squeeze %parallel_loop3A_769 : memref<1x80x128xf32, #tpu.memory_space<vmem>> -> memref<80x128xf32, #tpu.memory_space<vmem>>
        tpu.vector_store_idx %parallel_loop3A_770[%add3A_703, %parallel_loop3A_765], %parallel_loop3A_766 {add = true} : memref<80x128xf32, #tpu.memory_space<vmem>>[vector<16xi32>, vector<16xi32>], vector<16xf32>,
      } {sc.loop_unroll_factor = 8 : i64, sc.parallel_access}
      %parallel_loop3A_720 = arith.constant 0 : i32
      %parallel_loop3A_721 = arith.constant 128 : i32
      %parallel_loop3A_722 = arith.constant 1 : i32
      %parallel_loop3A_723 = arith.constant 4 : i32
      scf.for %parallel_loop3A_760 = %parallel_loop3A_720 to %parallel_loop3A_721 step %parallel_loop3A_722  : i32 {
        %parallel_loop3A_761 = vector.broadcast %parallel_loop3A_760 : i32 to vector<16xi32>
        %parallel_loop3A_762 = arith.addi %parallel_loop3A_761, %iota3A : vector<16xi32>
        %parallel_loop3A_763 = arith.constant 127 : i32
        %parallel_loop3A_764 = vector.broadcast %parallel_loop3A_763 : i32 to vector<16xi32>
        %parallel_loop3A_765 = arith.andi %parallel_loop3A_762, %parallel_loop3A_764 : vector<16xi32>
        %parallel_loop3A_766 = tpu.vector_load_idx %arg6[%gather3A_679, %parallel_loop3A_765] : memref<5x128xf32, #tpu.memory_space<vmem>>[vector<16xi32>, vector<16xi32>], vector<16xf32>,
        %parallel_loop3A_767 = arith.constant 0 : i32
        %parallel_loop3A_768 = arith.constant 0 : i32
        %parallel_loop3A_769 = tpu.memref_slice %arg8[%parallel_loop3A_723, %parallel_loop3A_767, %parallel_loop3A_768] : memref<5x80x128xf32, #tpu.memory_space<vmem>> -> memref<1x80x128xf32, #tpu.memory_space<vmem>>
        %parallel_loop3A_770 = tpu.memref_squeeze %parallel_loop3A_769 : memref<1x80x128xf32, #tpu.memory_space<vmem>> -> memref<80x128xf32, #tpu.memory_space<vmem>>
        tpu.vector_store_idx %parallel_loop3A_770[%add3A_706, %parallel_loop3A_765], %parallel_loop3A_766 {add = true} : memref<80x128xf32, #tpu.memory_space<vmem>>[vector<16xi32>, vector<16xi32>], vector<16xf32>,
      } {sc.loop_unroll_factor = 8 : i64, sc.parallel_access}
      %parallel_loop3A_724 = arith.constant 0 : i32
      %parallel_loop3A_725 = arith.constant 128 : i32
      %parallel_loop3A_726 = arith.constant 1 : i32
      %parallel_loop3A_727 = arith.constant 4 : i32
      scf.for %parallel_loop3A_760 = %parallel_loop3A_724 to %parallel_loop3A_725 step %parallel_loop3A_726  : i32 {
        %parallel_loop3A_761 = vector.broadcast %parallel_loop3A_760 : i32 to vector<16xi32>
        %parallel_loop3A_762 = arith.addi %parallel_loop3A_761, %iota3A : vector<16xi32>
        %parallel_loop3A_763 = arith.constant 127 : i32
        %parallel_loop3A_764 = vector.broadcast %parallel_loop3A_763 : i32 to vector<16xi32>
        %parallel_loop3A_765 = arith.andi %parallel_loop3A_762, %parallel_loop3A_764 : vector<16xi32>
        %parallel_loop3A_766 = tpu.vector_load_idx %arg6[%gather3A_686, %parallel_loop3A_765] : memref<5x128xf32, #tpu.memory_space<vmem>>[vector<16xi32>, vector<16xi32>], vector<16xf32>,
        %parallel_loop3A_767 = arith.constant 0 : i32
        %parallel_loop3A_768 = arith.constant 0 : i32
        %parallel_loop3A_769 = tpu.memref_slice %arg8[%parallel_loop3A_727, %parallel_loop3A_767, %parallel_loop3A_768] : memref<5x80x128xf32, #tpu.memory_space<vmem>> -> memref<1x80x128xf32, #tpu.memory_space<vmem>>
        %parallel_loop3A_770 = tpu.memref_squeeze %parallel_loop3A_769 : memref<1x80x128xf32, #tpu.memory_space<vmem>> -> memref<80x128xf32, #tpu.memory_space<vmem>>
        tpu.vector_store_idx %parallel_loop3A_770[%add3A_709, %parallel_loop3A_765], %parallel_loop3A_766 {add = true} : memref<80x128xf32, #tpu.memory_space<vmem>>[vector<16xi32>, vector<16xi32>], vector<16xf32>,
      } {sc.loop_unroll_factor = 8 : i64, sc.parallel_access}
      %parallel_loop3A_728 = arith.constant 0 : i32
      %parallel_loop3A_729 = arith.constant 128 : i32
      %parallel_loop3A_730 = arith.constant 1 : i32
      %parallel_loop3A_731 = arith.constant 4 : i32
      scf.for %parallel_loop3A_760 = %parallel_loop3A_728 to %parallel_loop3A_729 step %parallel_loop3A_730  : i32 {
        %parallel_loop3A_761 = vector.broadcast %parallel_loop3A_760 : i32 to vector<16xi32>
        %parallel_loop3A_762 = arith.addi %parallel_loop3A_761, %iota3A : vector<16xi32>
        %parallel_loop3A_763 = arith.constant 127 : i32
        %parallel_loop3A_764 = vector.broadcast %parallel_loop3A_763 : i32 to vector<16xi32>
        %parallel_loop3A_765 = arith.andi %parallel_loop3A_762, %parallel_loop3A_764 : vector<16xi32>
        %parallel_loop3A_766 = tpu.vector_load_idx %arg6[%gather3A_693, %parallel_loop3A_765] : memref<5x128xf32, #tpu.memory_space<vmem>>[vector<16xi32>, vector<16xi32>], vector<16xf32>,
        %parallel_loop3A_767 = arith.constant 0 : i32
        %parallel_loop3A_768 = arith.constant 0 : i32
        %parallel_loop3A_769 = tpu.memref_slice %arg8[%parallel_loop3A_731, %parallel_loop3A_767, %parallel_loop3A_768] : memref<5x80x128xf32, #tpu.memory_space<vmem>> -> memref<1x80x128xf32, #tpu.memory_space<vmem>>
        %parallel_loop3A_770 = tpu.memref_squeeze %parallel_loop3A_769 : memref<1x80x128xf32, #tpu.memory_space<vmem>> -> memref<80x128xf32, #tpu.memory_space<vmem>>
        tpu.vector_store_idx %parallel_loop3A_770[%add3A_712, %parallel_loop3A_765], %parallel_loop3A_766 {add = true} : memref<80x128xf32, #tpu.memory_space<vmem>>[vector<16xi32>, vector<16xi32>], vector<16xf32>,
      } {sc.loop_unroll_factor = 8 : i64, sc.parallel_access}
      %parallel_loop3A_732 = arith.constant 0 : i32
      %parallel_loop3A_733 = arith.constant 128 : i32
      %parallel_loop3A_734 = arith.constant 1 : i32
      %parallel_loop3A_735 = arith.constant 4 : i32
      scf.for %parallel_loop3A_760 = %parallel_loop3A_732 to %parallel_loop3A_733 step %parallel_loop3A_734  : i32 {
        %parallel_loop3A_761 = vector.broadcast %parallel_loop3A_760 : i32 to vector<16xi32>
        %parallel_loop3A_762 = arith.addi %parallel_loop3A_761, %iota3A : vector<16xi32>
        %parallel_loop3A_763 = arith.constant 127 : i32
        %parallel_loop3A_764 = vector.broadcast %parallel_loop3A_763 : i32 to vector<16xi32>
        %parallel_loop3A_765 = arith.andi %parallel_loop3A_762, %parallel_loop3A_764 : vector<16xi32>
        %parallel_loop3A_766 = tpu.vector_load_idx %arg6[%gather3A_700, %parallel_loop3A_765] : memref<5x128xf32, #tpu.memory_space<vmem>>[vector<16xi32>, vector<16xi32>], vector<16xf32>,
        %parallel_loop3A_767 = arith.constant 0 : i32
        %parallel_loop3A_768 = arith.constant 0 : i32
        %parallel_loop3A_769 = tpu.memref_slice %arg8[%parallel_loop3A_735, %parallel_loop3A_767, %parallel_loop3A_768] : memref<5x80x128xf32, #tpu.memory_space<vmem>> -> memref<1x80x128xf32, #tpu.memory_space<vmem>>
        %parallel_loop3A_770 = tpu.memref_squeeze %parallel_loop3A_769 : memref<1x80x128xf32, #tpu.memory_space<vmem>> -> memref<80x128xf32, #tpu.memory_space<vmem>>
        tpu.vector_store_idx %parallel_loop3A_770[%add3A_715, %parallel_loop3A_765], %parallel_loop3A_766 {add = true} : memref<80x128xf32, #tpu.memory_space<vmem>>[vector<16xi32>, vector<16xi32>], vector<16xf32>,
      } {sc.loop_unroll_factor = 8 : i64, sc.parallel_access}
      %mul3A_736 = arith.constant 80 : i32
      %mul3A_737 = arith.muli %add3A_647, %mul3A_736 : i32
      %add3A_738 = arith.addi %mul3A_2, %mul3A_737 : i32
      %dma_start3A_739 = arith.constant 4 : i32
      %dma_start3A_740 = arith.constant 4 : i32
      %dma_start3A_741 = arith.constant 0 : i32
      %dma_start3A_742 = arith.constant 0 : i32
      %dma_start3A_743 = tpu.memref_slice %arg8[%dma_start3A_739, %dma_start3A_741, %dma_start3A_742] : memref<5x80x128xf32, #tpu.memory_space<vmem>> -> memref<1x80x128xf32, #tpu.memory_space<vmem>>
      %dma_start3A_744 = tpu.memref_squeeze %dma_start3A_743 : memref<1x80x128xf32, #tpu.memory_space<vmem>> -> memref<80x128xf32, #tpu.memory_space<vmem>>
      %dma_start3A_745 = arith.constant 0 : i32
      %dma_start3A_746 = tpu.memref_slice %arg5[%add3A_738, %dma_start3A_745] : memref<320000x128xf32, #tpu.memory_space<hbm>> -> memref<80x128xf32, #tpu.memory_space<hbm>>
      %dma_start3A_747 = tpu.memref_slice %arg10[%dma_start3A_740] : memref<5x!tpu.dma_semaphore, #tpu.memory_space<semaphore_mem>> -> memref<1x!tpu.dma_semaphore, #tpu.memory_space<semaphore_mem>>
      %dma_start3A_748 = tpu.memref_squeeze %dma_start3A_747 : memref<1x!tpu.dma_semaphore, #tpu.memory_space<semaphore_mem>> -> memref<!tpu.dma_semaphore, #tpu.memory_space<semaphore_mem>>
      %dma_start3A_749 = arith.constant 0 : i32
      %dma_start3A_750 = tpu.memref_slice %arg5[%add3A_738, %dma_start3A_749] : memref<320000x128xf32, #tpu.memory_space<hbm>> -> memref<80x128xf32, #tpu.memory_space<hbm>>
      %dma_start3A_751 = arith.constant 0 : i32
      %dma_start3A_752 = arith.constant 0 : i32
      %dma_start3A_753 = tpu.memref_slice %arg8[%dma_start3A_739, %dma_start3A_751, %dma_start3A_752] : memref<5x80x128xf32, #tpu.memory_space<vmem>> -> memref<1x80x128xf32, #tpu.memory_space<vmem>>
      %dma_start3A_754 = tpu.memref_squeeze %dma_start3A_753 : memref<1x80x128xf32, #tpu.memory_space<vmem>> -> memref<80x128xf32, #tpu.memory_space<vmem>>
      tpu.enqueue_dma source(%dma_start3A_754 : memref<80x128xf32, #tpu.memory_space<vmem>>) target(%dma_start3A_750 : memref<80x128xf32, #tpu.memory_space<hbm>>) target_semaphore(%dma_start3A_748 : memref<!tpu.dma_semaphore, #tpu.memory_space<semaphore_mem>>)
      %lt3A_755 = arith.constant 24 : i32
      %lt3A_756 = arith.cmpi slt, %scan3A_186, %lt3A_755 : i32
      %convert_element_type3A_757 = arith.extui %lt3A_756 : i1 to i32
      %cond3A_758 = arith.constant 0 : i32
      %cond3A_759 = arith.cmpi ne, %convert_element_type3A_757, %cond3A_758 : i32
      scf.if %cond3A_759 {
        %dma_wait3A_760 = arith.constant 2 : i32
        %dma_wait3A_761 = arith.constant 2 : i32
        %dma_wait3A_762 = arith.constant 0 : i32
        %dma_wait3A_763 = arith.constant 0 : i32
        %dma_wait3A_764 = tpu.memref_slice %arg8[%dma_wait3A_760, %dma_wait3A_762, %dma_wait3A_763] : memref<5x80x128xf32, #tpu.memory_space<vmem>> -> memref<1x80x128xf32, #tpu.memory_space<vmem>>
        %dma_wait3A_765 = tpu.memref_squeeze %dma_wait3A_764 : memref<1x80x128xf32, #tpu.memory_space<vmem>> -> memref<80x128xf32, #tpu.memory_space<vmem>>
        %dma_wait3A_766 = arith.constant 0 : i32
        %dma_wait3A_767 = arith.constant 0 : i32
        %dma_wait3A_768 = tpu.memref_slice %arg5[%dma_wait3A_766, %dma_wait3A_767] : memref<320000x128xf32, #tpu.memory_space<hbm>> -> memref<80x128xf32, #tpu.memory_space<hbm>>
        %dma_wait3A_769 = tpu.memref_slice %arg10[%dma_wait3A_761] : memref<5x!tpu.dma_semaphore, #tpu.memory_space<semaphore_mem>> -> memref<1x!tpu.dma_semaphore, #tpu.memory_space<semaphore_mem>>
        %dma_wait3A_770 = tpu.memref_squeeze %dma_wait3A_769 : memref<1x!tpu.dma_semaphore, #tpu.memory_space<semaphore_mem>> -> memref<!tpu.dma_semaphore, #tpu.memory_space<semaphore_mem>>
        %dma_wait3A_771 = arith.constant 0 : i32
        %dma_wait3A_772 = arith.constant 0 : i32
        %dma_wait3A_773 = tpu.memref_slice %arg5[%dma_wait3A_771, %dma_wait3A_772] : memref<320000x128xf32, #tpu.memory_space<hbm>> -> memref<80x128xf32, #tpu.memory_space<hbm>>
        %dma_wait3A_774 = arith.constant 0 : i32
        %dma_wait3A_775 = arith.constant 0 : i32
        %dma_wait3A_776 = tpu.memref_slice %arg8[%dma_wait3A_760, %dma_wait3A_774, %dma_wait3A_775] : memref<5x80x128xf32, #tpu.memory_space<vmem>> -> memref<1x80x128xf32, #tpu.memory_space<vmem>>
        %dma_wait3A_777 = tpu.memref_squeeze %dma_wait3A_776 : memref<1x80x128xf32, #tpu.memory_space<vmem>> -> memref<80x128xf32, #tpu.memory_space<vmem>>
        tpu.wait_dma2 semaphore(%dma_wait3A_770 : memref<!tpu.dma_semaphore, #tpu.memory_space<semaphore_mem>>) src(%dma_wait3A_777 : memref<80x128xf32, #tpu.memory_space<vmem>>) dst(%dma_wait3A_773 : memref<80x128xf32, #tpu.memory_space<hbm>>)
        %add3A_778 = arith.constant 5 : i32
        %add3A_779 = arith.addi %add3A_647, %add3A_778 : i32
        %sub3A = arith.constant 2 : i32
        %sub3A_780 = arith.subi %add3A_779, %sub3A : i32
        %mul3A_781 = arith.constant 80 : i32
        %mul3A_782 = arith.muli %sub3A_780, %mul3A_781 : i32
        %add3A_783 = arith.addi %mul3A_2, %mul3A_782 : i32
        %dma_start3A_784 = arith.constant 2 : i32
        %dma_start3A_785 = arith.constant 2 : i32
        %dma_start3A_786 = arith.constant 0 : i32
        %dma_start3A_787 = arith.constant 0 : i32
        %dma_start3A_788 = tpu.memref_slice %arg8[%dma_start3A_784, %dma_start3A_786, %dma_start3A_787] : memref<5x80x128xf32, #tpu.memory_space<vmem>> -> memref<1x80x128xf32, #tpu.memory_space<vmem>>
        %dma_start3A_789 = tpu.memref_squeeze %dma_start3A_788 : memref<1x80x128xf32, #tpu.memory_space<vmem>> -> memref<80x128xf32, #tpu.memory_space<vmem>>
        %dma_start3A_790 = arith.constant 0 : i32
        %dma_start3A_791 = tpu.memref_slice %arg2[%add3A_783, %dma_start3A_790] : memref<320000x128xf32, #tpu.memory_space<hbm>> -> memref<80x128xf32, #tpu.memory_space<hbm>>
        %dma_start3A_792 = tpu.memref_slice %arg9[%dma_start3A_785] : memref<5x!tpu.dma_semaphore, #tpu.memory_space<semaphore_mem>> -> memref<1x!tpu.dma_semaphore, #tpu.memory_space<semaphore_mem>>
        %dma_start3A_793 = tpu.memref_squeeze %dma_start3A_792 : memref<1x!tpu.dma_semaphore, #tpu.memory_space<semaphore_mem>> -> memref<!tpu.dma_semaphore, #tpu.memory_space<semaphore_mem>>
        %dma_start3A_794 = arith.constant 0 : i32
        %dma_start3A_795 = arith.constant 0 : i32
        %dma_start3A_796 = tpu.memref_slice %arg8[%dma_start3A_784, %dma_start3A_794, %dma_start3A_795] : memref<5x80x128xf32, #tpu.memory_space<vmem>> -> memref<1x80x128xf32, #tpu.memory_space<vmem>>
        %dma_start3A_797 = tpu.memref_squeeze %dma_start3A_796 : memref<1x80x128xf32, #tpu.memory_space<vmem>> -> memref<80x128xf32, #tpu.memory_space<vmem>>
        %dma_start3A_798 = arith.constant 0 : i32
        %dma_start3A_799 = tpu.memref_slice %arg2[%add3A_783, %dma_start3A_798] : memref<320000x128xf32, #tpu.memory_space<hbm>> -> memref<80x128xf32, #tpu.memory_space<hbm>>
        tpu.enqueue_dma source(%dma_start3A_799 : memref<80x128xf32, #tpu.memory_space<hbm>>) target(%dma_start3A_797 : memref<80x128xf32, #tpu.memory_space<vmem>>) target_semaphore(%dma_start3A_793 : memref<!tpu.dma_semaphore, #tpu.memory_space<semaphore_mem>>)
      } else {
      }
    }
    %scan3A_96 = arith.constant 25 : i32
    %dma_wait3A = arith.constant 0 : i32
    %dma_wait3A_97 = arith.constant 0 : i32
    %dma_wait3A_98 = arith.constant 0 : i32
    %dma_wait3A_99 = arith.constant 0 : i32
    %dma_wait3A_100 = tpu.memref_slice %arg8[%dma_wait3A, %dma_wait3A_98, %dma_wait3A_99] : memref<5x80x128xf32, #tpu.memory_space<vmem>> -> memref<1x80x128xf32, #tpu.memory_space<vmem>>
    %dma_wait3A_101 = tpu.memref_squeeze %dma_wait3A_100 : memref<1x80x128xf32, #tpu.memory_space<vmem>> -> memref<80x128xf32, #tpu.memory_space<vmem>>
    %dma_wait3A_102 = arith.constant 0 : i32
    %dma_wait3A_103 = arith.constant 0 : i32
    %dma_wait3A_104 = tpu.memref_slice %arg5[%dma_wait3A_102, %dma_wait3A_103] : memref<320000x128xf32, #tpu.memory_space<hbm>> -> memref<80x128xf32, #tpu.memory_space<hbm>>
    %dma_wait3A_105 = tpu.memref_slice %arg10[%dma_wait3A_97] : memref<5x!tpu.dma_semaphore, #tpu.memory_space<semaphore_mem>> -> memref<1x!tpu.dma_semaphore, #tpu.memory_space<semaphore_mem>>
    %dma_wait3A_106 = tpu.memref_squeeze %dma_wait3A_105 : memref<1x!tpu.dma_semaphore, #tpu.memory_space<semaphore_mem>> -> memref<!tpu.dma_semaphore, #tpu.memory_space<semaphore_mem>>
    %dma_wait3A_107 = arith.constant 0 : i32
    %dma_wait3A_108 = arith.constant 0 : i32
    %dma_wait3A_109 = tpu.memref_slice %arg5[%dma_wait3A_107, %dma_wait3A_108] : memref<320000x128xf32, #tpu.memory_space<hbm>> -> memref<80x128xf32, #tpu.memory_space<hbm>>
    %dma_wait3A_110 = arith.constant 0 : i32
    %dma_wait3A_111 = arith.constant 0 : i32
    %dma_wait3A_112 = tpu.memref_slice %arg8[%dma_wait3A, %dma_wait3A_110, %dma_wait3A_111] : memref<5x80x128xf32, #tpu.memory_space<vmem>> -> memref<1x80x128xf32, #tpu.memory_space<vmem>>
    %dma_wait3A_113 = tpu.memref_squeeze %dma_wait3A_112 : memref<1x80x128xf32, #tpu.memory_space<vmem>> -> memref<80x128xf32, #tpu.memory_space<vmem>>
    tpu.wait_dma2 semaphore(%dma_wait3A_106 : memref<!tpu.dma_semaphore, #tpu.memory_space<semaphore_mem>>) src(%dma_wait3A_113 : memref<80x128xf32, #tpu.memory_space<vmem>>) dst(%dma_wait3A_109 : memref<80x128xf32, #tpu.memory_space<hbm>>)
    %dma_wait3A_114 = arith.constant 1 : i32
    %dma_wait3A_115 = arith.constant 1 : i32
    %dma_wait3A_116 = arith.constant 0 : i32
    %dma_wait3A_117 = arith.constant 0 : i32
    %dma_wait3A_118 = tpu.memref_slice %arg8[%dma_wait3A_114, %dma_wait3A_116, %dma_wait3A_117] : memref<5x80x128xf32, #tpu.memory_space<vmem>> -> memref<1x80x128xf32, #tpu.memory_space<vmem>>
    %dma_wait3A_119 = tpu.memref_squeeze %dma_wait3A_118 : memref<1x80x128xf32, #tpu.memory_space<vmem>> -> memref<80x128xf32, #tpu.memory_space<vmem>>
    %dma_wait3A_120 = arith.constant 0 : i32
    %dma_wait3A_121 = arith.constant 0 : i32
    %dma_wait3A_122 = tpu.memref_slice %arg5[%dma_wait3A_120, %dma_wait3A_121] : memref<320000x128xf32, #tpu.memory_space<hbm>> -> memref<80x128xf32, #tpu.memory_space<hbm>>
    %dma_wait3A_123 = tpu.memref_slice %arg10[%dma_wait3A_115] : memref<5x!tpu.dma_semaphore, #tpu.memory_space<semaphore_mem>> -> memref<1x!tpu.dma_semaphore, #tpu.memory_space<semaphore_mem>>
    %dma_wait3A_124 = tpu.memref_squeeze %dma_wait3A_123 : memref<1x!tpu.dma_semaphore, #tpu.memory_space<semaphore_mem>> -> memref<!tpu.dma_semaphore, #tpu.memory_space<semaphore_mem>>
    %dma_wait3A_125 = arith.constant 0 : i32
    %dma_wait3A_126 = arith.constant 0 : i32
    %dma_wait3A_127 = tpu.memref_slice %arg5[%dma_wait3A_125, %dma_wait3A_126] : memref<320000x128xf32, #tpu.memory_space<hbm>> -> memref<80x128xf32, #tpu.memory_space<hbm>>
    %dma_wait3A_128 = arith.constant 0 : i32
    %dma_wait3A_129 = arith.constant 0 : i32
    %dma_wait3A_130 = tpu.memref_slice %arg8[%dma_wait3A_114, %dma_wait3A_128, %dma_wait3A_129] : memref<5x80x128xf32, #tpu.memory_space<vmem>> -> memref<1x80x128xf32, #tpu.memory_space<vmem>>
    %dma_wait3A_131 = tpu.memref_squeeze %dma_wait3A_130 : memref<1x80x128xf32, #tpu.memory_space<vmem>> -> memref<80x128xf32, #tpu.memory_space<vmem>>
    tpu.wait_dma2 semaphore(%dma_wait3A_124 : memref<!tpu.dma_semaphore, #tpu.memory_space<semaphore_mem>>) src(%dma_wait3A_131 : memref<80x128xf32, #tpu.memory_space<vmem>>) dst(%dma_wait3A_127 : memref<80x128xf32, #tpu.memory_space<hbm>>)
    %dma_wait3A_132 = arith.constant 2 : i32
    %dma_wait3A_133 = arith.constant 2 : i32
    %dma_wait3A_134 = arith.constant 0 : i32
    %dma_wait3A_135 = arith.constant 0 : i32
    %dma_wait3A_136 = tpu.memref_slice %arg8[%dma_wait3A_132, %dma_wait3A_134, %dma_wait3A_135] : memref<5x80x128xf32, #tpu.memory_space<vmem>> -> memref<1x80x128xf32, #tpu.memory_space<vmem>>
    %dma_wait3A_137 = tpu.memref_squeeze %dma_wait3A_136 : memref<1x80x128xf32, #tpu.memory_space<vmem>> -> memref<80x128xf32, #tpu.memory_space<vmem>>
    %dma_wait3A_138 = arith.constant 0 : i32
    %dma_wait3A_139 = arith.constant 0 : i32
    %dma_wait3A_140 = tpu.memref_slice %arg5[%dma_wait3A_138, %dma_wait3A_139] : memref<320000x128xf32, #tpu.memory_space<hbm>> -> memref<80x128xf32, #tpu.memory_space<hbm>>
    %dma_wait3A_141 = tpu.memref_slice %arg10[%dma_wait3A_133] : memref<5x!tpu.dma_semaphore, #tpu.memory_space<semaphore_mem>> -> memref<1x!tpu.dma_semaphore, #tpu.memory_space<semaphore_mem>>
    %dma_wait3A_142 = tpu.memref_squeeze %dma_wait3A_141 : memref<1x!tpu.dma_semaphore, #tpu.memory_space<semaphore_mem>> -> memref<!tpu.dma_semaphore, #tpu.memory_space<semaphore_mem>>
    %dma_wait3A_143 = arith.constant 0 : i32
    %dma_wait3A_144 = arith.constant 0 : i32
    %dma_wait3A_145 = tpu.memref_slice %arg5[%dma_wait3A_143, %dma_wait3A_144] : memref<320000x128xf32, #tpu.memory_space<hbm>> -> memref<80x128xf32, #tpu.memory_space<hbm>>
    %dma_wait3A_146 = arith.constant 0 : i32
    %dma_wait3A_147 = arith.constant 0 : i32
    %dma_wait3A_148 = tpu.memref_slice %arg8[%dma_wait3A_132, %dma_wait3A_146, %dma_wait3A_147] : memref<5x80x128xf32, #tpu.memory_space<vmem>> -> memref<1x80x128xf32, #tpu.memory_space<vmem>>
    %dma_wait3A_149 = tpu.memref_squeeze %dma_wait3A_148 : memref<1x80x128xf32, #tpu.memory_space<vmem>> -> memref<80x128xf32, #tpu.memory_space<vmem>>
    tpu.wait_dma2 semaphore(%dma_wait3A_142 : memref<!tpu.dma_semaphore, #tpu.memory_space<semaphore_mem>>) src(%dma_wait3A_149 : memref<80x128xf32, #tpu.memory_space<vmem>>) dst(%dma_wait3A_145 : memref<80x128xf32, #tpu.memory_space<hbm>>)
    %dma_wait3A_150 = arith.constant 3 : i32
    %dma_wait3A_151 = arith.constant 3 : i32
    %dma_wait3A_152 = arith.constant 0 : i32
    %dma_wait3A_153 = arith.constant 0 : i32
    %dma_wait3A_154 = tpu.memref_slice %arg8[%dma_wait3A_150, %dma_wait3A_152, %dma_wait3A_153] : memref<5x80x128xf32, #tpu.memory_space<vmem>> -> memref<1x80x128xf32, #tpu.memory_space<vmem>>
    %dma_wait3A_155 = tpu.memref_squeeze %dma_wait3A_154 : memref<1x80x128xf32, #tpu.memory_space<vmem>> -> memref<80x128xf32, #tpu.memory_space<vmem>>
    %dma_wait3A_156 = arith.constant 0 : i32
    %dma_wait3A_157 = arith.constant 0 : i32
    %dma_wait3A_158 = tpu.memref_slice %arg5[%dma_wait3A_156, %dma_wait3A_157] : memref<320000x128xf32, #tpu.memory_space<hbm>> -> memref<80x128xf32, #tpu.memory_space<hbm>>
    %dma_wait3A_159 = tpu.memref_slice %arg10[%dma_wait3A_151] : memref<5x!tpu.dma_semaphore, #tpu.memory_space<semaphore_mem>> -> memref<1x!tpu.dma_semaphore, #tpu.memory_space<semaphore_mem>>
    %dma_wait3A_160 = tpu.memref_squeeze %dma_wait3A_159 : memref<1x!tpu.dma_semaphore, #tpu.memory_space<semaphore_mem>> -> memref<!tpu.dma_semaphore, #tpu.memory_space<semaphore_mem>>
    %dma_wait3A_161 = arith.constant 0 : i32
    %dma_wait3A_162 = arith.constant 0 : i32
    %dma_wait3A_163 = tpu.memref_slice %arg5[%dma_wait3A_161, %dma_wait3A_162] : memref<320000x128xf32, #tpu.memory_space<hbm>> -> memref<80x128xf32, #tpu.memory_space<hbm>>
    %dma_wait3A_164 = arith.constant 0 : i32
    %dma_wait3A_165 = arith.constant 0 : i32
    %dma_wait3A_166 = tpu.memref_slice %arg8[%dma_wait3A_150, %dma_wait3A_164, %dma_wait3A_165] : memref<5x80x128xf32, #tpu.memory_space<vmem>> -> memref<1x80x128xf32, #tpu.memory_space<vmem>>
    %dma_wait3A_167 = tpu.memref_squeeze %dma_wait3A_166 : memref<1x80x128xf32, #tpu.memory_space<vmem>> -> memref<80x128xf32, #tpu.memory_space<vmem>>
    tpu.wait_dma2 semaphore(%dma_wait3A_160 : memref<!tpu.dma_semaphore, #tpu.memory_space<semaphore_mem>>) src(%dma_wait3A_167 : memref<80x128xf32, #tpu.memory_space<vmem>>) dst(%dma_wait3A_163 : memref<80x128xf32, #tpu.memory_space<hbm>>)
    %dma_wait3A_168 = arith.constant 4 : i32
    %dma_wait3A_169 = arith.constant 4 : i32
    %dma_wait3A_170 = arith.constant 0 : i32
    %dma_wait3A_171 = arith.constant 0 : i32
    %dma_wait3A_172 = tpu.memref_slice %arg8[%dma_wait3A_168, %dma_wait3A_170, %dma_wait3A_171] : memref<5x80x128xf32, #tpu.memory_space<vmem>> -> memref<1x80x128xf32, #tpu.memory_space<vmem>>
    %dma_wait3A_173 = tpu.memref_squeeze %dma_wait3A_172 : memref<1x80x128xf32, #tpu.memory_space<vmem>> -> memref<80x128xf32, #tpu.memory_space<vmem>>
    %dma_wait3A_174 = arith.constant 0 : i32
    %dma_wait3A_175 = arith.constant 0 : i32
    %dma_wait3A_176 = tpu.memref_slice %arg5[%dma_wait3A_174, %dma_wait3A_175] : memref<320000x128xf32, #tpu.memory_space<hbm>> -> memref<80x128xf32, #tpu.memory_space<hbm>>
    %dma_wait3A_177 = tpu.memref_slice %arg10[%dma_wait3A_169] : memref<5x!tpu.dma_semaphore, #tpu.memory_space<semaphore_mem>> -> memref<1x!tpu.dma_semaphore, #tpu.memory_space<semaphore_mem>>
    %dma_wait3A_178 = tpu.memref_squeeze %dma_wait3A_177 : memref<1x!tpu.dma_semaphore, #tpu.memory_space<semaphore_mem>> -> memref<!tpu.dma_semaphore, #tpu.memory_space<semaphore_mem>>
    %dma_wait3A_179 = arith.constant 0 : i32
    %dma_wait3A_180 = arith.constant 0 : i32
    %dma_wait3A_181 = tpu.memref_slice %arg5[%dma_wait3A_179, %dma_wait3A_180] : memref<320000x128xf32, #tpu.memory_space<hbm>> -> memref<80x128xf32, #tpu.memory_space<hbm>>
    %dma_wait3A_182 = arith.constant 0 : i32
    %dma_wait3A_183 = arith.constant 0 : i32
    %dma_wait3A_184 = tpu.memref_slice %arg8[%dma_wait3A_168, %dma_wait3A_182, %dma_wait3A_183] : memref<5x80x128xf32, #tpu.memory_space<vmem>> -> memref<1x80x128xf32, #tpu.memory_space<vmem>>
    %dma_wait3A_185 = tpu.memref_squeeze %dma_wait3A_184 : memref<1x80x128xf32, #tpu.memory_space<vmem>> -> memref<80x128xf32, #tpu.memory_space<vmem>>
    tpu.wait_dma2 semaphore(%dma_wait3A_178 : memref<!tpu.dma_semaphore, #tpu.memory_space<semaphore_mem>>) src(%dma_wait3A_185 : memref<80x128xf32, #tpu.memory_space<vmem>>) dst(%dma_wait3A_181 : memref<80x128xf32, #tpu.memory_space<hbm>>)
    return
  }
}

</mosaic_0001>

<sc_bundles>
// kernel: kernel.3.cloned.1.call-start
scs
__scs_entry_jumppad:
0x0: {  	(pc) =	sbr.rel $0x88, $3  }
0x1: {  	(tag) =	ssettag $0x0;
	lr =	simm.s32 $0x1  }
0x2: {  	[smem:$0x3F9E] =	sst lr;
	_ =	strace $0xD0000000  }
0x3: {  	_ = 	snop  }
0x4: {  	_ = 	snop  }
0x5: {  	_ = 	snop  }
0x6: {  	_ = 	snop  }
0x7: {  	_ = 	snop  }
__scs_overlays_trampoline_lowered:
0x8: {  	[smem:$0x3FAD] =	sst s0  }
0x9: {  	[smem:$0x3FAE] =	sst s1  }
0xa: {  	[smem:$0x3FAF] =	sst s2  }
0xb: {  	[smem:$0x3FB0] =	sst s3  }
0xc: {  	[smem:$0x3FB1] =	sst s4  }
0xd: {  	[smem:$0x3FB2] =	sst s5  }
0xe: {  	[smem:$0x3FB3] =	sst s6  }
0xf: {  	[smem:$0x3FB4] =	sst s7  }
0x10: {  	[smem:$0x3FB5] =	sst s8  }
0x11: {  	[smem:$0x3FB6] =	sst s9;
	s0 =	simm.s32 @!p0 $0x0  }
0x12: {  	s1 =	sld [smem:$0x3F9C];
	s0 =	simm.s32 @p0 $0x1  }
0x13: {  	[smem:$0x3FB7] =	sst s0;
	s0 =	simm.s32 @!p1 $0x0  }
0x14: {  	s2 =	sld [smem:$0x3F9B];
	s0 =	simm.s32 @p1 $0x1  }
0x15: {  	[smem:$0x3FB8] =	sst s0;
	s0 =	simm.s32 @!p2 $0x0  }
0x16: {  	s3 =	sld [smem:$0x3FDB];
	s0 =	simm.s32 @p2 $0x1  }
0x17: {  	s4 =	simm.s32 $0x1BF5;
	[smem:$0x3FBA] =	sst s0  }
0x18: {  	s0 =	sld [smem:$0x3F9D];
	_ =	swait.ge [sflag:s4], $0x0  }
0x19: {  	s7 =	sld [smem:$0x3F9E]  }
0x1a: {  	s8 =	sadd.s32 $0xFFFFE003, lr  }
0x1b: {  	s9 =	sadd.s32 $0xFFFFFEF7, lr;
	s5 =	simm.s32 $0xFFFFFFFF;
	p2 =	slt.u32 s8, $0xFFFFF086  }
0x1c: {  	p1 =	slt.u32 s9, $0xF7A;
	s5 =	simm.s32 @!p2 $0x0  }
0x1d: {  	s5 =	simm.s32 @p1 $0x1;
	p0 =	seq.s32 s7, s2  }
0x1e: {  	s7 =	smul.u32 @!p0 $0xF7A, s2;
	p2 =	seq.s32 @!p0 s5, $0x0  }
0x1f: {  	s9 =	smul.u32 $0xF7A, s1;
	s8 =	simm.s32 @!p0 $0x1BF5;
	p2 =	por !p2, p0  }
0x20: {  	[sflag:s8] =	ssyncset.s32 @!p0 $0xFFFFF086;
	s6 =	sadd.s32 @!p0 s3, s7;
	s7 =	simm.s32 @!p0 $0x108  }
0x21: {  	s3 =	sadd.s32 s3, s9;
	s6 =	sadd.s32 @!p0 $0x88, s6;
	s7 =	simm.s32 @p2 $0x1082  }
0x22: {  	[simem:s7], [sflag:s8] =	dma.local @!p0 [hbm:s6], $0xF7A  }
0x23: {  	s9 =	sor.u32 $0xD0000000, s2;
	s6 =	simm.s32 $0x108;
	_ =	swait.ge @!p0 [sflag:s8], $0x0  }
0x24: {  	s3 =	sadd.s32 $0x88, s3;
	s6 =	simm.s32 @!p1 $0x1082;
	[sflag:s4] =	ssyncset.s32 $0xFFFFF086  }
0x25: {  	[simem:s6], [sflag:s4] =	dma.local [hbm:s3], $0xF7A  }
0x26: {  	[smem:$0x3F9E] =	sst s1;
	(tag) =	ssettag s2;
	_ =	strace s9  }
0x27: {  	s1 =	sld [smem:$0x3FAE]  }
0x28: {  	s2 =	sld [smem:$0x3FAF]  }
0x29: {  	s4 =	sld [smem:$0x3FB1]  }
0x2a: {  	p0 =	seq.s32 s5, $0x0;
	s5 =	sld [smem:$0x3FB2]  }
0x2b: {  	s6 =	sld [smem:$0x3FB3]  }
0x2c: {  	s7 =	sld [smem:$0x3FB4]  }
0x2d: {  	s3 =	simm.s32 $0x108;
	s8 =	sld [smem:$0x3FB5]  }
0x2e: {  	s3 =	simm.s32 @!p0 $0x1082;
	s9 =	sld [smem:$0x3FB6]  }
0x2f: {  	lr =	sadd.s32 s0, s3;
	s0 =	sld [smem:$0x3FAD]  }
0x30: {  	s3 =	sld [smem:$0x3FB0]  }
0x31: {  	[smem:$0x3FB9] =	sst s10  }
0x32: {  	s10 =	sld [smem:$0x3FB7];
	_ =	sdelay $0x3  }
0x33: {  	p0 =	seq.s32 s10, $0x1;
	s10 =	sld [smem:$0x3FB9];
	_ =	sdelay $0x3  }
0x34: {  	[smem:$0x3FB9] =	sst s10  }
0x35: {  	s10 =	sld [smem:$0x3FB8];
	_ =	sdelay $0x3  }
0x36: {  	p1 =	seq.s32 s10, $0x1;
	s10 =	sld [smem:$0x3FB9];
	_ =	sdelay $0x3  }
0x37: {  	[smem:$0x3FB9] =	sst s10  }
0x38: {  	s10 =	sld [smem:$0x3FBA]  }
0x39: {  	_ = 	snop;
	(pc) =	sbr.ind lr, $3  }
0x3a: {  	_ = 	snop  }
0x3b: {  	_ = 	snop  }
0x3c: {  	p2 =	seq.s32 s10, $0x1;
	s10 =	sld [smem:$0x3FB9]  }
0x3d: {  	_ =	shalt  }
0x3e: {  	_ =	shalt  }
0x3f: {  	_ =	shalt  }
0x40: {  	_ =	shalt  }
0x41: {  	_ =	shalt  }
0x42: {  	_ =	shalt  }
0x43: {  	_ =	shalt  }
0x44: {  	_ =	shalt  }
0x45: {  	_ =	shalt  }
0x46: {  	_ =	shalt  }
0x47: {  	_ =	shalt  }
0x48: {  	_ =	shalt  }
0x49: {  	_ =	shalt  }
0x4a: {  	_ =	shalt  }
0x4b: {  	_ =	shalt  }
0x4c: {  	_ =	shalt  }
0x4d: {  	_ =	shalt  }
0x4e: {  	_ =	shalt  }
0x4f: {  	_ =	shalt  }
0x50: {  	_ =	shalt  }
0x51: {  	_ =	shalt  }
0x52: {  	_ =	shalt  }
0x53: {  	_ =	shalt  }
0x54: {  	_ =	shalt  }
0x55: {  	_ =	shalt  }
0x56: {  	_ =	shalt  }
0x57: {  	_ =	shalt  }
0x58: {  	_ =	shalt  }
0x59: {  	_ =	shalt  }
0x5a: {  	_ =	shalt  }
0x5b: {  	_ =	shalt  }
0x5c: {  	_ =	shalt  }
0x5d: {  	_ =	shalt  }
0x5e: {  	_ =	shalt  }
0x5f: {  	_ =	shalt  }
0x60: {  	_ =	shalt  }
0x61: {  	_ =	shalt  }
0x62: {  	_ =	shalt  }
0x63: {  	_ =	shalt  }
0x64: {  	_ =	shalt  }
0x65: {  	_ =	shalt  }
0x66: {  	_ =	shalt  }
0x67: {  	_ =	shalt  }
0x68: {  	_ =	shalt  }
0x69: {  	_ =	shalt  }
0x6a: {  	_ =	shalt  }
0x6b: {  	_ =	shalt  }
0x6c: {  	_ =	shalt  }
0x6d: {  	_ =	shalt  }
0x6e: {  	_ =	shalt  }
0x6f: {  	_ =	shalt  }
0x70: {  	_ =	shalt  }
0x71: {  	_ =	shalt  }
0x72: {  	_ =	shalt  }
0x73: {  	_ =	shalt  }
0x74: {  	_ =	shalt  }
0x75: {  	_ =	shalt  }
0x76: {  	_ =	shalt  }
0x77: {  	_ =	shalt  }
0x78: {  	_ =	shalt  }
0x79: {  	_ =	shalt  }
0x7a: {  	_ =	shalt  }
0x7b: {  	_ =	shalt  }
0x7c: {  	_ =	shalt  }
0x7d: {  	_ =	shalt  }
0x7e: {  	_ =	shalt  }
0x7f: {  	_ =	shalt  }
0x80: {  	_ =	shalt  }
0x81: {  	_ =	shalt  }
0x82: {  	_ =	shalt  }
0x83: {  	_ =	shalt  }
0x84: {  	_ =	shalt  }
0x85: {  	_ =	shalt  }
0x86: {  	_ =	shalt  }
0x87: {  	_ =	shalt  }
.Lfunc_end0:
.L_simem_size_0:
called_computation_lowered:
.L_overlay_start_0:
0x88: {  	s2 =	sld [smem:$0x3FD9]  }
0x89: {  	s3 =	sld [smem:$0x3FFE];
	_ =	sdelay $0x1  }
0x8a: {  	s1 =	srdreg.scid  }
0x8b: {  	s0 =	sand.u32 $0x1, s1  }
0x8c: {  	s18 =	sshll.u32 s0, $0xA;
	s2 =	sadd.s32 s3, s2  }
0x8d: {  	s2 =	sadd.s32 s2, s18  }
0x8e: {  	[smem:$0x3FC5] =	sst s2  }
0x8f: {  	_ = 	snop  }
0x90: {  	s2 =	sld [smem:$0x3FC9]  }
0x91: {  	s19 =	sld [smem:$0x3FC8]  }
0x92: {  	s4 =	sld [smem:$0x3FC7]  }
0x93: {  	s5 =	sld [smem:$0x3FD0];
	(tm) =	ssettm $0x1  }
0x94: {  	s6 =	sld [smem:$0x3FFB];
	_ =	sdelay $0x3  }
0x95: {  	_ =	strace s6  }
0x96: {  	s6 =	sld [smem:$0x3FFC];
	_ =	sdelay $0x3  }
0x97: {  	_ =	strace s6  }
0x98: {  	s6 =	sld [smem:$0x3FFD];
	_ =	sdelay $0x3  }
0x99: {  	_ =	strace s6  }
0x9a: {  	_ =	strace $0x8FFFFFFF  }
0x9b: {  	s20 =	sld [smem:$0x3FDB];
	_ =	sdelay $0x1  }
0x9c: {  	s7 =	simm.s32 $_scs_section_size  }
0x9d: {  	s8 =	simm.s32 $_size__tile_overlayer_lowered;
	s9 =	simm.s32 $_tile_overlayer_lowered  }
0x9e: {  	s23 =	simm.s32 $0x1BFF;
	s22 =	sshll.u32 s9, $0x1;
	s6 =	sadd.s32 s7, s20  }
0x9f: {  	s10 =	simm.s32 $0x0;
	s21 =	sshll.u32 s8, $0x1;
	s8 =	sadd.s32 s22, s6  }
0xa0: {  	[timem:s10], [sflag:s23] =	dma.local [hbm:s8], s21  }
0xa1: {  	_ =	swait.ge [sflag:s23], s21  }
0xa2: {  	s7 =	ssub.s32 $0x0, s21;
	[sflag:s23] =	ssyncset.done $0x0  }
0xa3: {  	[sflag:s23] =	ssyncadd.s32 s7;
	_ =	sdelay $0x1  }
0xa4: {  	s24 =	simm.s32 $0x1B8B  }
0xa5: {  	_ =	swait.ge [sflag:s24], $0x1  }
0xa6: {  	[sflag:s24] =	ssyncset.done $0x0  }
0xa7: {  	s25 =	simm.s32 $0x1B8E;
	[sflag:s24] =	ssyncadd.s32 $0xFFFFFFFF  }
0xa8: {  	s26 =	simm.s32 $execute0_lowered;
	[smem:$0x3FD2] =	sst s25  }
0xa9: {  	s7 =	sshll.u32 s26, $0x1;
	_ =	strace $0x80000046;
	[dreg:$0x1] =	wrdreg $0xFFFFFFFF  }
0xaa: {  	s28 =	simm.s32 $_size_execute0_lowered;
	s6 =	sadd.s32 s6, s7;
	[dreg:$0x0] =	wrdreg $0x0  }
0xab: {  	s7 =	sshll.u32 s28, $0x1;
	[dreg:$0x2] =	wrdreg s6  }
0xac: {  	[dreg:$0x3] =	wrdreg s7  }
0xad: {  	[dreg:$0x4] =	wrdreg $0xC0  }
0xae: {  	_ =	task [dreg:s10], $0x5FFFF  }
0xaf: {  	[dreg:$0x1] =	wrdreg $0xFFFFFFFF  }
0xb0: {  	[dreg:$0x0] =	wrdreg $0x60  }
0xb1: {  	[dreg:$0x2] =	wrdreg s2  }
0xb2: {  	[dreg:$0x3] =	wrdreg s19  }
0xb3: {  	[dreg:$0x4] =	wrdreg s4  }
0xb4: {  	[dreg:$0x5] =	wrdreg s5  }
0xb5: {  	[dreg:$0x6] =	wrdreg $0x9  }
0xb6: {  	_ =	task.clear_ibuf [dreg:s10], $0x7FFFF;
	_ =	strace $0x90000046  }
0xb7: {  	s29 =	simm.s32 $0x9;
	_ =	strace $0x80000048  }
0xb8: {  	_ =	swait.ge [sflag:s29], $0x1  }
0xb9: {  	[sflag:s29] =	ssyncadd.s32 $0xFFFFFFFF  }
0xba: {  	_ =	strace $0x90000048  }
0xbb: {  	_ =	sfence  }
0xbc: {  	s30 =	sld [smem:$0x0];
	_ =	sdelay $0x2  }
0xbd: {  	s31 =	sshll.u32 s1, $0xD;
	s1 =	sshrl.u32 s1, $0x2  }
0xbe: {  	s3 =	sand.u32 $0x4000, s31;
	s1 =	sadd.s32 s1, s30  }
0xbf: {  	s0 =	sor.u32 s3, s0;
	s1 =	sshll.u32 s1, $0x11  }
0xc0: {  	s0 =	sor.u32 s1, s0  }
0xc1: {  	s0 =	sadd.s32 $0x8F2B, s0  }
0xc2: {  	[sflag:s0] =	ssyncadd.remote.s32 $0x1  }
0xc3: {  	_ =	sfence.sel $0xFFFF  }
0xc4: {  	[dreg:$0x0] =	wrdreg $0xFFFFFFFF;
	(pc) =	sbr.abs _section_cstart, $3  }
0xc5: {  	[dreg:$0x1] =	wrdreg $0xFFFFFFFF  }
0xc6: {  	_ =	task.clear_ibuf [dreg:s10], $0x2FFFF;
	_ =	strace $0x9FFFFFFF  }
0xc7: {  	(tm) =	ssettm $0x7FFFFFFF  }
tec
execute0_lowered:
.L_overlay_start_1:
0x0: {  	(tag) =	ssettag $0x1  }
0x1: {  	s1 =	rddreg [dreg:$0x0]  }
0x2: {  	s0 =	rddreg [dreg:$0x1];
	s2 =	srdreg.scid  }
0x3: {  	s3 =	stileid.u32;
	s4 =	rddreg [dreg:$0x3];
	s5 =	simm.s32 $0x0  }
0x4: {  	s19 =	simm.s32 $0x2B80;
	s2 =	sand.u32 $0x1, s2;
	s3 =	sshll.u32 s3, $0x1  }
0x5: {  	s28 =	simm.s32 $0x2;
	s29 =	simm.s32 $0x3;
	s3 =	sor.u32 s2, s3  }
0x6: {  	s30 =	simm.s32 $0x4;
	s31 =	simm.s32 $0x5;
	s7 =	smul.u32 $0x138800, s3  }
0x7: {  	[smem:$0x7FF] =	sst s5;
	s2 =	ssub.s32 $0x2, s2;
	s8 =	smul.u32 $0x27100, s3  }
0x8: {  	_ =	strace $0x80000047;
	s9 =	sshrl.u32 s2, $0x1;
	s6 =	smul.u32 $0x2710, s3  }
0x9: {  	s2 =	ssub.s32 s2, s9;
	s9 =	simm.s32 $0x0;
	s20 =	sshrl.u32 s7, $0x3  }
0xa: {  	s21 =	sadd.s32 s1, s8;
	s24 =	sshrl.u32 s6, $0x3;
	s13 =	sadd.s32 $0xF0, s6  }
0xb: {  	s14 =	sadd.s32 $0x140, s6;
	s15 =	sadd.s32 $0x190, s6;
	s16 =	sadd.s32 $0x1E0, s6  }
0xc: {  	s17 =	sadd.s32 $0x230, s6;
	s26 =	smax.u32 s2, $0x1;
	[dreg:$0x5] =	wrdreg s21  }
0xd: {  	s3 =	sadd.s32 s1, s20;
	s0 =	sadd.s32 s0, s24;
	[dreg:$0xb] =	wrdreg s26  }
0xe: {  	s20 =	simm.s32 $0x5380;
	s22 =	sadd.s32 $0x500, s3;
	[dreg:$0xa] =	wrdreg s0  }
.Ltmp0:
0xf: {  	v0 =	vlaneseq.u32;
	s23 =	sadd.s32 $0xA00, s3;
	[dreg:$0x6] =	wrdreg s22;
	(pc) =	sbr.rel .LBB2_1-.Ltmp0, $4  }
0x10: {  	v1 =	vmul.u32 $0x80, v0;
	s21 =	simm.s32 $0x7B80;
	s25 =	sadd.s32 $0xF00, s3;
	[dreg:$0x7] =	wrdreg s23  }
0x11: {  	s24 =	simm.s32 $0xB;
	s3 =	sadd.s32 $0x1400, s3;
	[dreg:$0x8] =	wrdreg s25  }
0x12: {  	v2 =	vor.u32 $0x800, v1;
	s26 =	simm.s32 $0x1;
	[dreg:$0x9] =	wrdreg s3;
	s22 =	simm.s32 $0xA380  }
0x13: {  	v3 =	vor.u32 $0x1000, v1;
	v4 =	vor.u32 $0x1800, v1;
	v5 =	vor.u32 $0x2000, v1;
	s23 =	simm.s32 $0xCB80;
	s25 =	simm.s32 $0x400;
	s3 =	simm.s32 $0x8  }
.LBB2_54:
0x14: {  	s0 =	simm.s32 $0x6  }
0x15: {  	_ =	swait.ge [sflag:s0], $0x2800  }
0x16: {  	[sflag:s0] =	ssyncset.done $0x0  }
0x17: {  	s11 =	simm.s32 $0x7;
	[sflag:s0] =	ssyncadd.s32 $0xFFFFD800  }
0x18: {  	_ =	swait.ge [sflag:s11], $0x2800  }
0x19: {  	[sflag:s11] =	ssyncset.done $0x0  }
0x1a: {  	[sflag:s11] =	ssyncadd.s32 $0xFFFFD800  }
0x1b: {  	_ =	swait.ge [sflag:s3], $0x2800  }
0x1c: {  	[sflag:s3] =	ssyncset.done $0x0  }
0x1d: {  	s12 =	simm.s32 $0x9;
	[sflag:s3] =	ssyncadd.s32 $0xFFFFD800  }
0x1e: {  	_ =	swait.ge [sflag:s12], $0x2800  }
0x1f: {  	[sflag:s12] =	ssyncset.done $0x0  }
0x20: {  	s2 =	simm.s32 $0xA;
	[sflag:s12] =	ssyncadd.s32 $0xFFFFD800  }
0x21: {  	_ =	swait.ge [sflag:s2], $0x2800  }
0x22: {  	s9 =	sadd.s32 $0x1, s9;
	s18 =	rddreg [dreg:$0xb]  }
0x23: {  	p0 =	sne.s32 s9, s18  }
.Ltmp1:
0x24: {  	_ = 	snop;
	(pc) =	sbr.rel @!p0 .LBB2_55-.Ltmp1, $3  }
0x25: {  	_ =	sdelay $0x1  }
0x26: {  	[sflag:s2] =	ssyncset.done $0x0  }
0x27: {  	[sflag:s2] =	ssyncadd.s32 $0xFFFFD800  }
.LBB2_1:
0x28: {  	s0 =	rddreg [dreg:$0x5]  }
0x29: {  	[tilespmem:s19], [sflag:$0x1] =	stream.linear.gather [hbm4b:s0+s5], $0x2800, $0x38;
	[tilespmem:$0xF380] =	vst v63  }
0x2a: {  	s7 =	rddreg [dreg:$0x6]  }
0x2b: {  	[tilespmem:s20], [sflag:$0x2] =	stream.linear.gather [hbm4b:s7+s5], $0x2800, $0x38;
	[tilespmem:$0xF380] =	vst v63  }
0x2c: {  	s8 =	rddreg [dreg:$0x7]  }
0x2d: {  	[tilespmem:s21], [sflag:$0x3] =	stream.linear.gather [hbm4b:s8+s5], $0x2800, $0x38;
	[tilespmem:$0xF380] =	vst v63  }
0x2e: {  	s10 =	rddreg [dreg:$0x8]  }
0x2f: {  	[tilespmem:s22], [sflag:$0x4] =	stream.linear.gather [hbm4b:s10+s5], $0x2800, $0x38;
	[tilespmem:$0xF380] =	vst v63  }
0x30: {  	s11 =	rddreg [dreg:$0x9]  }
0x31: {  	[tilespmem:s23], [sflag:$0x5] =	stream.linear.gather [hbm4b:s11+s5], $0x2800, $0x38;
	[tilespmem:$0xF380] =	vst v63  }
0x32: {  	s12 =	rddreg [dreg:$0x2]  }
0x33: {  	[tilespmem:s5], [sflag:$0xB] =	stream.linear.gather [hbm4b:s12+s5], $0x280, $0x38;
	[tilespmem:$0xF380] =	vst v63  }
0x34: {  	_ =	swait.ge [sflag:s24], $0x280  }
0x35: {  	[sflag:s24] =	ssyncset.done $0x0  }
0x36: {  	s18 =	rddreg [dreg:$0xa];
	[sflag:s24] =	ssyncadd.s32 $0xFFFFFD80  }
0x37: {  	[tilespmem:s25], [sflag:$0xB] =	stream.linear.gather [hbm4b:s18+s5], $0x2710, $0x38;
	[tilespmem:$0xF380] =	vst v63  }
0x38: {  	_ =	swait.ge [sflag:s24], $0x2710  }
0x39: {  	[sflag:s24] =	ssyncset.done $0x0  }
0x3a: {  	s10 =	simm.s32 $0x0;
	[sflag:s24] =	ssyncadd.s32 $0xFFFFD8F0  }
.LBB2_2:
0x3b: {  	s11 =	smul.u32 $0x190, s10;
	_ =	sdelay $0x1  }
0x3c: {  	v6 =	vor.u32 s11, v0;
	_ =	sdelay $0x1  }
0x3d: {  	_ =	swait.ge [sflag:s26], $0x2800  }
0x3e: {  	[sflag:s26] =	ssyncset.done $0x0;
	s12 =	sadd.s32 $0x10, s11  }
0x3f: {  	s0 =	sadd.s32 $0x30, s11;
	[sflag:s26] =	ssyncadd.s32 $0xFFFFD800;
	v7 =	vor.u32 s12, v0  }
0x40: {  	v10 =	vor.u32 s0, v0;
	v11 =	vld.idx.msk [tilespmem:v6+s25+$0x0], $0xffff;
	_ =	sdelay $0x1  }
0x41: {  	s8 =	simm.s32 $0x2  }
0x42: {  	v12 =	vadd.s32 s8, v0;
	s18 =	sadd.s32 $0x20, s11  }
0x43: {  	s7 =	simm.s32 $0x0;
	s2 =	sadd.s32 $0x40, s11;
	v21 =	vand.u32 $0x7F, v12;
	v8 =	vor.u32 s18, v0;
	v9 =	vld.idx.msk [tilespmem:v7+s25+$0x0], $0xffff  }
0x44: {  	s18 =	simm.s32 $0x4;
	v6 =	vor.u32 s2, v0;
	v7 =	vld.idx.msk [tilespmem:v10+s25+$0x0], $0xffff;
	v10 =	vshll.u32 v11, $0x7;
	v11 =	vadd.s32 s7, v0  }
0x45: {  	v13 =	vadd.s32 s18, v0;
	s18 =	simm.s32 $0x7;
	v11 =	vand.u32 $0x7F, v11;
	v12 =	vor.u32 v10, v21  }
0x46: {  	s0 =	simm.s32 $0x3;
	v25 =	vand.u32 $0x7F, v13;
	v13 =	vadd.s32 s18, v0;
	v14 =	vor.u32 v10, v11  }
0x47: {  	v15 =	vadd.s32 s0, v0;
	v22 =	vand.u32 $0x7F, v13;
	s2 =	simm.s32 $0x5;
	v16 =	vor.u32 v10, v25  }
0x48: {  	v26 =	vand.u32 $0x7F, v15;
	v8 =	vld.idx.msk [tilespmem:v8+s25+$0x0], $0xffff;
	v15 =	vadd.s32 s2, v0;
	v13 =	vor.u32 v10, v22  }
0x49: {  	v24 =	vand.u32 $0x7F, v15;
	v6 =	vld.idx.msk [tilespmem:v6+s25+$0x0], $0xffff;
	s7 =	simm.s32 $0x1;
	v23 =	vor.u32 v10, v26  }
0x4a: {  	v28 =	vor.u32 v10, v24;
	v18 =	vld.idx.msk [tilespmem:v12+s5+$0x0], $0xffff;
	v12 =	vadd.s32 s7, v0  }
0x4b: {  	v27 =	vor.u32 v1, v11;
	v14 =	vld.idx.msk [tilespmem:v14+s5+$0x0], $0xffff;
	v15 =	vand.u32 $0x7F, v12  }
0x4c: {  	s8 =	simm.s32 $0x6;
	v11 =	vld.idx.msk [tilespmem:v16+s5+$0x0], $0xffff;
	v19 =	vor.u32 v10, v15  }
0x4d: {  	v17 =	vadd.s32 s8, v0;
	v20 =	vld.idx.msk [tilespmem:v13+s5+$0x0], $0xffff;
	v12 =	vor.u32 v1, v24;
	v24 =	vor.u32 v1, v21  }
0x4e: {  	v17 =	vand.u32 $0x7F, v17;
	v16 =	vld.idx.msk [tilespmem:v23+s5+$0x0], $0xffff;
	v23 =	vor.u32 v1, v22  }
0x4f: {  	v13 =	vor.u32 v10, v17;
	v21 =	vld.idx.msk [tilespmem:v28+s5+$0x0], $0xffff  }
0x50: {  	s12 =	simm.s32 $0x8;
	v22 =	vor.u32 v1, v26;
	[tilespmem:v27+s19+$0x0] =	vst.idx.add.f32.msk $0xffff, v14;
	v14 =	vor.u32 v1, v25  }
.LBB2_3:
0x51: {  	v25 =	vadd.s32 s12, v0;
	s18 =	sadd.s32 $0x1, s12;
	s2 =	sadd.s32 $0x3, s12;
	s0 =	sadd.s32 $0x4, s12;
	v26 =	vld.idx.msk [tilespmem:v19+s5+$0x0], $0xffff;
	v27 =	vor.u32 v1, v15;
	v28 =	vor.u32 v1, v17  }
0x52: {  	s7 =	sadd.s32 $0x6, s12;
	v25 =	vand.u32 $0x7F, v25;
	v15 =	vadd.s32 s18, v0;
	s18 =	sadd.s32 $0x2, s12;
	v17 =	vadd.s32 s0, v0;
	s0 =	sadd.s32 $0x5, s12;
	[tilespmem:v24+s19+$0x0] =	vst.idx.add.f32.msk $0xffff, v18  }
0x53: {  	p0 =	slt.u32 s12, $0x78;
	v18 =	vor.u32 v10, v25;
	v19 =	vadd.s32 s18, v0;
	v24 =	vadd.s32 s0, v0;
	s0 =	sadd.s32 $0x7, s12;
	s12 =	sadd.s32 $0x8, s12;
	[tilespmem:v23+s19+$0x0] =	vst.idx.add.f32.msk $0xffff, v20  }
0x54: {  	v29 =	vand.u32 $0x7F, v17;
	v20 =	vand.u32 $0x7F, v19;
	v19 =	vadd.s32 s2, v0;
	v23 =	vld.idx.msk [tilespmem:v13+s5+$0x0], $0xffff  }
0x55: {  	v15 =	vand.u32 $0x7F, v15;
	v30 =	vor.u32 v10, v20;
	v31 =	vand.u32 $0x7F, v19;
	[tilespmem:v22+s19+$0x0] =	vst.idx.add.f32.msk $0xffff, v16  }
0x56: {  	v13 =	vadd.s32 s0, v0;
	v16 =	vor.u32 v10, v29;
	v22 =	vand.u32 $0x7F, v24;
	[tilespmem:v12+s19+$0x0] =	vst.idx.add.f32.msk $0xffff, v21  }
0x57: {  	v19 =	vor.u32 v10, v15;
	v12 =	vadd.s32 s7, v0;
	v21 =	vand.u32 $0x7F, v13;
	[tilespmem:v27+s19+$0x0] =	vst.idx.add.f32.msk $0xffff, v26  }
0x58: {  	v27 =	vor.u32 v10, v22;
	v17 =	vand.u32 $0x7F, v12;
	v32 =	vor.u32 v10, v21;
	v26 =	vld.idx.msk [tilespmem:v18+s5+$0x0], $0xffff  }
0x59: {  	v33 =	vor.u32 v10, v31;
	v13 =	vor.u32 v10, v17;
	[tilespmem:v14+s19+$0x0] =	vst.idx.add.f32.msk $0xffff, v11  }
0x5a: {  	v12 =	vor.u32 v1, v22;
	v14 =	vor.u32 v1, v25;
	[tilespmem:v28+s19+$0x0] =	vst.idx.add.f32.msk $0xffff, v23  }
0x5b: {  	v18 =	vld.idx.msk [tilespmem:v30+s5+$0x0], $0xffff  }
.Ltmp2:
0x5c: {  	v11 =	vld.idx.msk [tilespmem:v16+s5+$0x0], $0xffff;
	(pc) =	sbr.rel @p0 .LBB2_3-.Ltmp2, $4  }
0x5d: {  	v24 =	vor.u32 v1, v20;
	v20 =	vld.idx.msk [tilespmem:v32+s5+$0x0], $0xffff  }
0x5e: {  	v23 =	vor.u32 v1, v21;
	v16 =	vld.idx.msk [tilespmem:v33+s5+$0x0], $0xffff  }
0x5f: {  	[tilespmem:v14+s19+$0x0] =	vst.idx.add.f32.msk $0xffff, v26  }
0x60: {  	v22 =	vor.u32 v1, v31;
	v14 =	vor.u32 v1, v29;
	v21 =	vld.idx.msk [tilespmem:v27+s5+$0x0], $0xffff  }
0x61: {  	_ =	sdelay $0x3  }
0x62: {  	v10 =	vld.idx.msk [tilespmem:v19+s5+$0x0], $0xffff;
	v15 =	vor.u32 v1, v15;
	_ =	sdelay $0x1  }
0x63: {  	v17 =	vor.u32 v1, v17;
	v13 =	vld.idx.msk [tilespmem:v13+s5+$0x0], $0xffff  }
0x64: {  	[tilespmem:v14+s19+$0x0] =	vst.idx.add.f32.msk $0xffff, v11;
	s0 =	simm.s32 $0x2  }
0x65: {  	s12 =	simm.s32 $0x0;
	[tilespmem:v23+s19+$0x0] =	vst.idx.add.f32.msk $0xffff, v20;
	v11 =	vadd.s32 s0, v0  }
0x66: {  	v9 =	vshll.u32 v9, $0x7;
	s2 =	simm.s32 $0x4;
	v20 =	vand.u32 $0x7F, v11;
	[tilespmem:v15+s19+$0x0] =	vst.idx.add.f32.msk $0xffff, v10;
	v10 =	vadd.s32 s12, v0  }
0x67: {  	s7 =	simm.s32 $0x3;
	v11 =	vor.u32 v9, v20;
	[tilespmem:v12+s19+$0x0] =	vst.idx.add.f32.msk $0xffff, v21;
	v12 =	vadd.s32 s2, v0;
	v10 =	vand.u32 $0x7F, v10  }
0x68: {  	v14 =	vadd.s32 s7, v0;
	s2 =	simm.s32 $0x7;
	[tilespmem:v17+s19+$0x0] =	vst.idx.add.f32.msk $0xffff, v13;
	v63 =	vand.u32 $0x7F, v12;
	v13 =	vor.u32 v9, v10  }
0x69: {  	s8 =	simm.s32 $0x5;
	v25 =	vand.u32 $0x7F, v14;
	v12 =	vadd.s32 s2, v0;
	v15 =	vor.u32 v9, v63  }
0x6a: {  	[tilespmem:v22+s19+$0x0] =	vst.idx.add.f32.msk $0xffff, v16;
	v14 =	vadd.s32 s8, v0;
	v22 =	vor.u32 v9, v25;
	v21 =	vand.u32 $0x7F, v12  }
0x6b: {  	[tilespmem:v24+s19+$0x0] =	vst.idx.add.f32.msk $0xffff, v18;
	v23 =	vand.u32 $0x7F, v14;
	s12 =	simm.s32 $0x1;
	v12 =	vor.u32 v9, v21  }
0x6c: {  	v27 =	vor.u32 v9, v23;
	v17 =	vld.idx.msk [tilespmem:v11+s5+$0x0], $0xffff;
	v11 =	vadd.s32 s12, v0  }
0x6d: {  	v26 =	vor.u32 v2, v10;
	v14 =	vand.u32 $0x7F, v11;
	v13 =	vld.idx.msk [tilespmem:v13+s5+$0x0], $0xffff  }
0x6e: {  	s18 =	simm.s32 $0x6;
	v18 =	vor.u32 v9, v14;
	v10 =	vld.idx.msk [tilespmem:v15+s5+$0x0], $0xffff  }
0x6f: {  	v16 =	vadd.s32 s18, v0;
	v11 =	vor.u32 v2, v23;
	v23 =	vor.u32 v2, v20;
	v15 =	vld.idx.msk [tilespmem:v22+s5+$0x0], $0xffff  }
0x70: {  	v16 =	vand.u32 $0x7F, v16;
	v22 =	vor.u32 v2, v21;
	v19 =	vld.idx.msk [tilespmem:v12+s5+$0x0], $0xffff  }
0x71: {  	v20 =	vld.idx.msk [tilespmem:v27+s5+$0x0], $0xffff;
	v12 =	vor.u32 v9, v16  }
0x72: {  	s12 =	simm.s32 $0x8;
	v21 =	vor.u32 v2, v25;
	[tilespmem:v26+s19+$0x0] =	vst.idx.add.f32.msk $0xffff, v13;
	v13 =	vor.u32 v2, v63  }
.LBB2_5:
0x73: {  	v24 =	vadd.s32 s12, v0;
	s0 =	sadd.s32 $0x1, s12;
	s2 =	sadd.s32 $0x3, s12;
	s7 =	sadd.s32 $0x4, s12;
	v25 =	vld.idx.msk [tilespmem:v18+s5+$0x0], $0xffff;
	v26 =	vor.u32 v2, v14;
	v27 =	vor.u32 v2, v16  }
0x74: {  	s18 =	sadd.s32 $0x6, s12;
	v24 =	vand.u32 $0x7F, v24;
	v14 =	vadd.s32 s0, v0;
	s0 =	sadd.s32 $0x2, s12;
	v16 =	vadd.s32 s7, v0;
	s7 =	sadd.s32 $0x5, s12;
	[tilespmem:v23+s19+$0x0] =	vst.idx.add.f32.msk $0xffff, v17  }
0x75: {  	p0 =	slt.u32 s12, $0x78;
	v17 =	vor.u32 v9, v24;
	v18 =	vadd.s32 s0, v0;
	v23 =	vadd.s32 s7, v0;
	s0 =	sadd.s32 $0x7, s12;
	s12 =	sadd.s32 $0x8, s12;
	[tilespmem:v22+s19+$0x0] =	vst.idx.add.f32.msk $0xffff, v19  }
0x76: {  	v28 =	vand.u32 $0x7F, v16;
	v19 =	vand.u32 $0x7F, v18;
	v18 =	vadd.s32 s2, v0;
	v22 =	vld.idx.msk [tilespmem:v12+s5+$0x0], $0xffff  }
0x77: {  	v14 =	vand.u32 $0x7F, v14;
	v29 =	vor.u32 v9, v19;
	v30 =	vand.u32 $0x7F, v18;
	[tilespmem:v21+s19+$0x0] =	vst.idx.add.f32.msk $0xffff, v15  }
0x78: {  	v12 =	vadd.s32 s0, v0;
	v15 =	vor.u32 v9, v28;
	v21 =	vand.u32 $0x7F, v23;
	[tilespmem:v11+s19+$0x0] =	vst.idx.add.f32.msk $0xffff, v20  }
0x79: {  	v18 =	vor.u32 v9, v14;
	v11 =	vadd.s32 s18, v0;
	v20 =	vand.u32 $0x7F, v12;
	[tilespmem:v26+s19+$0x0] =	vst.idx.add.f32.msk $0xffff, v25  }
0x7a: {  	v26 =	vor.u32 v9, v21;
	v16 =	vand.u32 $0x7F, v11;
	v31 =	vor.u32 v9, v20;
	v25 =	vld.idx.msk [tilespmem:v17+s5+$0x0], $0xffff  }
0x7b: {  	v32 =	vor.u32 v9, v30;
	v12 =	vor.u32 v9, v16;
	[tilespmem:v13+s19+$0x0] =	vst.idx.add.f32.msk $0xffff, v10  }
0x7c: {  	v11 =	vor.u32 v2, v21;
	v13 =	vor.u32 v2, v24;
	[tilespmem:v27+s19+$0x0] =	vst.idx.add.f32.msk $0xffff, v22  }
0x7d: {  	v17 =	vld.idx.msk [tilespmem:v29+s5+$0x0], $0xffff  }
.Ltmp3:
0x7e: {  	v10 =	vld.idx.msk [tilespmem:v15+s5+$0x0], $0xffff;
	(pc) =	sbr.rel @p0 .LBB2_5-.Ltmp3, $4  }
0x7f: {  	v23 =	vor.u32 v2, v19;
	v19 =	vld.idx.msk [tilespmem:v31+s5+$0x0], $0xffff  }
0x80: {  	v22 =	vor.u32 v2, v20;
	v15 =	vld.idx.msk [tilespmem:v32+s5+$0x0], $0xffff  }
0x81: {  	[tilespmem:v13+s19+$0x0] =	vst.idx.add.f32.msk $0xffff, v25  }
0x82: {  	v21 =	vor.u32 v2, v30;
	v13 =	vor.u32 v2, v28;
	v20 =	vld.idx.msk [tilespmem:v26+s5+$0x0], $0xffff  }
0x83: {  	_ =	sdelay $0x3  }
0x84: {  	v9 =	vld.idx.msk [tilespmem:v18+s5+$0x0], $0xffff;
	v14 =	vor.u32 v2, v14  }
0x85: {  	[tilespmem:v23+s19+$0x0] =	vst.idx.add.f32.msk $0xffff, v17  }
0x86: {  	v16 =	vor.u32 v2, v16;
	v12 =	vld.idx.msk [tilespmem:v12+s5+$0x0], $0xffff  }
0x87: {  	[tilespmem:v13+s19+$0x0] =	vst.idx.add.f32.msk $0xffff, v10;
	s0 =	simm.s32 $0x2  }
0x88: {  	s12 =	simm.s32 $0x0;
	[tilespmem:v22+s19+$0x0] =	vst.idx.add.f32.msk $0xffff, v19;
	v10 =	vadd.s32 s0, v0  }
0x89: {  	v8 =	vshll.u32 v8, $0x7;
	s2 =	simm.s32 $0x4;
	v19 =	vand.u32 $0x7F, v10;
	[tilespmem:v14+s19+$0x0] =	vst.idx.add.f32.msk $0xffff, v9;
	v9 =	vadd.s32 s12, v0  }
0x8a: {  	s7 =	simm.s32 $0x3;
	v10 =	vor.u32 v8, v19;
	[tilespmem:v11+s19+$0x0] =	vst.idx.add.f32.msk $0xffff, v20;
	v11 =	vadd.s32 s2, v0;
	v9 =	vand.u32 $0x7F, v9  }
0x8b: {  	v13 =	vadd.s32 s7, v0;
	s2 =	simm.s32 $0x7;
	[tilespmem:v16+s19+$0x0] =	vst.idx.add.f32.msk $0xffff, v12;
	v23 =	vand.u32 $0x7F, v11;
	v12 =	vor.u32 v8, v9  }
0x8c: {  	s8 =	simm.s32 $0x5;
	v24 =	vand.u32 $0x7F, v13;
	v11 =	vadd.s32 s2, v0;
	v14 =	vor.u32 v8, v23  }
0x8d: {  	[tilespmem:v21+s19+$0x0] =	vst.idx.add.f32.msk $0xffff, v15;
	v13 =	vadd.s32 s8, v0;
	v21 =	vor.u32 v8, v24;
	v20 =	vand.u32 $0x7F, v11  }
0x8e: {  	v22 =	vand.u32 $0x7F, v13;
	s12 =	simm.s32 $0x1;
	v11 =	vor.u32 v8, v20  }
0x8f: {  	v26 =	vor.u32 v8, v22;
	v16 =	vld.idx.msk [tilespmem:v10+s5+$0x0], $0xffff;
	v10 =	vadd.s32 s12, v0  }
0x90: {  	v25 =	vor.u32 v3, v9;
	v13 =	vand.u32 $0x7F, v10;
	v12 =	vld.idx.msk [tilespmem:v12+s5+$0x0], $0xffff  }
0x91: {  	s18 =	simm.s32 $0x6;
	v17 =	vor.u32 v8, v13;
	v9 =	vld.idx.msk [tilespmem:v14+s5+$0x0], $0xffff  }
0x92: {  	v15 =	vadd.s32 s18, v0;
	v10 =	vor.u32 v3, v22;
	v22 =	vor.u32 v3, v19;
	v14 =	vld.idx.msk [tilespmem:v21+s5+$0x0], $0xffff  }
0x93: {  	v15 =	vand.u32 $0x7F, v15;
	v21 =	vor.u32 v3, v20;
	v18 =	vld.idx.msk [tilespmem:v11+s5+$0x0], $0xffff  }
0x94: {  	v19 =	vld.idx.msk [tilespmem:v26+s5+$0x0], $0xffff;
	v11 =	vor.u32 v8, v15  }
0x95: {  	s12 =	simm.s32 $0x8;
	v20 =	vor.u32 v3, v24;
	[tilespmem:v25+s19+$0x0] =	vst.idx.add.f32.msk $0xffff, v12;
	v12 =	vor.u32 v3, v23  }
.LBB2_7:
0x96: {  	v23 =	vadd.s32 s12, v0;
	s0 =	sadd.s32 $0x1, s12;
	s2 =	sadd.s32 $0x3, s12;
	s7 =	sadd.s32 $0x4, s12;
	v24 =	vld.idx.msk [tilespmem:v17+s5+$0x0], $0xffff;
	v25 =	vor.u32 v3, v13;
	v26 =	vor.u32 v3, v15  }
0x97: {  	s18 =	sadd.s32 $0x6, s12;
	v23 =	vand.u32 $0x7F, v23;
	v13 =	vadd.s32 s0, v0;
	s0 =	sadd.s32 $0x2, s12;
	v15 =	vadd.s32 s7, v0;
	s7 =	sadd.s32 $0x5, s12;
	[tilespmem:v22+s19+$0x0] =	vst.idx.add.f32.msk $0xffff, v16  }
0x98: {  	p0 =	slt.u32 s12, $0x78;
	v16 =	vor.u32 v8, v23;
	v17 =	vadd.s32 s0, v0;
	v22 =	vadd.s32 s7, v0;
	s0 =	sadd.s32 $0x7, s12;
	s12 =	sadd.s32 $0x8, s12;
	[tilespmem:v21+s19+$0x0] =	vst.idx.add.f32.msk $0xffff, v18  }
0x99: {  	v27 =	vand.u32 $0x7F, v15;
	v18 =	vand.u32 $0x7F, v17;
	v17 =	vadd.s32 s2, v0;
	v21 =	vld.idx.msk [tilespmem:v11+s5+$0x0], $0xffff  }
0x9a: {  	v13 =	vand.u32 $0x7F, v13;
	v28 =	vor.u32 v8, v18;
	v29 =	vand.u32 $0x7F, v17;
	[tilespmem:v20+s19+$0x0] =	vst.idx.add.f32.msk $0xffff, v14  }
0x9b: {  	v11 =	vadd.s32 s0, v0;
	v14 =	vor.u32 v8, v27;
	v20 =	vand.u32 $0x7F, v22;
	[tilespmem:v10+s19+$0x0] =	vst.idx.add.f32.msk $0xffff, v19  }
0x9c: {  	v17 =	vor.u32 v8, v13;
	v10 =	vadd.s32 s18, v0;
	v19 =	vand.u32 $0x7F, v11;
	[tilespmem:v25+s19+$0x0] =	vst.idx.add.f32.msk $0xffff, v24  }
0x9d: {  	v25 =	vor.u32 v8, v20;
	v15 =	vand.u32 $0x7F, v10;
	v30 =	vor.u32 v8, v19;
	v24 =	vld.idx.msk [tilespmem:v16+s5+$0x0], $0xffff  }
0x9e: {  	v31 =	vor.u32 v8, v29;
	v11 =	vor.u32 v8, v15;
	[tilespmem:v12+s19+$0x0] =	vst.idx.add.f32.msk $0xffff, v9  }
0x9f: {  	v10 =	vor.u32 v3, v20;
	v12 =	vor.u32 v3, v23;
	[tilespmem:v26+s19+$0x0] =	vst.idx.add.f32.msk $0xffff, v21  }
0xa0: {  	v16 =	vld.idx.msk [tilespmem:v28+s5+$0x0], $0xffff  }
.Ltmp4:
0xa1: {  	v9 =	vld.idx.msk [tilespmem:v14+s5+$0x0], $0xffff;
	(pc) =	sbr.rel @p0 .LBB2_7-.Ltmp4, $4  }
0xa2: {  	v22 =	vor.u32 v3, v18;
	v18 =	vld.idx.msk [tilespmem:v30+s5+$0x0], $0xffff  }
0xa3: {  	v21 =	vor.u32 v3, v19;
	v14 =	vld.idx.msk [tilespmem:v31+s5+$0x0], $0xffff  }
0xa4: {  	[tilespmem:v12+s19+$0x0] =	vst.idx.add.f32.msk $0xffff, v24  }
0xa5: {  	v20 =	vor.u32 v3, v29;
	v12 =	vor.u32 v3, v27;
	v19 =	vld.idx.msk [tilespmem:v25+s5+$0x0], $0xffff  }
0xa6: {  	_ =	sdelay $0x3  }
0xa7: {  	v8 =	vld.idx.msk [tilespmem:v17+s5+$0x0], $0xffff;
	v13 =	vor.u32 v3, v13  }
0xa8: {  	[tilespmem:v22+s19+$0x0] =	vst.idx.add.f32.msk $0xffff, v16  }
0xa9: {  	v15 =	vor.u32 v3, v15;
	v11 =	vld.idx.msk [tilespmem:v11+s5+$0x0], $0xffff  }
0xaa: {  	[tilespmem:v12+s19+$0x0] =	vst.idx.add.f32.msk $0xffff, v9;
	s0 =	simm.s32 $0x2  }
0xab: {  	s12 =	simm.s32 $0x0;
	[tilespmem:v21+s19+$0x0] =	vst.idx.add.f32.msk $0xffff, v18;
	v9 =	vadd.s32 s0, v0  }
0xac: {  	v7 =	vshll.u32 v7, $0x7;
	s2 =	simm.s32 $0x4;
	v18 =	vand.u32 $0x7F, v9;
	[tilespmem:v13+s19+$0x0] =	vst.idx.add.f32.msk $0xffff, v8;
	v8 =	vadd.s32 s12, v0  }
0xad: {  	s7 =	simm.s32 $0x3;
	v9 =	vor.u32 v7, v18;
	[tilespmem:v10+s19+$0x0] =	vst.idx.add.f32.msk $0xffff, v19;
	v10 =	vadd.s32 s2, v0;
	v8 =	vand.u32 $0x7F, v8  }
0xae: {  	v12 =	vadd.s32 s7, v0;
	s2 =	simm.s32 $0x7;
	[tilespmem:v15+s19+$0x0] =	vst.idx.add.f32.msk $0xffff, v11;
	v22 =	vand.u32 $0x7F, v10;
	v11 =	vor.u32 v7, v8  }
0xaf: {  	s8 =	simm.s32 $0x5;
	v23 =	vand.u32 $0x7F, v12;
	v10 =	vadd.s32 s2, v0;
	v13 =	vor.u32 v7, v22  }
0xb0: {  	[tilespmem:v20+s19+$0x0] =	vst.idx.add.f32.msk $0xffff, v14;
	v12 =	vadd.s32 s8, v0;
	v20 =	vor.u32 v7, v23;
	v19 =	vand.u32 $0x7F, v10  }
0xb1: {  	v21 =	vand.u32 $0x7F, v12;
	s12 =	simm.s32 $0x1;
	v10 =	vor.u32 v7, v19  }
0xb2: {  	v25 =	vor.u32 v7, v21;
	v15 =	vld.idx.msk [tilespmem:v9+s5+$0x0], $0xffff;
	v9 =	vadd.s32 s12, v0  }
0xb3: {  	v24 =	vor.u32 v4, v8;
	v12 =	vand.u32 $0x7F, v9;
	v11 =	vld.idx.msk [tilespmem:v11+s5+$0x0], $0xffff  }
0xb4: {  	s18 =	simm.s32 $0x6;
	v16 =	vor.u32 v7, v12;
	v8 =	vld.idx.msk [tilespmem:v13+s5+$0x0], $0xffff  }
0xb5: {  	v14 =	vadd.s32 s18, v0;
	v9 =	vor.u32 v4, v21;
	v21 =	vor.u32 v4, v18;
	v13 =	vld.idx.msk [tilespmem:v20+s5+$0x0], $0xffff  }
0xb6: {  	v14 =	vand.u32 $0x7F, v14;
	v20 =	vor.u32 v4, v19;
	v17 =	vld.idx.msk [tilespmem:v10+s5+$0x0], $0xffff  }
0xb7: {  	v18 =	vld.idx.msk [tilespmem:v25+s5+$0x0], $0xffff;
	v10 =	vor.u32 v7, v14  }
0xb8: {  	s12 =	simm.s32 $0x8;
	v19 =	vor.u32 v4, v23;
	[tilespmem:v24+s19+$0x0] =	vst.idx.add.f32.msk $0xffff, v11;
	v11 =	vor.u32 v4, v22  }
.LBB2_9:
0xb9: {  	v22 =	vadd.s32 s12, v0;
	s0 =	sadd.s32 $0x1, s12;
	s2 =	sadd.s32 $0x3, s12;
	s7 =	sadd.s32 $0x4, s12;
	v23 =	vld.idx.msk [tilespmem:v16+s5+$0x0], $0xffff;
	v24 =	vor.u32 v4, v12;
	v25 =	vor.u32 v4, v14  }
0xba: {  	s18 =	sadd.s32 $0x6, s12;
	v22 =	vand.u32 $0x7F, v22;
	v12 =	vadd.s32 s0, v0;
	s0 =	sadd.s32 $0x2, s12;
	v14 =	vadd.s32 s7, v0;
	s7 =	sadd.s32 $0x5, s12;
	[tilespmem:v21+s19+$0x0] =	vst.idx.add.f32.msk $0xffff, v15  }
0xbb: {  	p0 =	slt.u32 s12, $0x78;
	v15 =	vor.u32 v7, v22;
	v16 =	vadd.s32 s0, v0;
	v21 =	vadd.s32 s7, v0;
	s0 =	sadd.s32 $0x7, s12;
	s12 =	sadd.s32 $0x8, s12;
	[tilespmem:v20+s19+$0x0] =	vst.idx.add.f32.msk $0xffff, v17  }
0xbc: {  	v26 =	vand.u32 $0x7F, v14;
	v17 =	vand.u32 $0x7F, v16;
	v16 =	vadd.s32 s2, v0;
	v20 =	vld.idx.msk [tilespmem:v10+s5+$0x0], $0xffff  }
0xbd: {  	v12 =	vand.u32 $0x7F, v12;
	v27 =	vor.u32 v7, v17;
	v28 =	vand.u32 $0x7F, v16;
	[tilespmem:v19+s19+$0x0] =	vst.idx.add.f32.msk $0xffff, v13  }
0xbe: {  	v10 =	vadd.s32 s0, v0;
	v13 =	vor.u32 v7, v26;
	v19 =	vand.u32 $0x7F, v21;
	[tilespmem:v9+s19+$0x0] =	vst.idx.add.f32.msk $0xffff, v18  }
0xbf: {  	v16 =	vor.u32 v7, v12;
	v9 =	vadd.s32 s18, v0;
	v18 =	vand.u32 $0x7F, v10;
	[tilespmem:v24+s19+$0x0] =	vst.idx.add.f32.msk $0xffff, v23  }
0xc0: {  	v24 =	vor.u32 v7, v19;
	v14 =	vand.u32 $0x7F, v9;
	v29 =	vor.u32 v7, v18;
	v23 =	vld.idx.msk [tilespmem:v15+s5+$0x0], $0xffff  }
0xc1: {  	v30 =	vor.u32 v7, v28;
	v10 =	vor.u32 v7, v14;
	[tilespmem:v11+s19+$0x0] =	vst.idx.add.f32.msk $0xffff, v8  }
0xc2: {  	v9 =	vor.u32 v4, v19;
	v11 =	vor.u32 v4, v22;
	[tilespmem:v25+s19+$0x0] =	vst.idx.add.f32.msk $0xffff, v20  }
0xc3: {  	v15 =	vld.idx.msk [tilespmem:v27+s5+$0x0], $0xffff  }
.Ltmp5:
0xc4: {  	v8 =	vld.idx.msk [tilespmem:v13+s5+$0x0], $0xffff;
	(pc) =	sbr.rel @p0 .LBB2_9-.Ltmp5, $4  }
0xc5: {  	v21 =	vor.u32 v4, v17;
	v17 =	vld.idx.msk [tilespmem:v29+s5+$0x0], $0xffff  }
0xc6: {  	v20 =	vor.u32 v4, v18;
	v13 =	vld.idx.msk [tilespmem:v30+s5+$0x0], $0xffff  }
0xc7: {  	[tilespmem:v11+s19+$0x0] =	vst.idx.add.f32.msk $0xffff, v23  }
0xc8: {  	v19 =	vor.u32 v4, v28;
	v11 =	vor.u32 v4, v26;
	v18 =	vld.idx.msk [tilespmem:v24+s5+$0x0], $0xffff  }
0xc9: {  	_ =	sdelay $0x3  }
0xca: {  	v7 =	vld.idx.msk [tilespmem:v16+s5+$0x0], $0xffff;
	v12 =	vor.u32 v4, v12;
	_ =	sdelay $0x1  }
0xcb: {  	v14 =	vor.u32 v4, v14;
	v10 =	vld.idx.msk [tilespmem:v10+s5+$0x0], $0xffff  }
0xcc: {  	[tilespmem:v11+s19+$0x0] =	vst.idx.add.f32.msk $0xffff, v8;
	s0 =	simm.s32 $0x2  }
0xcd: {  	s12 =	simm.s32 $0x0;
	[tilespmem:v20+s19+$0x0] =	vst.idx.add.f32.msk $0xffff, v17;
	v8 =	vadd.s32 s0, v0  }
0xce: {  	v6 =	vshll.u32 v6, $0x7;
	s2 =	simm.s32 $0x4;
	v17 =	vand.u32 $0x7F, v8;
	[tilespmem:v12+s19+$0x0] =	vst.idx.add.f32.msk $0xffff, v7;
	v7 =	vadd.s32 s12, v0  }
0xcf: {  	v8 =	vor.u32 v6, v17;
	[tilespmem:v9+s19+$0x0] =	vst.idx.add.f32.msk $0xffff, v18;
	v9 =	vadd.s32 s2, v0;
	s2 =	simm.s32 $0x7;
	v7 =	vand.u32 $0x7F, v7  }
0xd0: {  	s7 =	simm.s32 $0x3;
	[tilespmem:v14+s19+$0x0] =	vst.idx.add.f32.msk $0xffff, v10;
	v9 =	vand.u32 $0x7F, v9;
	v11 =	vadd.s32 s2, v0;
	v10 =	vor.u32 v6, v7  }
0xd1: {  	s8 =	simm.s32 $0x5;
	[tilespmem:v19+s19+$0x0] =	vst.idx.add.f32.msk $0xffff, v13;
	v12 =	vadd.s32 s7, v0;
	v13 =	vor.u32 v6, v9;
	v18 =	vand.u32 $0x7F, v11  }
0xd2: {  	[tilespmem:v21+s19+$0x0] =	vst.idx.add.f32.msk $0xffff, v15;
	v21 =	vand.u32 $0x7F, v12;
	v11 =	vadd.s32 s8, v0;
	v12 =	vor.u32 v6, v18  }
0xd3: {  	s12 =	simm.s32 $0x1;
	v19 =	vor.u32 v6, v21;
	v20 =	vand.u32 $0x7F, v11  }
0xd4: {  	v24 =	vor.u32 v6, v20;
	v14 =	vld.idx.msk [tilespmem:v8+s5+$0x0], $0xffff;
	v8 =	vadd.s32 s12, v0  }
0xd5: {  	v23 =	vor.u32 v5, v7;
	v11 =	vand.u32 $0x7F, v8;
	v22 =	vld.idx.msk [tilespmem:v10+s5+$0x0], $0xffff  }
0xd6: {  	s18 =	simm.s32 $0x6;
	v15 =	vor.u32 v6, v11;
	v7 =	vld.idx.msk [tilespmem:v13+s5+$0x0], $0xffff  }
0xd7: {  	v8 =	vor.u32 v5, v20;
	v20 =	vor.u32 v5, v17;
	v10 =	vadd.s32 s18, v0;
	v16 =	vld.idx.msk [tilespmem:v12+s5+$0x0], $0xffff  }
0xd8: {  	v12 =	vld.idx.msk [tilespmem:v19+s5+$0x0], $0xffff;
	v19 =	vor.u32 v5, v18;
	v13 =	vand.u32 $0x7F, v10  }
0xd9: {  	v17 =	vld.idx.msk [tilespmem:v24+s5+$0x0], $0xffff;
	v10 =	vor.u32 v6, v13  }
0xda: {  	v9 =	vor.u32 v5, v9;
	s12 =	simm.s32 $0x8;
	v18 =	vor.u32 v5, v21;
	[tilespmem:v23+s19+$0x0] =	vst.idx.add.f32.msk $0xffff, v22  }
.LBB2_11:
0xdb: {  	v21 =	vadd.s32 s12, v0;
	s0 =	sadd.s32 $0x1, s12;
	s2 =	sadd.s32 $0x3, s12;
	s7 =	sadd.s32 $0x4, s12;
	v22 =	vld.idx.msk [tilespmem:v15+s5+$0x0], $0xffff;
	v23 =	vor.u32 v5, v11;
	v24 =	vor.u32 v5, v13  }
0xdc: {  	s18 =	sadd.s32 $0x6, s12;
	v21 =	vand.u32 $0x7F, v21;
	v11 =	vadd.s32 s0, v0;
	s0 =	sadd.s32 $0x2, s12;
	v13 =	vadd.s32 s7, v0;
	s7 =	sadd.s32 $0x5, s12;
	[tilespmem:v20+s19+$0x0] =	vst.idx.add.f32.msk $0xffff, v14  }
0xdd: {  	p0 =	slt.u32 s12, $0x78;
	v14 =	vor.u32 v6, v21;
	v15 =	vadd.s32 s0, v0;
	v20 =	vadd.s32 s7, v0;
	s0 =	sadd.s32 $0x7, s12;
	s12 =	sadd.s32 $0x8, s12;
	[tilespmem:v19+s19+$0x0] =	vst.idx.add.f32.msk $0xffff, v16  }
0xde: {  	v25 =	vand.u32 $0x7F, v13;
	v16 =	vand.u32 $0x7F, v15;
	v15 =	vadd.s32 s2, v0;
	v19 =	vld.idx.msk [tilespmem:v10+s5+$0x0], $0xffff  }
0xdf: {  	v11 =	vand.u32 $0x7F, v11;
	v26 =	vor.u32 v6, v16;
	v27 =	vand.u32 $0x7F, v15;
	[tilespmem:v18+s19+$0x0] =	vst.idx.add.f32.msk $0xffff, v12  }
0xe0: {  	v10 =	vadd.s32 s0, v0;
	v12 =	vor.u32 v6, v25;
	v18 =	vand.u32 $0x7F, v20;
	[tilespmem:v8+s19+$0x0] =	vst.idx.add.f32.msk $0xffff, v17  }
0xe1: {  	v15 =	vor.u32 v6, v11;
	v8 =	vadd.s32 s18, v0;
	v17 =	vand.u32 $0x7F, v10;
	[tilespmem:v23+s19+$0x0] =	vst.idx.add.f32.msk $0xffff, v22  }
0xe2: {  	v23 =	vor.u32 v6, v18;
	v13 =	vand.u32 $0x7F, v8;
	v28 =	vor.u32 v6, v17;
	v22 =	vld.idx.msk [tilespmem:v14+s5+$0x0], $0xffff  }
0xe3: {  	v29 =	vor.u32 v6, v27;
	v10 =	vor.u32 v6, v13;
	[tilespmem:v9+s19+$0x0] =	vst.idx.add.f32.msk $0xffff, v7  }
0xe4: {  	v8 =	vor.u32 v5, v18;
	v9 =	vor.u32 v5, v21;
	[tilespmem:v24+s19+$0x0] =	vst.idx.add.f32.msk $0xffff, v19  }
0xe5: {  	v14 =	vld.idx.msk [tilespmem:v26+s5+$0x0], $0xffff  }
.Ltmp6:
0xe6: {  	v7 =	vld.idx.msk [tilespmem:v12+s5+$0x0], $0xffff;
	(pc) =	sbr.rel @p0 .LBB2_11-.Ltmp6, $4  }
0xe7: {  	v20 =	vor.u32 v5, v16;
	v16 =	vld.idx.msk [tilespmem:v28+s5+$0x0], $0xffff  }
0xe8: {  	v19 =	vor.u32 v5, v17;
	v12 =	vld.idx.msk [tilespmem:v29+s5+$0x0], $0xffff  }
0xe9: {  	[tilespmem:v9+s19+$0x0] =	vst.idx.add.f32.msk $0xffff, v22  }
0xea: {  	v18 =	vor.u32 v5, v27;
	v9 =	vor.u32 v5, v25;
	v17 =	vld.idx.msk [tilespmem:v23+s5+$0x0], $0xffff  }
0xeb: {  	_ =	sdelay $0x3  }
0xec: {  	v6 =	vld.idx.msk [tilespmem:v15+s5+$0x0], $0xffff  }
0xed: {  	[tilespmem:v20+s19+$0x0] =	vst.idx.add.f32.msk $0xffff, v14  }
0xee: {  	v11 =	vor.u32 v5, v11;
	v10 =	vld.idx.msk [tilespmem:v10+s5+$0x0], $0xffff  }
0xef: {  	v13 =	vor.u32 v5, v13;
	[tilespmem:v9+s19+$0x0] =	vst.idx.add.f32.msk $0xffff, v7  }
0xf0: {  	[tilespmem:v19+s19+$0x0] =	vst.idx.add.f32.msk $0xffff, v16  }
0xf1: {  	[tilespmem:v18+s19+$0x0] =	vst.idx.add.f32.msk $0xffff, v12  }
0xf2: {  	s0 =	sadd.s32 s6, s11;
	[tilespmem:v8+s19+$0x0] =	vst.idx.add.f32.msk $0xffff, v17  }
0xf3: {  	s0 =	sshll.u32 s0, $0x4;
	[tilespmem:v11+s19+$0x0] =	vst.idx.add.f32.msk $0xffff, v6  }
0xf4: {  	p0 =	seq.s32 s10, $0x0;
	s0 =	sadd.s32 s4, s0;
	[tilespmem:v13+s19+$0x0] =	vst.idx.add.f32.msk $0xffff, v10  }
0xf5: {  	[hbm4b:s0+s5] =	stream.linear.scatter [tilespmem:s19], [sflag:$0x6], $0x2800, $0x38;
	[tilespmem:$0xF380] =	vst v63  }
0xf6: {  	s0 =	simm.s32 @!p0 $0x9  }
0xf7: {  	s12 =	sadd.s32 $0x50, s11;
	s2 =	sadd.s32 @!p0 s11, s13;
	_ =	swait.ge @!p0 [sflag:s0], $0x2800  }
0xf8: {  	s7 =	simm.s32 @!p0 $0xA380;
	s2 =	sshll.u32 @!p0 s2, $0x4;
	[sflag:s0] =	ssyncset.done @!p0 $0x0  }
0xf9: {  	v6 =	vor.u32 s12, v0;
	[sflag:s0] =	ssyncadd.s32 @!p0 $0xFFFFD800;
	s0 =	sadd.s32 @!p0 s1, s2;
	s2 =	simm.s32 @!p0 $0x0  }
0xfa: {  	[tilespmem:s7], [sflag:$0x4] =	stream.linear.gather @!p0 [hbm4b:s0+s2], $0x2800, $0x38;
	[tilespmem:$0xF380] =	vst v63  }
0xfb: {  	_ =	swait.ge [sflag:s28], $0x2800  }
0xfc: {  	s2 =	sadd.s32 $0x60, s11;
	[sflag:s28] =	ssyncset.done $0x0  }
0xfd: {  	s8 =	sadd.s32 $0x80, s11;
	v7 =	vor.u32 s2, v0;
	[sflag:s28] =	ssyncadd.s32 $0xFFFFD800  }
0xfe: {  	v10 =	vor.u32 s8, v0;
	v11 =	vld.idx.msk [tilespmem:v6+s25+$0x0], $0xffff;
	_ =	sdelay $0x2  }
0xff: {  	s18 =	sadd.s32 $0x90, s11;
	s7 =	sadd.s32 $0x70, s11;
	s2 =	simm.s32 $0x2  }
0x100: {  	v8 =	vor.u32 s7, v0;
	v12 =	vadd.s32 s2, v0;
	v6 =	vor.u32 s18, v0;
	s18 =	simm.s32 $0x0;
	v9 =	vld.idx.msk [tilespmem:v7+s25+$0x0], $0xffff  }
0x101: {  	s7 =	simm.s32 $0x4;
	v21 =	vand.u32 $0x7F, v12;
	v7 =	vld.idx.msk [tilespmem:v10+s25+$0x0], $0xffff;
	v10 =	vshll.u32 v11, $0x7;
	v11 =	vadd.s32 s18, v0  }
0x102: {  	s8 =	simm.s32 $0x7;
	v13 =	vadd.s32 s7, v0;
	v11 =	vand.u32 $0x7F, v11;
	v12 =	vor.u32 v10, v21  }
0x103: {  	v25 =	vand.u32 $0x7F, v13;
	v13 =	vadd.s32 s8, v0;
	s18 =	simm.s32 $0x3;
	v14 =	vor.u32 v10, v11  }
0x104: {  	s7 =	simm.s32 $0x5;
	v22 =	vand.u32 $0x7F, v13;
	v15 =	vadd.s32 s18, v0;
	v16 =	vor.u32 v10, v25  }
0x105: {  	v8 =	vld.idx.msk [tilespmem:v8+s25+$0x0], $0xffff;
	v13 =	vor.u32 v10, v22;
	v26 =	vand.u32 $0x7F, v15;
	v15 =	vadd.s32 s7, v0  }
0x106: {  	s8 =	simm.s32 $0x1;
	v6 =	vld.idx.msk [tilespmem:v6+s25+$0x0], $0xffff;
	v23 =	vor.u32 v10, v26;
	v24 =	vand.u32 $0x7F, v15  }
0x107: {  	v28 =	vor.u32 v10, v24;
	v18 =	vld.idx.msk [tilespmem:v12+s5+$0x0], $0xffff;
	v12 =	vadd.s32 s8, v0  }
0x108: {  	v27 =	vor.u32 v1, v11;
	v14 =	vld.idx.msk [tilespmem:v14+s5+$0x0], $0xffff;
	v15 =	vand.u32 $0x7F, v12  }
0x109: {  	s18 =	simm.s32 $0x6;
	v11 =	vld.idx.msk [tilespmem:v16+s5+$0x0], $0xffff;
	v19 =	vor.u32 v10, v15  }
0x10a: {  	v17 =	vadd.s32 s18, v0;
	v20 =	vld.idx.msk [tilespmem:v13+s5+$0x0], $0xffff;
	v12 =	vor.u32 v1, v24;
	v24 =	vor.u32 v1, v21  }
0x10b: {  	v17 =	vand.u32 $0x7F, v17;
	v16 =	vld.idx.msk [tilespmem:v23+s5+$0x0], $0xffff;
	v23 =	vor.u32 v1, v22  }
0x10c: {  	v13 =	vor.u32 v10, v17;
	v21 =	vld.idx.msk [tilespmem:v28+s5+$0x0], $0xffff  }
0x10d: {  	s18 =	simm.s32 $0x8;
	v22 =	vor.u32 v1, v26;
	[tilespmem:v27+s20+$0x0] =	vst.idx.add.f32.msk $0xffff, v14;
	v14 =	vor.u32 v1, v25  }
.LBB2_13:
0x10e: {  	v25 =	vadd.s32 s18, v0;
	s0 =	sadd.s32 $0x1, s18;
	s2 =	sadd.s32 $0x3, s18;
	s7 =	sadd.s32 $0x4, s18;
	v26 =	vld.idx.msk [tilespmem:v19+s5+$0x0], $0xffff;
	v27 =	vor.u32 v1, v15;
	v28 =	vor.u32 v1, v17  }
0x10f: {  	s8 =	sadd.s32 $0x6, s18;
	v25 =	vand.u32 $0x7F, v25;
	v15 =	vadd.s32 s0, v0;
	s0 =	sadd.s32 $0x2, s18;
	v17 =	vadd.s32 s7, v0;
	s7 =	sadd.s32 $0x5, s18;
	[tilespmem:v24+s20+$0x0] =	vst.idx.add.f32.msk $0xffff, v18  }
0x110: {  	p1 =	slt.u32 s18, $0x78;
	v18 =	vor.u32 v10, v25;
	v19 =	vadd.s32 s0, v0;
	v24 =	vadd.s32 s7, v0;
	s0 =	sadd.s32 $0x7, s18;
	s18 =	sadd.s32 $0x8, s18;
	[tilespmem:v23+s20+$0x0] =	vst.idx.add.f32.msk $0xffff, v20  }
0x111: {  	v29 =	vand.u32 $0x7F, v17;
	v20 =	vand.u32 $0x7F, v19;
	v19 =	vadd.s32 s2, v0;
	v23 =	vld.idx.msk [tilespmem:v13+s5+$0x0], $0xffff  }
0x112: {  	v15 =	vand.u32 $0x7F, v15;
	v30 =	vor.u32 v10, v20;
	v31 =	vand.u32 $0x7F, v19;
	[tilespmem:v22+s20+$0x0] =	vst.idx.add.f32.msk $0xffff, v16  }
0x113: {  	v13 =	vadd.s32 s0, v0;
	v16 =	vor.u32 v10, v29;
	v22 =	vand.u32 $0x7F, v24;
	[tilespmem:v12+s20+$0x0] =	vst.idx.add.f32.msk $0xffff, v21  }
0x114: {  	v19 =	vor.u32 v10, v15;
	v12 =	vadd.s32 s8, v0;
	v21 =	vand.u32 $0x7F, v13;
	[tilespmem:v27+s20+$0x0] =	vst.idx.add.f32.msk $0xffff, v26  }
0x115: {  	v27 =	vor.u32 v10, v22;
	v17 =	vand.u32 $0x7F, v12;
	v32 =	vor.u32 v10, v21;
	v26 =	vld.idx.msk [tilespmem:v18+s5+$0x0], $0xffff  }
0x116: {  	v33 =	vor.u32 v10, v31;
	v13 =	vor.u32 v10, v17;
	[tilespmem:v14+s20+$0x0] =	vst.idx.add.f32.msk $0xffff, v11  }
0x117: {  	v12 =	vor.u32 v1, v22;
	v14 =	vor.u32 v1, v25;
	[tilespmem:v28+s20+$0x0] =	vst.idx.add.f32.msk $0xffff, v23  }
0x118: {  	v18 =	vld.idx.msk [tilespmem:v30+s5+$0x0], $0xffff  }
.Ltmp7:
0x119: {  	v11 =	vld.idx.msk [tilespmem:v16+s5+$0x0], $0xffff;
	(pc) =	sbr.rel @p1 .LBB2_13-.Ltmp7, $4  }
0x11a: {  	v24 =	vor.u32 v1, v20;
	v20 =	vld.idx.msk [tilespmem:v32+s5+$0x0], $0xffff  }
0x11b: {  	v23 =	vor.u32 v1, v21;
	v16 =	vld.idx.msk [tilespmem:v33+s5+$0x0], $0xffff  }
0x11c: {  	[tilespmem:v14+s20+$0x0] =	vst.idx.add.f32.msk $0xffff, v26  }
0x11d: {  	v22 =	vor.u32 v1, v31;
	v14 =	vor.u32 v1, v29;
	v21 =	vld.idx.msk [tilespmem:v27+s5+$0x0], $0xffff  }
0x11e: {  	_ =	sdelay $0x3  }
0x11f: {  	v10 =	vld.idx.msk [tilespmem:v19+s5+$0x0], $0xffff;
	v15 =	vor.u32 v1, v15;
	_ =	sdelay $0x1  }
0x120: {  	v17 =	vor.u32 v1, v17;
	v13 =	vld.idx.msk [tilespmem:v13+s5+$0x0], $0xffff  }
0x121: {  	[tilespmem:v14+s20+$0x0] =	vst.idx.add.f32.msk $0xffff, v11;
	s0 =	simm.s32 $0x2  }
0x122: {  	s18 =	simm.s32 $0x0;
	[tilespmem:v23+s20+$0x0] =	vst.idx.add.f32.msk $0xffff, v20;
	v11 =	vadd.s32 s0, v0  }
0x123: {  	v9 =	vshll.u32 v9, $0x7;
	s2 =	simm.s32 $0x4;
	v20 =	vand.u32 $0x7F, v11;
	[tilespmem:v15+s20+$0x0] =	vst.idx.add.f32.msk $0xffff, v10;
	v10 =	vadd.s32 s18, v0  }
0x124: {  	s8 =	simm.s32 $0x7;
	v11 =	vor.u32 v9, v20;
	[tilespmem:v12+s20+$0x0] =	vst.idx.add.f32.msk $0xffff, v21;
	v12 =	vadd.s32 s2, v0;
	v10 =	vand.u32 $0x7F, v10  }
0x125: {  	[tilespmem:v17+s20+$0x0] =	vst.idx.add.f32.msk $0xffff, v13;
	s18 =	simm.s32 $0x3;
	v63 =	vand.u32 $0x7F, v12;
	v12 =	vadd.s32 s8, v0;
	v13 =	vor.u32 v9, v10  }
0x126: {  	s7 =	simm.s32 $0x5;
	v14 =	vadd.s32 s18, v0;
	v15 =	vor.u32 v9, v63;
	v21 =	vand.u32 $0x7F, v12  }
0x127: {  	[tilespmem:v24+s20+$0x0] =	vst.idx.add.f32.msk $0xffff, v18;
	v25 =	vand.u32 $0x7F, v14;
	v12 =	vor.u32 v9, v21;
	v14 =	vadd.s32 s7, v0  }
0x128: {  	[tilespmem:v22+s20+$0x0] =	vst.idx.add.f32.msk $0xffff, v16;
	s8 =	simm.s32 $0x1;
	v22 =	vor.u32 v9, v25;
	v23 =	vand.u32 $0x7F, v14  }
0x129: {  	v17 =	vld.idx.msk [tilespmem:v11+s5+$0x0], $0xffff;
	v11 =	vadd.s32 s8, v0;
	v27 =	vor.u32 v9, v23  }
0x12a: {  	v26 =	vor.u32 v2, v10;
	v14 =	vand.u32 $0x7F, v11;
	v13 =	vld.idx.msk [tilespmem:v13+s5+$0x0], $0xffff  }
0x12b: {  	s18 =	simm.s32 $0x6;
	v18 =	vor.u32 v9, v14;
	v10 =	vld.idx.msk [tilespmem:v15+s5+$0x0], $0xffff  }
0x12c: {  	v16 =	vadd.s32 s18, v0;
	v11 =	vor.u32 v2, v23;
	v23 =	vor.u32 v2, v20;
	v19 =	vld.idx.msk [tilespmem:v12+s5+$0x0], $0xffff  }
0x12d: {  	v16 =	vand.u32 $0x7F, v16;
	v15 =	vld.idx.msk [tilespmem:v22+s5+$0x0], $0xffff;
	v22 =	vor.u32 v2, v21  }
0x12e: {  	v12 =	vor.u32 v9, v16;
	v20 =	vld.idx.msk [tilespmem:v27+s5+$0x0], $0xffff  }
0x12f: {  	s18 =	simm.s32 $0x8;
	v21 =	vor.u32 v2, v25;
	[tilespmem:v26+s20+$0x0] =	vst.idx.add.f32.msk $0xffff, v13;
	v13 =	vor.u32 v2, v63  }
.LBB2_15:
0x130: {  	v24 =	vadd.s32 s18, v0;
	s0 =	sadd.s32 $0x1, s18;
	s2 =	sadd.s32 $0x3, s18;
	s7 =	sadd.s32 $0x4, s18;
	v25 =	vld.idx.msk [tilespmem:v18+s5+$0x0], $0xffff;
	v26 =	vor.u32 v2, v14;
	v27 =	vor.u32 v2, v16  }
0x131: {  	s8 =	sadd.s32 $0x6, s18;
	v24 =	vand.u32 $0x7F, v24;
	v14 =	vadd.s32 s0, v0;
	s0 =	sadd.s32 $0x2, s18;
	v16 =	vadd.s32 s7, v0;
	s7 =	sadd.s32 $0x5, s18;
	[tilespmem:v23+s20+$0x0] =	vst.idx.add.f32.msk $0xffff, v17  }
0x132: {  	p1 =	slt.u32 s18, $0x78;
	v17 =	vor.u32 v9, v24;
	v18 =	vadd.s32 s0, v0;
	v23 =	vadd.s32 s7, v0;
	s0 =	sadd.s32 $0x7, s18;
	s18 =	sadd.s32 $0x8, s18;
	[tilespmem:v22+s20+$0x0] =	vst.idx.add.f32.msk $0xffff, v19  }
0x133: {  	v28 =	vand.u32 $0x7F, v16;
	v19 =	vand.u32 $0x7F, v18;
	v18 =	vadd.s32 s2, v0;
	v22 =	vld.idx.msk [tilespmem:v12+s5+$0x0], $0xffff  }
0x134: {  	v14 =	vand.u32 $0x7F, v14;
	v29 =	vor.u32 v9, v19;
	v30 =	vand.u32 $0x7F, v18;
	[tilespmem:v21+s20+$0x0] =	vst.idx.add.f32.msk $0xffff, v15  }
0x135: {  	v12 =	vadd.s32 s0, v0;
	v15 =	vor.u32 v9, v28;
	v21 =	vand.u32 $0x7F, v23;
	[tilespmem:v11+s20+$0x0] =	vst.idx.add.f32.msk $0xffff, v20  }
0x136: {  	v18 =	vor.u32 v9, v14;
	v11 =	vadd.s32 s8, v0;
	v20 =	vand.u32 $0x7F, v12;
	[tilespmem:v26+s20+$0x0] =	vst.idx.add.f32.msk $0xffff, v25  }
0x137: {  	v26 =	vor.u32 v9, v21;
	v16 =	vand.u32 $0x7F, v11;
	v31 =	vor.u32 v9, v20;
	v25 =	vld.idx.msk [tilespmem:v17+s5+$0x0], $0xffff  }
0x138: {  	v32 =	vor.u32 v9, v30;
	v12 =	vor.u32 v9, v16;
	[tilespmem:v13+s20+$0x0] =	vst.idx.add.f32.msk $0xffff, v10  }
0x139: {  	v11 =	vor.u32 v2, v21;
	v13 =	vor.u32 v2, v24;
	[tilespmem:v27+s20+$0x0] =	vst.idx.add.f32.msk $0xffff, v22  }
0x13a: {  	v17 =	vld.idx.msk [tilespmem:v29+s5+$0x0], $0xffff  }
.Ltmp8:
0x13b: {  	v10 =	vld.idx.msk [tilespmem:v15+s5+$0x0], $0xffff;
	(pc) =	sbr.rel @p1 .LBB2_15-.Ltmp8, $4  }
0x13c: {  	v23 =	vor.u32 v2, v19;
	v19 =	vld.idx.msk [tilespmem:v31+s5+$0x0], $0xffff  }
0x13d: {  	v22 =	vor.u32 v2, v20;
	v15 =	vld.idx.msk [tilespmem:v32+s5+$0x0], $0xffff  }
0x13e: {  	[tilespmem:v13+s20+$0x0] =	vst.idx.add.f32.msk $0xffff, v25  }
0x13f: {  	v21 =	vor.u32 v2, v30;
	v13 =	vor.u32 v2, v28;
	v20 =	vld.idx.msk [tilespmem:v26+s5+$0x0], $0xffff  }
0x140: {  	_ =	sdelay $0x3  }
0x141: {  	v9 =	vld.idx.msk [tilespmem:v18+s5+$0x0], $0xffff;
	v14 =	vor.u32 v2, v14  }
0x142: {  	[tilespmem:v23+s20+$0x0] =	vst.idx.add.f32.msk $0xffff, v17  }
0x143: {  	v16 =	vor.u32 v2, v16;
	v12 =	vld.idx.msk [tilespmem:v12+s5+$0x0], $0xffff  }
0x144: {  	[tilespmem:v13+s20+$0x0] =	vst.idx.add.f32.msk $0xffff, v10;
	s0 =	simm.s32 $0x2  }
0x145: {  	s18 =	simm.s32 $0x0;
	[tilespmem:v22+s20+$0x0] =	vst.idx.add.f32.msk $0xffff, v19;
	v10 =	vadd.s32 s0, v0  }
0x146: {  	v8 =	vshll.u32 v8, $0x7;
	s2 =	simm.s32 $0x4;
	v19 =	vand.u32 $0x7F, v10;
	[tilespmem:v14+s20+$0x0] =	vst.idx.add.f32.msk $0xffff, v9;
	v9 =	vadd.s32 s18, v0  }
0x147: {  	s8 =	simm.s32 $0x7;
	v10 =	vor.u32 v8, v19;
	[tilespmem:v11+s20+$0x0] =	vst.idx.add.f32.msk $0xffff, v20;
	v11 =	vadd.s32 s2, v0;
	v9 =	vand.u32 $0x7F, v9  }
0x148: {  	[tilespmem:v16+s20+$0x0] =	vst.idx.add.f32.msk $0xffff, v12;
	s18 =	simm.s32 $0x3;
	v23 =	vand.u32 $0x7F, v11;
	v11 =	vadd.s32 s8, v0;
	v12 =	vor.u32 v8, v9  }
0x149: {  	s7 =	simm.s32 $0x5;
	v13 =	vadd.s32 s18, v0;
	v14 =	vor.u32 v8, v23;
	v20 =	vand.u32 $0x7F, v11  }
0x14a: {  	v24 =	vand.u32 $0x7F, v13;
	v11 =	vor.u32 v8, v20;
	v13 =	vadd.s32 s7, v0  }
0x14b: {  	[tilespmem:v21+s20+$0x0] =	vst.idx.add.f32.msk $0xffff, v15;
	s8 =	simm.s32 $0x1;
	v21 =	vor.u32 v8, v24;
	v22 =	vand.u32 $0x7F, v13  }
0x14c: {  	v16 =	vld.idx.msk [tilespmem:v10+s5+$0x0], $0xffff;
	v10 =	vadd.s32 s8, v0;
	v26 =	vor.u32 v8, v22  }
0x14d: {  	v25 =	vor.u32 v3, v9;
	v13 =	vand.u32 $0x7F, v10;
	v12 =	vld.idx.msk [tilespmem:v12+s5+$0x0], $0xffff  }
0x14e: {  	s18 =	simm.s32 $0x6;
	v17 =	vor.u32 v8, v13;
	v9 =	vld.idx.msk [tilespmem:v14+s5+$0x0], $0xffff  }
0x14f: {  	v15 =	vadd.s32 s18, v0;
	v10 =	vor.u32 v3, v22;
	v22 =	vor.u32 v3, v19;
	v18 =	vld.idx.msk [tilespmem:v11+s5+$0x0], $0xffff  }
0x150: {  	v15 =	vand.u32 $0x7F, v15;
	v14 =	vld.idx.msk [tilespmem:v21+s5+$0x0], $0xffff;
	v21 =	vor.u32 v3, v20  }
0x151: {  	v11 =	vor.u32 v8, v15;
	v19 =	vld.idx.msk [tilespmem:v26+s5+$0x0], $0xffff  }
0x152: {  	s18 =	simm.s32 $0x8;
	v20 =	vor.u32 v3, v24;
	[tilespmem:v25+s20+$0x0] =	vst.idx.add.f32.msk $0xffff, v12;
	v12 =	vor.u32 v3, v23  }
.LBB2_17:
0x153: {  	v23 =	vadd.s32 s18, v0;
	s0 =	sadd.s32 $0x1, s18;
	s2 =	sadd.s32 $0x3, s18;
	s7 =	sadd.s32 $0x4, s18;
	v24 =	vld.idx.msk [tilespmem:v17+s5+$0x0], $0xffff;
	v25 =	vor.u32 v3, v13;
	v26 =	vor.u32 v3, v15  }
0x154: {  	s8 =	sadd.s32 $0x6, s18;
	v23 =	vand.u32 $0x7F, v23;
	v13 =	vadd.s32 s0, v0;
	s0 =	sadd.s32 $0x2, s18;
	v15 =	vadd.s32 s7, v0;
	s7 =	sadd.s32 $0x5, s18;
	[tilespmem:v22+s20+$0x0] =	vst.idx.add.f32.msk $0xffff, v16  }
0x155: {  	p1 =	slt.u32 s18, $0x78;
	v16 =	vor.u32 v8, v23;
	v17 =	vadd.s32 s0, v0;
	v22 =	vadd.s32 s7, v0;
	s0 =	sadd.s32 $0x7, s18;
	s18 =	sadd.s32 $0x8, s18;
	[tilespmem:v21+s20+$0x0] =	vst.idx.add.f32.msk $0xffff, v18  }
0x156: {  	v27 =	vand.u32 $0x7F, v15;
	v18 =	vand.u32 $0x7F, v17;
	v17 =	vadd.s32 s2, v0;
	v21 =	vld.idx.msk [tilespmem:v11+s5+$0x0], $0xffff  }
0x157: {  	v13 =	vand.u32 $0x7F, v13;
	v28 =	vor.u32 v8, v18;
	v29 =	vand.u32 $0x7F, v17;
	[tilespmem:v20+s20+$0x0] =	vst.idx.add.f32.msk $0xffff, v14  }
0x158: {  	v11 =	vadd.s32 s0, v0;
	v14 =	vor.u32 v8, v27;
	v20 =	vand.u32 $0x7F, v22;
	[tilespmem:v10+s20+$0x0] =	vst.idx.add.f32.msk $0xffff, v19  }
0x159: {  	v17 =	vor.u32 v8, v13;
	v10 =	vadd.s32 s8, v0;
	v19 =	vand.u32 $0x7F, v11;
	[tilespmem:v25+s20+$0x0] =	vst.idx.add.f32.msk $0xffff, v24  }
0x15a: {  	v25 =	vor.u32 v8, v20;
	v15 =	vand.u32 $0x7F, v10;
	v30 =	vor.u32 v8, v19;
	v24 =	vld.idx.msk [tilespmem:v16+s5+$0x0], $0xffff  }
0x15b: {  	v31 =	vor.u32 v8, v29;
	v11 =	vor.u32 v8, v15;
	[tilespmem:v12+s20+$0x0] =	vst.idx.add.f32.msk $0xffff, v9  }
0x15c: {  	v10 =	vor.u32 v3, v20;
	v12 =	vor.u32 v3, v23;
	[tilespmem:v26+s20+$0x0] =	vst.idx.add.f32.msk $0xffff, v21  }
0x15d: {  	v16 =	vld.idx.msk [tilespmem:v28+s5+$0x0], $0xffff  }
.Ltmp9:
0x15e: {  	v9 =	vld.idx.msk [tilespmem:v14+s5+$0x0], $0xffff;
	(pc) =	sbr.rel @p1 .LBB2_17-.Ltmp9, $4  }
0x15f: {  	v22 =	vor.u32 v3, v18;
	v18 =	vld.idx.msk [tilespmem:v30+s5+$0x0], $0xffff  }
0x160: {  	v21 =	vor.u32 v3, v19;
	v14 =	vld.idx.msk [tilespmem:v31+s5+$0x0], $0xffff  }
0x161: {  	[tilespmem:v12+s20+$0x0] =	vst.idx.add.f32.msk $0xffff, v24  }
0x162: {  	v20 =	vor.u32 v3, v29;
	v12 =	vor.u32 v3, v27;
	v19 =	vld.idx.msk [tilespmem:v25+s5+$0x0], $0xffff  }
0x163: {  	_ =	sdelay $0x3  }
0x164: {  	v8 =	vld.idx.msk [tilespmem:v17+s5+$0x0], $0xffff;
	v13 =	vor.u32 v3, v13  }
0x165: {  	[tilespmem:v22+s20+$0x0] =	vst.idx.add.f32.msk $0xffff, v16  }
0x166: {  	v15 =	vor.u32 v3, v15;
	v11 =	vld.idx.msk [tilespmem:v11+s5+$0x0], $0xffff  }
0x167: {  	[tilespmem:v12+s20+$0x0] =	vst.idx.add.f32.msk $0xffff, v9;
	s0 =	simm.s32 $0x2  }
0x168: {  	s18 =	simm.s32 $0x0;
	[tilespmem:v21+s20+$0x0] =	vst.idx.add.f32.msk $0xffff, v18;
	v9 =	vadd.s32 s0, v0  }
0x169: {  	v7 =	vshll.u32 v7, $0x7;
	s2 =	simm.s32 $0x4;
	v18 =	vand.u32 $0x7F, v9;
	[tilespmem:v13+s20+$0x0] =	vst.idx.add.f32.msk $0xffff, v8;
	v8 =	vadd.s32 s18, v0  }
0x16a: {  	s8 =	simm.s32 $0x7;
	v9 =	vor.u32 v7, v18;
	[tilespmem:v10+s20+$0x0] =	vst.idx.add.f32.msk $0xffff, v19;
	v10 =	vadd.s32 s2, v0;
	v8 =	vand.u32 $0x7F, v8  }
0x16b: {  	[tilespmem:v15+s20+$0x0] =	vst.idx.add.f32.msk $0xffff, v11;
	s18 =	simm.s32 $0x3;
	v22 =	vand.u32 $0x7F, v10;
	v10 =	vadd.s32 s8, v0;
	v11 =	vor.u32 v7, v8  }
0x16c: {  	s7 =	simm.s32 $0x5;
	v12 =	vadd.s32 s18, v0;
	v13 =	vor.u32 v7, v22;
	v19 =	vand.u32 $0x7F, v10  }
0x16d: {  	v23 =	vand.u32 $0x7F, v12;
	v10 =	vor.u32 v7, v19;
	v12 =	vadd.s32 s7, v0  }
0x16e: {  	[tilespmem:v20+s20+$0x0] =	vst.idx.add.f32.msk $0xffff, v14;
	s8 =	simm.s32 $0x1;
	v20 =	vor.u32 v7, v23;
	v21 =	vand.u32 $0x7F, v12  }
0x16f: {  	v15 =	vld.idx.msk [tilespmem:v9+s5+$0x0], $0xffff;
	v9 =	vadd.s32 s8, v0;
	v25 =	vor.u32 v7, v21  }
0x170: {  	v24 =	vor.u32 v4, v8;
	v12 =	vand.u32 $0x7F, v9;
	v11 =	vld.idx.msk [tilespmem:v11+s5+$0x0], $0xffff  }
0x171: {  	s18 =	simm.s32 $0x6;
	v16 =	vor.u32 v7, v12;
	v8 =	vld.idx.msk [tilespmem:v13+s5+$0x0], $0xffff  }
0x172: {  	v14 =	vadd.s32 s18, v0;
	v9 =	vor.u32 v4, v21;
	v21 =	vor.u32 v4, v18;
	v17 =	vld.idx.msk [tilespmem:v10+s5+$0x0], $0xffff  }
0x173: {  	v14 =	vand.u32 $0x7F, v14;
	v13 =	vld.idx.msk [tilespmem:v20+s5+$0x0], $0xffff;
	v20 =	vor.u32 v4, v19  }
0x174: {  	v10 =	vor.u32 v7, v14;
	v18 =	vld.idx.msk [tilespmem:v25+s5+$0x0], $0xffff  }
0x175: {  	s18 =	simm.s32 $0x8;
	v19 =	vor.u32 v4, v23;
	[tilespmem:v24+s20+$0x0] =	vst.idx.add.f32.msk $0xffff, v11;
	v11 =	vor.u32 v4, v22  }
.LBB2_19:
0x176: {  	v22 =	vadd.s32 s18, v0;
	s0 =	sadd.s32 $0x1, s18;
	s2 =	sadd.s32 $0x3, s18;
	s7 =	sadd.s32 $0x4, s18;
	v23 =	vld.idx.msk [tilespmem:v16+s5+$0x0], $0xffff;
	v24 =	vor.u32 v4, v12;
	v25 =	vor.u32 v4, v14  }
0x177: {  	s8 =	sadd.s32 $0x6, s18;
	v22 =	vand.u32 $0x7F, v22;
	v12 =	vadd.s32 s0, v0;
	s0 =	sadd.s32 $0x2, s18;
	v14 =	vadd.s32 s7, v0;
	s7 =	sadd.s32 $0x5, s18;
	[tilespmem:v21+s20+$0x0] =	vst.idx.add.f32.msk $0xffff, v15  }
0x178: {  	p1 =	slt.u32 s18, $0x78;
	v15 =	vor.u32 v7, v22;
	v16 =	vadd.s32 s0, v0;
	v21 =	vadd.s32 s7, v0;
	s0 =	sadd.s32 $0x7, s18;
	s18 =	sadd.s32 $0x8, s18;
	[tilespmem:v20+s20+$0x0] =	vst.idx.add.f32.msk $0xffff, v17  }
0x179: {  	v26 =	vand.u32 $0x7F, v14;
	v17 =	vand.u32 $0x7F, v16;
	v16 =	vadd.s32 s2, v0;
	v20 =	vld.idx.msk [tilespmem:v10+s5+$0x0], $0xffff  }
0x17a: {  	v12 =	vand.u32 $0x7F, v12;
	v27 =	vor.u32 v7, v17;
	v28 =	vand.u32 $0x7F, v16;
	[tilespmem:v19+s20+$0x0] =	vst.idx.add.f32.msk $0xffff, v13  }
0x17b: {  	v10 =	vadd.s32 s0, v0;
	v13 =	vor.u32 v7, v26;
	v19 =	vand.u32 $0x7F, v21;
	[tilespmem:v9+s20+$0x0] =	vst.idx.add.f32.msk $0xffff, v18  }
0x17c: {  	v16 =	vor.u32 v7, v12;
	v9 =	vadd.s32 s8, v0;
	v18 =	vand.u32 $0x7F, v10;
	[tilespmem:v24+s20+$0x0] =	vst.idx.add.f32.msk $0xffff, v23  }
0x17d: {  	v24 =	vor.u32 v7, v19;
	v14 =	vand.u32 $0x7F, v9;
	v29 =	vor.u32 v7, v18;
	v23 =	vld.idx.msk [tilespmem:v15+s5+$0x0], $0xffff  }
0x17e: {  	v30 =	vor.u32 v7, v28;
	v10 =	vor.u32 v7, v14;
	[tilespmem:v11+s20+$0x0] =	vst.idx.add.f32.msk $0xffff, v8  }
0x17f: {  	v9 =	vor.u32 v4, v19;
	v11 =	vor.u32 v4, v22;
	[tilespmem:v25+s20+$0x0] =	vst.idx.add.f32.msk $0xffff, v20  }
0x180: {  	v15 =	vld.idx.msk [tilespmem:v27+s5+$0x0], $0xffff  }
.Ltmp10:
0x181: {  	v8 =	vld.idx.msk [tilespmem:v13+s5+$0x0], $0xffff;
	(pc) =	sbr.rel @p1 .LBB2_19-.Ltmp10, $4  }
0x182: {  	v21 =	vor.u32 v4, v17;
	v17 =	vld.idx.msk [tilespmem:v29+s5+$0x0], $0xffff  }
0x183: {  	v20 =	vor.u32 v4, v18;
	v13 =	vld.idx.msk [tilespmem:v30+s5+$0x0], $0xffff  }
0x184: {  	[tilespmem:v11+s20+$0x0] =	vst.idx.add.f32.msk $0xffff, v23  }
0x185: {  	v19 =	vor.u32 v4, v28;
	v11 =	vor.u32 v4, v26;
	v18 =	vld.idx.msk [tilespmem:v24+s5+$0x0], $0xffff  }
0x186: {  	_ =	sdelay $0x3  }
0x187: {  	v7 =	vld.idx.msk [tilespmem:v16+s5+$0x0], $0xffff;
	v12 =	vor.u32 v4, v12;
	_ =	sdelay $0x1  }
0x188: {  	v14 =	vor.u32 v4, v14;
	v10 =	vld.idx.msk [tilespmem:v10+s5+$0x0], $0xffff  }
0x189: {  	[tilespmem:v11+s20+$0x0] =	vst.idx.add.f32.msk $0xffff, v8;
	s0 =	simm.s32 $0x2  }
0x18a: {  	s18 =	simm.s32 $0x0;
	[tilespmem:v20+s20+$0x0] =	vst.idx.add.f32.msk $0xffff, v17;
	v8 =	vadd.s32 s0, v0  }
0x18b: {  	v6 =	vshll.u32 v6, $0x7;
	s2 =	simm.s32 $0x4;
	v17 =	vand.u32 $0x7F, v8;
	[tilespmem:v12+s20+$0x0] =	vst.idx.add.f32.msk $0xffff, v7;
	v7 =	vadd.s32 s18, v0  }
0x18c: {  	s8 =	simm.s32 $0x7;
	v8 =	vor.u32 v6, v17;
	[tilespmem:v9+s20+$0x0] =	vst.idx.add.f32.msk $0xffff, v18;
	v9 =	vadd.s32 s2, v0;
	v7 =	vand.u32 $0x7F, v7  }
0x18d: {  	v11 =	vadd.s32 s8, v0;
	[tilespmem:v14+s20+$0x0] =	vst.idx.add.f32.msk $0xffff, v10;
	s18 =	simm.s32 $0x3;
	v9 =	vand.u32 $0x7F, v9;
	v10 =	vor.u32 v6, v7  }
0x18e: {  	s7 =	simm.s32 $0x5;
	[tilespmem:v19+s20+$0x0] =	vst.idx.add.f32.msk $0xffff, v13;
	v18 =	vand.u32 $0x7F, v11;
	v12 =	vadd.s32 s18, v0;
	v13 =	vor.u32 v6, v9  }
0x18f: {  	[tilespmem:v21+s20+$0x0] =	vst.idx.add.f32.msk $0xffff, v15;
	v11 =	vadd.s32 s7, v0;
	v21 =	vand.u32 $0x7F, v12;
	v12 =	vor.u32 v6, v18  }
0x190: {  	s8 =	simm.s32 $0x1;
	v20 =	vand.u32 $0x7F, v11;
	v19 =	vor.u32 v6, v21  }
0x191: {  	v24 =	vor.u32 v6, v20;
	v14 =	vld.idx.msk [tilespmem:v8+s5+$0x0], $0xffff;
	v8 =	vadd.s32 s8, v0  }
0x192: {  	v23 =	vor.u32 v5, v7;
	v11 =	vand.u32 $0x7F, v8;
	v22 =	vld.idx.msk [tilespmem:v10+s5+$0x0], $0xffff  }
0x193: {  	s18 =	simm.s32 $0x6;
	v15 =	vor.u32 v6, v11;
	v7 =	vld.idx.msk [tilespmem:v13+s5+$0x0], $0xffff  }
0x194: {  	v8 =	vor.u32 v5, v20;
	v20 =	vor.u32 v5, v17;
	v10 =	vadd.s32 s18, v0;
	v16 =	vld.idx.msk [tilespmem:v12+s5+$0x0], $0xffff  }
0x195: {  	v13 =	vand.u32 $0x7F, v10;
	v12 =	vld.idx.msk [tilespmem:v19+s5+$0x0], $0xffff;
	v19 =	vor.u32 v5, v18  }
0x196: {  	v17 =	vld.idx.msk [tilespmem:v24+s5+$0x0], $0xffff;
	v10 =	vor.u32 v6, v13  }
0x197: {  	v9 =	vor.u32 v5, v9;
	s18 =	simm.s32 $0x8;
	v18 =	vor.u32 v5, v21;
	[tilespmem:v23+s20+$0x0] =	vst.idx.add.f32.msk $0xffff, v22  }
.LBB2_21:
0x198: {  	v21 =	vadd.s32 s18, v0;
	s0 =	sadd.s32 $0x1, s18;
	s2 =	sadd.s32 $0x3, s18;
	s7 =	sadd.s32 $0x4, s18;
	v22 =	vld.idx.msk [tilespmem:v15+s5+$0x0], $0xffff;
	v23 =	vor.u32 v5, v11;
	v24 =	vor.u32 v5, v13  }
0x199: {  	s8 =	sadd.s32 $0x6, s18;
	v21 =	vand.u32 $0x7F, v21;
	v11 =	vadd.s32 s0, v0;
	s0 =	sadd.s32 $0x2, s18;
	v13 =	vadd.s32 s7, v0;
	s7 =	sadd.s32 $0x5, s18;
	[tilespmem:v20+s20+$0x0] =	vst.idx.add.f32.msk $0xffff, v14  }
0x19a: {  	p1 =	slt.u32 s18, $0x78;
	v14 =	vor.u32 v6, v21;
	v15 =	vadd.s32 s0, v0;
	v20 =	vadd.s32 s7, v0;
	s0 =	sadd.s32 $0x7, s18;
	s18 =	sadd.s32 $0x8, s18;
	[tilespmem:v19+s20+$0x0] =	vst.idx.add.f32.msk $0xffff, v16  }
0x19b: {  	v25 =	vand.u32 $0x7F, v13;
	v16 =	vand.u32 $0x7F, v15;
	v15 =	vadd.s32 s2, v0;
	v19 =	vld.idx.msk [tilespmem:v10+s5+$0x0], $0xffff  }
0x19c: {  	v11 =	vand.u32 $0x7F, v11;
	v26 =	vor.u32 v6, v16;
	v27 =	vand.u32 $0x7F, v15;
	[tilespmem:v18+s20+$0x0] =	vst.idx.add.f32.msk $0xffff, v12  }
0x19d: {  	v10 =	vadd.s32 s0, v0;
	v12 =	vor.u32 v6, v25;
	v18 =	vand.u32 $0x7F, v20;
	[tilespmem:v8+s20+$0x0] =	vst.idx.add.f32.msk $0xffff, v17  }
0x19e: {  	v15 =	vor.u32 v6, v11;
	v8 =	vadd.s32 s8, v0;
	v17 =	vand.u32 $0x7F, v10;
	[tilespmem:v23+s20+$0x0] =	vst.idx.add.f32.msk $0xffff, v22  }
0x19f: {  	v23 =	vor.u32 v6, v18;
	v13 =	vand.u32 $0x7F, v8;
	v28 =	vor.u32 v6, v17;
	v22 =	vld.idx.msk [tilespmem:v14+s5+$0x0], $0xffff  }
0x1a0: {  	v29 =	vor.u32 v6, v27;
	v10 =	vor.u32 v6, v13;
	[tilespmem:v9+s20+$0x0] =	vst.idx.add.f32.msk $0xffff, v7  }
0x1a1: {  	v8 =	vor.u32 v5, v18;
	v9 =	vor.u32 v5, v21;
	[tilespmem:v24+s20+$0x0] =	vst.idx.add.f32.msk $0xffff, v19  }
0x1a2: {  	v14 =	vld.idx.msk [tilespmem:v26+s5+$0x0], $0xffff  }
.Ltmp11:
0x1a3: {  	v7 =	vld.idx.msk [tilespmem:v12+s5+$0x0], $0xffff;
	(pc) =	sbr.rel @p1 .LBB2_21-.Ltmp11, $4  }
0x1a4: {  	v20 =	vor.u32 v5, v16;
	v16 =	vld.idx.msk [tilespmem:v28+s5+$0x0], $0xffff  }
0x1a5: {  	v19 =	vor.u32 v5, v17;
	v12 =	vld.idx.msk [tilespmem:v29+s5+$0x0], $0xffff  }
0x1a6: {  	[tilespmem:v9+s20+$0x0] =	vst.idx.add.f32.msk $0xffff, v22  }
0x1a7: {  	v18 =	vor.u32 v5, v27;
	v9 =	vor.u32 v5, v25;
	v17 =	vld.idx.msk [tilespmem:v23+s5+$0x0], $0xffff  }
0x1a8: {  	_ =	sdelay $0x3  }
0x1a9: {  	v6 =	vld.idx.msk [tilespmem:v15+s5+$0x0], $0xffff  }
0x1aa: {  	[tilespmem:v20+s20+$0x0] =	vst.idx.add.f32.msk $0xffff, v14  }
0x1ab: {  	v11 =	vor.u32 v5, v11;
	v10 =	vld.idx.msk [tilespmem:v10+s5+$0x0], $0xffff  }
0x1ac: {  	v13 =	vor.u32 v5, v13;
	[tilespmem:v9+s20+$0x0] =	vst.idx.add.f32.msk $0xffff, v7  }
0x1ad: {  	[tilespmem:v19+s20+$0x0] =	vst.idx.add.f32.msk $0xffff, v16  }
0x1ae: {  	[tilespmem:v18+s20+$0x0] =	vst.idx.add.f32.msk $0xffff, v12  }
0x1af: {  	s0 =	sadd.s32 s6, s12;
	[tilespmem:v8+s20+$0x0] =	vst.idx.add.f32.msk $0xffff, v17  }
0x1b0: {  	s0 =	sshll.u32 s0, $0x4;
	[tilespmem:v11+s20+$0x0] =	vst.idx.add.f32.msk $0xffff, v6  }
0x1b1: {  	s0 =	sadd.s32 s4, s0;
	[tilespmem:v13+s20+$0x0] =	vst.idx.add.f32.msk $0xffff, v10  }
0x1b2: {  	[hbm4b:s0+s5] =	stream.linear.scatter [tilespmem:s20], [sflag:$0x7], $0x2800, $0x38;
	[tilespmem:$0xF380] =	vst v63  }
0x1b3: {  	s0 =	simm.s32 @!p0 $0xA  }
0x1b4: {  	s2 =	sadd.s32 @!p0 s11, s14;
	s7 =	simm.s32 @!p0 $0xCB80;
	_ =	swait.ge @!p0 [sflag:s0], $0x2800  }
0x1b5: {  	s12 =	sadd.s32 $0xA0, s11;
	s2 =	sshll.u32 @!p0 s2, $0x4;
	[sflag:s0] =	ssyncset.done @!p0 $0x0  }
0x1b6: {  	v6 =	vor.u32 s12, v0;
	[sflag:s0] =	ssyncadd.s32 @!p0 $0xFFFFD800;
	s0 =	sadd.s32 @!p0 s1, s2;
	s2 =	simm.s32 @!p0 $0x0  }
0x1b7: {  	[tilespmem:s7], [sflag:$0x5] =	stream.linear.gather @!p0 [hbm4b:s0+s2], $0x2800, $0x38;
	[tilespmem:$0xF380] =	vst v63  }
0x1b8: {  	_ =	swait.ge [sflag:s29], $0x2800  }
0x1b9: {  	s2 =	sadd.s32 $0xB0, s11;
	[sflag:s29] =	ssyncset.done $0x0  }
0x1ba: {  	s8 =	sadd.s32 $0xD0, s11;
	v7 =	vor.u32 s2, v0;
	[sflag:s29] =	ssyncadd.s32 $0xFFFFD800  }
0x1bb: {  	v10 =	vor.u32 s8, v0;
	v11 =	vld.idx.msk [tilespmem:v6+s25+$0x0], $0xffff;
	_ =	sdelay $0x2  }
0x1bc: {  	s18 =	sadd.s32 $0xE0, s11;
	s7 =	sadd.s32 $0xC0, s11;
	s2 =	simm.s32 $0x2  }
0x1bd: {  	v8 =	vor.u32 s7, v0;
	v12 =	vadd.s32 s2, v0;
	v6 =	vor.u32 s18, v0;
	s18 =	simm.s32 $0x0;
	v9 =	vld.idx.msk [tilespmem:v7+s25+$0x0], $0xffff  }
0x1be: {  	s7 =	simm.s32 $0x4;
	v21 =	vand.u32 $0x7F, v12;
	v7 =	vld.idx.msk [tilespmem:v10+s25+$0x0], $0xffff;
	v10 =	vshll.u32 v11, $0x7;
	v11 =	vadd.s32 s18, v0  }
0x1bf: {  	s8 =	simm.s32 $0x7;
	v13 =	vadd.s32 s7, v0;
	v11 =	vand.u32 $0x7F, v11;
	v12 =	vor.u32 v10, v21  }
0x1c0: {  	v25 =	vand.u32 $0x7F, v13;
	v13 =	vadd.s32 s8, v0;
	s18 =	simm.s32 $0x3;
	v14 =	vor.u32 v10, v11  }
0x1c1: {  	s7 =	simm.s32 $0x5;
	v22 =	vand.u32 $0x7F, v13;
	v15 =	vadd.s32 s18, v0;
	v16 =	vor.u32 v10, v25  }
0x1c2: {  	v8 =	vld.idx.msk [tilespmem:v8+s25+$0x0], $0xffff;
	v13 =	vor.u32 v10, v22;
	v26 =	vand.u32 $0x7F, v15;
	v15 =	vadd.s32 s7, v0  }
0x1c3: {  	s8 =	simm.s32 $0x1;
	v6 =	vld.idx.msk [tilespmem:v6+s25+$0x0], $0xffff;
	v23 =	vor.u32 v10, v26;
	v24 =	vand.u32 $0x7F, v15  }
0x1c4: {  	v28 =	vor.u32 v10, v24;
	v18 =	vld.idx.msk [tilespmem:v12+s5+$0x0], $0xffff;
	v12 =	vadd.s32 s8, v0  }
0x1c5: {  	v27 =	vor.u32 v1, v11;
	v14 =	vld.idx.msk [tilespmem:v14+s5+$0x0], $0xffff;
	v15 =	vand.u32 $0x7F, v12  }
0x1c6: {  	s18 =	simm.s32 $0x6;
	v11 =	vld.idx.msk [tilespmem:v16+s5+$0x0], $0xffff;
	v19 =	vor.u32 v10, v15  }
0x1c7: {  	v17 =	vadd.s32 s18, v0;
	v20 =	vld.idx.msk [tilespmem:v13+s5+$0x0], $0xffff;
	v12 =	vor.u32 v1, v24;
	v24 =	vor.u32 v1, v21  }
0x1c8: {  	v17 =	vand.u32 $0x7F, v17;
	v16 =	vld.idx.msk [tilespmem:v23+s5+$0x0], $0xffff;
	v23 =	vor.u32 v1, v22  }
0x1c9: {  	v13 =	vor.u32 v10, v17;
	v21 =	vld.idx.msk [tilespmem:v28+s5+$0x0], $0xffff  }
0x1ca: {  	s18 =	simm.s32 $0x8;
	v22 =	vor.u32 v1, v26;
	[tilespmem:v27+s21+$0x0] =	vst.idx.add.f32.msk $0xffff, v14;
	v14 =	vor.u32 v1, v25  }
.LBB2_23:
0x1cb: {  	v25 =	vadd.s32 s18, v0;
	s0 =	sadd.s32 $0x1, s18;
	s2 =	sadd.s32 $0x3, s18;
	s7 =	sadd.s32 $0x4, s18;
	v26 =	vld.idx.msk [tilespmem:v19+s5+$0x0], $0xffff;
	v27 =	vor.u32 v1, v15;
	v28 =	vor.u32 v1, v17  }
0x1cc: {  	s8 =	sadd.s32 $0x6, s18;
	v25 =	vand.u32 $0x7F, v25;
	v15 =	vadd.s32 s0, v0;
	s0 =	sadd.s32 $0x2, s18;
	v17 =	vadd.s32 s7, v0;
	s7 =	sadd.s32 $0x5, s18;
	[tilespmem:v24+s21+$0x0] =	vst.idx.add.f32.msk $0xffff, v18  }
0x1cd: {  	p0 =	slt.u32 s18, $0x78;
	v18 =	vor.u32 v10, v25;
	v19 =	vadd.s32 s0, v0;
	v24 =	vadd.s32 s7, v0;
	s0 =	sadd.s32 $0x7, s18;
	s18 =	sadd.s32 $0x8, s18;
	[tilespmem:v23+s21+$0x0] =	vst.idx.add.f32.msk $0xffff, v20  }
0x1ce: {  	v29 =	vand.u32 $0x7F, v17;
	v20 =	vand.u32 $0x7F, v19;
	v19 =	vadd.s32 s2, v0;
	v23 =	vld.idx.msk [tilespmem:v13+s5+$0x0], $0xffff  }
0x1cf: {  	v15 =	vand.u32 $0x7F, v15;
	v30 =	vor.u32 v10, v20;
	v31 =	vand.u32 $0x7F, v19;
	[tilespmem:v22+s21+$0x0] =	vst.idx.add.f32.msk $0xffff, v16  }
0x1d0: {  	v13 =	vadd.s32 s0, v0;
	v16 =	vor.u32 v10, v29;
	v22 =	vand.u32 $0x7F, v24;
	[tilespmem:v12+s21+$0x0] =	vst.idx.add.f32.msk $0xffff, v21  }
0x1d1: {  	v19 =	vor.u32 v10, v15;
	v12 =	vadd.s32 s8, v0;
	v21 =	vand.u32 $0x7F, v13;
	[tilespmem:v27+s21+$0x0] =	vst.idx.add.f32.msk $0xffff, v26  }
0x1d2: {  	v27 =	vor.u32 v10, v22;
	v17 =	vand.u32 $0x7F, v12;
	v32 =	vor.u32 v10, v21;
	v26 =	vld.idx.msk [tilespmem:v18+s5+$0x0], $0xffff  }
0x1d3: {  	v33 =	vor.u32 v10, v31;
	v13 =	vor.u32 v10, v17;
	[tilespmem:v14+s21+$0x0] =	vst.idx.add.f32.msk $0xffff, v11  }
0x1d4: {  	v12 =	vor.u32 v1, v22;
	v14 =	vor.u32 v1, v25;
	[tilespmem:v28+s21+$0x0] =	vst.idx.add.f32.msk $0xffff, v23  }
0x1d5: {  	v18 =	vld.idx.msk [tilespmem:v30+s5+$0x0], $0xffff  }
.Ltmp12:
0x1d6: {  	v11 =	vld.idx.msk [tilespmem:v16+s5+$0x0], $0xffff;
	(pc) =	sbr.rel @p0 .LBB2_23-.Ltmp12, $4  }
0x1d7: {  	v24 =	vor.u32 v1, v20;
	v20 =	vld.idx.msk [tilespmem:v32+s5+$0x0], $0xffff  }
0x1d8: {  	v23 =	vor.u32 v1, v21;
	v16 =	vld.idx.msk [tilespmem:v33+s5+$0x0], $0xffff  }
0x1d9: {  	[tilespmem:v14+s21+$0x0] =	vst.idx.add.f32.msk $0xffff, v26  }
0x1da: {  	v22 =	vor.u32 v1, v31;
	v14 =	vor.u32 v1, v29;
	v21 =	vld.idx.msk [tilespmem:v27+s5+$0x0], $0xffff  }
0x1db: {  	_ =	sdelay $0x3  }
0x1dc: {  	v10 =	vld.idx.msk [tilespmem:v19+s5+$0x0], $0xffff;
	v15 =	vor.u32 v1, v15;
	_ =	sdelay $0x1  }
0x1dd: {  	v17 =	vor.u32 v1, v17;
	v13 =	vld.idx.msk [tilespmem:v13+s5+$0x0], $0xffff  }
0x1de: {  	[tilespmem:v14+s21+$0x0] =	vst.idx.add.f32.msk $0xffff, v11;
	s0 =	simm.s32 $0x2  }
0x1df: {  	s18 =	simm.s32 $0x0;
	[tilespmem:v23+s21+$0x0] =	vst.idx.add.f32.msk $0xffff, v20;
	v11 =	vadd.s32 s0, v0  }
0x1e0: {  	v9 =	vshll.u32 v9, $0x7;
	s2 =	simm.s32 $0x4;
	v20 =	vand.u32 $0x7F, v11;
	[tilespmem:v15+s21+$0x0] =	vst.idx.add.f32.msk $0xffff, v10;
	v10 =	vadd.s32 s18, v0  }
0x1e1: {  	s8 =	simm.s32 $0x7;
	v11 =	vor.u32 v9, v20;
	[tilespmem:v12+s21+$0x0] =	vst.idx.add.f32.msk $0xffff, v21;
	v12 =	vadd.s32 s2, v0;
	v10 =	vand.u32 $0x7F, v10  }
0x1e2: {  	[tilespmem:v17+s21+$0x0] =	vst.idx.add.f32.msk $0xffff, v13;
	s18 =	simm.s32 $0x3;
	v63 =	vand.u32 $0x7F, v12;
	v12 =	vadd.s32 s8, v0;
	v13 =	vor.u32 v9, v10  }
0x1e3: {  	s7 =	simm.s32 $0x5;
	v14 =	vadd.s32 s18, v0;
	v15 =	vor.u32 v9, v63;
	v21 =	vand.u32 $0x7F, v12  }
0x1e4: {  	[tilespmem:v24+s21+$0x0] =	vst.idx.add.f32.msk $0xffff, v18;
	v25 =	vand.u32 $0x7F, v14;
	v12 =	vor.u32 v9, v21;
	v14 =	vadd.s32 s7, v0  }
0x1e5: {  	[tilespmem:v22+s21+$0x0] =	vst.idx.add.f32.msk $0xffff, v16;
	s8 =	simm.s32 $0x1;
	v22 =	vor.u32 v9, v25;
	v23 =	vand.u32 $0x7F, v14  }
0x1e6: {  	v17 =	vld.idx.msk [tilespmem:v11+s5+$0x0], $0xffff;
	v11 =	vadd.s32 s8, v0;
	v27 =	vor.u32 v9, v23  }
0x1e7: {  	v26 =	vor.u32 v2, v10;
	v14 =	vand.u32 $0x7F, v11;
	v13 =	vld.idx.msk [tilespmem:v13+s5+$0x0], $0xffff  }
0x1e8: {  	s18 =	simm.s32 $0x6;
	v18 =	vor.u32 v9, v14;
	v10 =	vld.idx.msk [tilespmem:v15+s5+$0x0], $0xffff  }
0x1e9: {  	v16 =	vadd.s32 s18, v0;
	v11 =	vor.u32 v2, v23;
	v23 =	vor.u32 v2, v20;
	v19 =	vld.idx.msk [tilespmem:v12+s5+$0x0], $0xffff  }
0x1ea: {  	v16 =	vand.u32 $0x7F, v16;
	v15 =	vld.idx.msk [tilespmem:v22+s5+$0x0], $0xffff;
	v22 =	vor.u32 v2, v21  }
0x1eb: {  	v12 =	vor.u32 v9, v16;
	v20 =	vld.idx.msk [tilespmem:v27+s5+$0x0], $0xffff  }
0x1ec: {  	s18 =	simm.s32 $0x8;
	v21 =	vor.u32 v2, v25;
	[tilespmem:v26+s21+$0x0] =	vst.idx.add.f32.msk $0xffff, v13;
	v13 =	vor.u32 v2, v63  }
.LBB2_25:
0x1ed: {  	v24 =	vadd.s32 s18, v0;
	s0 =	sadd.s32 $0x1, s18;
	s2 =	sadd.s32 $0x3, s18;
	s7 =	sadd.s32 $0x4, s18;
	v25 =	vld.idx.msk [tilespmem:v18+s5+$0x0], $0xffff;
	v26 =	vor.u32 v2, v14;
	v27 =	vor.u32 v2, v16  }
0x1ee: {  	s8 =	sadd.s32 $0x6, s18;
	v24 =	vand.u32 $0x7F, v24;
	v14 =	vadd.s32 s0, v0;
	s0 =	sadd.s32 $0x2, s18;
	v16 =	vadd.s32 s7, v0;
	s7 =	sadd.s32 $0x5, s18;
	[tilespmem:v23+s21+$0x0] =	vst.idx.add.f32.msk $0xffff, v17  }
0x1ef: {  	p0 =	slt.u32 s18, $0x78;
	v17 =	vor.u32 v9, v24;
	v18 =	vadd.s32 s0, v0;
	v23 =	vadd.s32 s7, v0;
	s0 =	sadd.s32 $0x7, s18;
	s18 =	sadd.s32 $0x8, s18;
	[tilespmem:v22+s21+$0x0] =	vst.idx.add.f32.msk $0xffff, v19  }
0x1f0: {  	v28 =	vand.u32 $0x7F, v16;
	v19 =	vand.u32 $0x7F, v18;
	v18 =	vadd.s32 s2, v0;
	v22 =	vld.idx.msk [tilespmem:v12+s5+$0x0], $0xffff  }
0x1f1: {  	v14 =	vand.u32 $0x7F, v14;
	v29 =	vor.u32 v9, v19;
	v30 =	vand.u32 $0x7F, v18;
	[tilespmem:v21+s21+$0x0] =	vst.idx.add.f32.msk $0xffff, v15  }
0x1f2: {  	v12 =	vadd.s32 s0, v0;
	v15 =	vor.u32 v9, v28;
	v21 =	vand.u32 $0x7F, v23;
	[tilespmem:v11+s21+$0x0] =	vst.idx.add.f32.msk $0xffff, v20  }
0x1f3: {  	v18 =	vor.u32 v9, v14;
	v11 =	vadd.s32 s8, v0;
	v20 =	vand.u32 $0x7F, v12;
	[tilespmem:v26+s21+$0x0] =	vst.idx.add.f32.msk $0xffff, v25  }
0x1f4: {  	v26 =	vor.u32 v9, v21;
	v16 =	vand.u32 $0x7F, v11;
	v31 =	vor.u32 v9, v20;
	v25 =	vld.idx.msk [tilespmem:v17+s5+$0x0], $0xffff  }
0x1f5: {  	v32 =	vor.u32 v9, v30;
	v12 =	vor.u32 v9, v16;
	[tilespmem:v13+s21+$0x0] =	vst.idx.add.f32.msk $0xffff, v10  }
0x1f6: {  	v11 =	vor.u32 v2, v21;
	v13 =	vor.u32 v2, v24;
	[tilespmem:v27+s21+$0x0] =	vst.idx.add.f32.msk $0xffff, v22  }
0x1f7: {  	v17 =	vld.idx.msk [tilespmem:v29+s5+$0x0], $0xffff  }
.Ltmp13:
0x1f8: {  	v10 =	vld.idx.msk [tilespmem:v15+s5+$0x0], $0xffff;
	(pc) =	sbr.rel @p0 .LBB2_25-.Ltmp13, $4  }
0x1f9: {  	v23 =	vor.u32 v2, v19;
	v19 =	vld.idx.msk [tilespmem:v31+s5+$0x0], $0xffff  }
0x1fa: {  	v22 =	vor.u32 v2, v20;
	v15 =	vld.idx.msk [tilespmem:v32+s5+$0x0], $0xffff  }
0x1fb: {  	[tilespmem:v13+s21+$0x0] =	vst.idx.add.f32.msk $0xffff, v25  }
0x1fc: {  	v21 =	vor.u32 v2, v30;
	v13 =	vor.u32 v2, v28;
	v20 =	vld.idx.msk [tilespmem:v26+s5+$0x0], $0xffff  }
0x1fd: {  	_ =	sdelay $0x3  }
0x1fe: {  	v9 =	vld.idx.msk [tilespmem:v18+s5+$0x0], $0xffff;
	v14 =	vor.u32 v2, v14  }
0x1ff: {  	[tilespmem:v23+s21+$0x0] =	vst.idx.add.f32.msk $0xffff, v17  }
0x200: {  	v16 =	vor.u32 v2, v16;
	v12 =	vld.idx.msk [tilespmem:v12+s5+$0x0], $0xffff  }
0x201: {  	[tilespmem:v13+s21+$0x0] =	vst.idx.add.f32.msk $0xffff, v10;
	s0 =	simm.s32 $0x2  }
0x202: {  	s18 =	simm.s32 $0x0;
	[tilespmem:v22+s21+$0x0] =	vst.idx.add.f32.msk $0xffff, v19;
	v10 =	vadd.s32 s0, v0  }
0x203: {  	v8 =	vshll.u32 v8, $0x7;
	s2 =	simm.s32 $0x4;
	v19 =	vand.u32 $0x7F, v10;
	[tilespmem:v14+s21+$0x0] =	vst.idx.add.f32.msk $0xffff, v9;
	v9 =	vadd.s32 s18, v0  }
0x204: {  	s8 =	simm.s32 $0x7;
	v10 =	vor.u32 v8, v19;
	[tilespmem:v11+s21+$0x0] =	vst.idx.add.f32.msk $0xffff, v20;
	v11 =	vadd.s32 s2, v0;
	v9 =	vand.u32 $0x7F, v9  }
0x205: {  	[tilespmem:v16+s21+$0x0] =	vst.idx.add.f32.msk $0xffff, v12;
	s18 =	simm.s32 $0x3;
	v23 =	vand.u32 $0x7F, v11;
	v11 =	vadd.s32 s8, v0;
	v12 =	vor.u32 v8, v9  }
0x206: {  	s7 =	simm.s32 $0x5;
	v13 =	vadd.s32 s18, v0;
	v14 =	vor.u32 v8, v23;
	v20 =	vand.u32 $0x7F, v11  }
0x207: {  	v24 =	vand.u32 $0x7F, v13;
	v11 =	vor.u32 v8, v20;
	v13 =	vadd.s32 s7, v0  }
0x208: {  	[tilespmem:v21+s21+$0x0] =	vst.idx.add.f32.msk $0xffff, v15;
	s8 =	simm.s32 $0x1;
	v21 =	vor.u32 v8, v24;
	v22 =	vand.u32 $0x7F, v13  }
0x209: {  	v16 =	vld.idx.msk [tilespmem:v10+s5+$0x0], $0xffff;
	v10 =	vadd.s32 s8, v0;
	v26 =	vor.u32 v8, v22  }
0x20a: {  	v25 =	vor.u32 v3, v9;
	v13 =	vand.u32 $0x7F, v10;
	v12 =	vld.idx.msk [tilespmem:v12+s5+$0x0], $0xffff  }
0x20b: {  	s18 =	simm.s32 $0x6;
	v17 =	vor.u32 v8, v13;
	v9 =	vld.idx.msk [tilespmem:v14+s5+$0x0], $0xffff  }
0x20c: {  	v15 =	vadd.s32 s18, v0;
	v10 =	vor.u32 v3, v22;
	v22 =	vor.u32 v3, v19;
	v18 =	vld.idx.msk [tilespmem:v11+s5+$0x0], $0xffff  }
0x20d: {  	v15 =	vand.u32 $0x7F, v15;
	v14 =	vld.idx.msk [tilespmem:v21+s5+$0x0], $0xffff;
	v21 =	vor.u32 v3, v20  }
0x20e: {  	v11 =	vor.u32 v8, v15;
	v19 =	vld.idx.msk [tilespmem:v26+s5+$0x0], $0xffff  }
0x20f: {  	s18 =	simm.s32 $0x8;
	v20 =	vor.u32 v3, v24;
	[tilespmem:v25+s21+$0x0] =	vst.idx.add.f32.msk $0xffff, v12;
	v12 =	vor.u32 v3, v23  }
.LBB2_27:
0x210: {  	v23 =	vadd.s32 s18, v0;
	s0 =	sadd.s32 $0x1, s18;
	s2 =	sadd.s32 $0x3, s18;
	s7 =	sadd.s32 $0x4, s18;
	v24 =	vld.idx.msk [tilespmem:v17+s5+$0x0], $0xffff;
	v25 =	vor.u32 v3, v13;
	v26 =	vor.u32 v3, v15  }
0x211: {  	s8 =	sadd.s32 $0x6, s18;
	v23 =	vand.u32 $0x7F, v23;
	v13 =	vadd.s32 s0, v0;
	s0 =	sadd.s32 $0x2, s18;
	v15 =	vadd.s32 s7, v0;
	s7 =	sadd.s32 $0x5, s18;
	[tilespmem:v22+s21+$0x0] =	vst.idx.add.f32.msk $0xffff, v16  }
0x212: {  	p0 =	slt.u32 s18, $0x78;
	v16 =	vor.u32 v8, v23;
	v17 =	vadd.s32 s0, v0;
	v22 =	vadd.s32 s7, v0;
	s0 =	sadd.s32 $0x7, s18;
	s18 =	sadd.s32 $0x8, s18;
	[tilespmem:v21+s21+$0x0] =	vst.idx.add.f32.msk $0xffff, v18  }
0x213: {  	v27 =	vand.u32 $0x7F, v15;
	v18 =	vand.u32 $0x7F, v17;
	v17 =	vadd.s32 s2, v0;
	v21 =	vld.idx.msk [tilespmem:v11+s5+$0x0], $0xffff  }
0x214: {  	v13 =	vand.u32 $0x7F, v13;
	v28 =	vor.u32 v8, v18;
	v29 =	vand.u32 $0x7F, v17;
	[tilespmem:v20+s21+$0x0] =	vst.idx.add.f32.msk $0xffff, v14  }
0x215: {  	v11 =	vadd.s32 s0, v0;
	v14 =	vor.u32 v8, v27;
	v20 =	vand.u32 $0x7F, v22;
	[tilespmem:v10+s21+$0x0] =	vst.idx.add.f32.msk $0xffff, v19  }
0x216: {  	v17 =	vor.u32 v8, v13;
	v10 =	vadd.s32 s8, v0;
	v19 =	vand.u32 $0x7F, v11;
	[tilespmem:v25+s21+$0x0] =	vst.idx.add.f32.msk $0xffff, v24  }
0x217: {  	v25 =	vor.u32 v8, v20;
	v15 =	vand.u32 $0x7F, v10;
	v30 =	vor.u32 v8, v19;
	v24 =	vld.idx.msk [tilespmem:v16+s5+$0x0], $0xffff  }
0x218: {  	v31 =	vor.u32 v8, v29;
	v11 =	vor.u32 v8, v15;
	[tilespmem:v12+s21+$0x0] =	vst.idx.add.f32.msk $0xffff, v9  }
0x219: {  	v10 =	vor.u32 v3, v20;
	v12 =	vor.u32 v3, v23;
	[tilespmem:v26+s21+$0x0] =	vst.idx.add.f32.msk $0xffff, v21  }
0x21a: {  	v16 =	vld.idx.msk [tilespmem:v28+s5+$0x0], $0xffff  }
.Ltmp14:
0x21b: {  	v9 =	vld.idx.msk [tilespmem:v14+s5+$0x0], $0xffff;
	(pc) =	sbr.rel @p0 .LBB2_27-.Ltmp14, $4  }
0x21c: {  	v22 =	vor.u32 v3, v18;
	v18 =	vld.idx.msk [tilespmem:v30+s5+$0x0], $0xffff  }
0x21d: {  	v21 =	vor.u32 v3, v19;
	v14 =	vld.idx.msk [tilespmem:v31+s5+$0x0], $0xffff  }
0x21e: {  	[tilespmem:v12+s21+$0x0] =	vst.idx.add.f32.msk $0xffff, v24  }
0x21f: {  	v20 =	vor.u32 v3, v29;
	v12 =	vor.u32 v3, v27;
	v19 =	vld.idx.msk [tilespmem:v25+s5+$0x0], $0xffff  }
0x220: {  	_ =	sdelay $0x3  }
0x221: {  	v8 =	vld.idx.msk [tilespmem:v17+s5+$0x0], $0xffff;
	v13 =	vor.u32 v3, v13  }
0x222: {  	[tilespmem:v22+s21+$0x0] =	vst.idx.add.f32.msk $0xffff, v16  }
0x223: {  	v15 =	vor.u32 v3, v15;
	v11 =	vld.idx.msk [tilespmem:v11+s5+$0x0], $0xffff  }
0x224: {  	[tilespmem:v12+s21+$0x0] =	vst.idx.add.f32.msk $0xffff, v9;
	s0 =	simm.s32 $0x2  }
0x225: {  	s18 =	simm.s32 $0x0;
	[tilespmem:v21+s21+$0x0] =	vst.idx.add.f32.msk $0xffff, v18;
	v9 =	vadd.s32 s0, v0  }
0x226: {  	v7 =	vshll.u32 v7, $0x7;
	s2 =	simm.s32 $0x4;
	v18 =	vand.u32 $0x7F, v9;
	[tilespmem:v13+s21+$0x0] =	vst.idx.add.f32.msk $0xffff, v8;
	v8 =	vadd.s32 s18, v0  }
0x227: {  	s8 =	simm.s32 $0x7;
	v9 =	vor.u32 v7, v18;
	[tilespmem:v10+s21+$0x0] =	vst.idx.add.f32.msk $0xffff, v19;
	v10 =	vadd.s32 s2, v0;
	v8 =	vand.u32 $0x7F, v8  }
0x228: {  	[tilespmem:v15+s21+$0x0] =	vst.idx.add.f32.msk $0xffff, v11;
	s18 =	simm.s32 $0x3;
	v22 =	vand.u32 $0x7F, v10;
	v10 =	vadd.s32 s8, v0;
	v11 =	vor.u32 v7, v8  }
0x229: {  	s7 =	simm.s32 $0x5;
	v12 =	vadd.s32 s18, v0;
	v13 =	vor.u32 v7, v22;
	v19 =	vand.u32 $0x7F, v10  }
0x22a: {  	v23 =	vand.u32 $0x7F, v12;
	v10 =	vor.u32 v7, v19;
	v12 =	vadd.s32 s7, v0  }
0x22b: {  	[tilespmem:v20+s21+$0x0] =	vst.idx.add.f32.msk $0xffff, v14;
	s8 =	simm.s32 $0x1;
	v20 =	vor.u32 v7, v23;
	v21 =	vand.u32 $0x7F, v12  }
0x22c: {  	v15 =	vld.idx.msk [tilespmem:v9+s5+$0x0], $0xffff;
	v9 =	vadd.s32 s8, v0;
	v25 =	vor.u32 v7, v21  }
0x22d: {  	v24 =	vor.u32 v4, v8;
	v12 =	vand.u32 $0x7F, v9;
	v11 =	vld.idx.msk [tilespmem:v11+s5+$0x0], $0xffff  }
0x22e: {  	s18 =	simm.s32 $0x6;
	v16 =	vor.u32 v7, v12;
	v8 =	vld.idx.msk [tilespmem:v13+s5+$0x0], $0xffff  }
0x22f: {  	v14 =	vadd.s32 s18, v0;
	v9 =	vor.u32 v4, v21;
	v21 =	vor.u32 v4, v18;
	v17 =	vld.idx.msk [tilespmem:v10+s5+$0x0], $0xffff  }
0x230: {  	v14 =	vand.u32 $0x7F, v14;
	v13 =	vld.idx.msk [tilespmem:v20+s5+$0x0], $0xffff;
	v20 =	vor.u32 v4, v19  }
0x231: {  	v10 =	vor.u32 v7, v14;
	v18 =	vld.idx.msk [tilespmem:v25+s5+$0x0], $0xffff  }
0x232: {  	s18 =	simm.s32 $0x8;
	v19 =	vor.u32 v4, v23;
	[tilespmem:v24+s21+$0x0] =	vst.idx.add.f32.msk $0xffff, v11;
	v11 =	vor.u32 v4, v22  }
.LBB2_29:
0x233: {  	v22 =	vadd.s32 s18, v0;
	s0 =	sadd.s32 $0x1, s18;
	s2 =	sadd.s32 $0x3, s18;
	s7 =	sadd.s32 $0x4, s18;
	v23 =	vld.idx.msk [tilespmem:v16+s5+$0x0], $0xffff;
	v24 =	vor.u32 v4, v12;
	v25 =	vor.u32 v4, v14  }
0x234: {  	s8 =	sadd.s32 $0x6, s18;
	v22 =	vand.u32 $0x7F, v22;
	v12 =	vadd.s32 s0, v0;
	s0 =	sadd.s32 $0x2, s18;
	v14 =	vadd.s32 s7, v0;
	s7 =	sadd.s32 $0x5, s18;
	[tilespmem:v21+s21+$0x0] =	vst.idx.add.f32.msk $0xffff, v15  }
0x235: {  	p0 =	slt.u32 s18, $0x78;
	v15 =	vor.u32 v7, v22;
	v16 =	vadd.s32 s0, v0;
	v21 =	vadd.s32 s7, v0;
	s0 =	sadd.s32 $0x7, s18;
	s18 =	sadd.s32 $0x8, s18;
	[tilespmem:v20+s21+$0x0] =	vst.idx.add.f32.msk $0xffff, v17  }
0x236: {  	v26 =	vand.u32 $0x7F, v14;
	v17 =	vand.u32 $0x7F, v16;
	v16 =	vadd.s32 s2, v0;
	v20 =	vld.idx.msk [tilespmem:v10+s5+$0x0], $0xffff  }
0x237: {  	v12 =	vand.u32 $0x7F, v12;
	v27 =	vor.u32 v7, v17;
	v28 =	vand.u32 $0x7F, v16;
	[tilespmem:v19+s21+$0x0] =	vst.idx.add.f32.msk $0xffff, v13  }
0x238: {  	v10 =	vadd.s32 s0, v0;
	v13 =	vor.u32 v7, v26;
	v19 =	vand.u32 $0x7F, v21;
	[tilespmem:v9+s21+$0x0] =	vst.idx.add.f32.msk $0xffff, v18  }
0x239: {  	v16 =	vor.u32 v7, v12;
	v9 =	vadd.s32 s8, v0;
	v18 =	vand.u32 $0x7F, v10;
	[tilespmem:v24+s21+$0x0] =	vst.idx.add.f32.msk $0xffff, v23  }
0x23a: {  	v24 =	vor.u32 v7, v19;
	v14 =	vand.u32 $0x7F, v9;
	v29 =	vor.u32 v7, v18;
	v23 =	vld.idx.msk [tilespmem:v15+s5+$0x0], $0xffff  }
0x23b: {  	v30 =	vor.u32 v7, v28;
	v10 =	vor.u32 v7, v14;
	[tilespmem:v11+s21+$0x0] =	vst.idx.add.f32.msk $0xffff, v8  }
0x23c: {  	v9 =	vor.u32 v4, v19;
	v11 =	vor.u32 v4, v22;
	[tilespmem:v25+s21+$0x0] =	vst.idx.add.f32.msk $0xffff, v20  }
0x23d: {  	v15 =	vld.idx.msk [tilespmem:v27+s5+$0x0], $0xffff  }
.Ltmp15:
0x23e: {  	v8 =	vld.idx.msk [tilespmem:v13+s5+$0x0], $0xffff;
	(pc) =	sbr.rel @p0 .LBB2_29-.Ltmp15, $4  }
0x23f: {  	v21 =	vor.u32 v4, v17;
	v17 =	vld.idx.msk [tilespmem:v29+s5+$0x0], $0xffff  }
0x240: {  	v20 =	vor.u32 v4, v18;
	v13 =	vld.idx.msk [tilespmem:v30+s5+$0x0], $0xffff  }
0x241: {  	[tilespmem:v11+s21+$0x0] =	vst.idx.add.f32.msk $0xffff, v23  }
0x242: {  	v19 =	vor.u32 v4, v28;
	v11 =	vor.u32 v4, v26;
	v18 =	vld.idx.msk [tilespmem:v24+s5+$0x0], $0xffff  }
0x243: {  	_ =	sdelay $0x3  }
0x244: {  	v7 =	vld.idx.msk [tilespmem:v16+s5+$0x0], $0xffff;
	v12 =	vor.u32 v4, v12;
	_ =	sdelay $0x1  }
0x245: {  	v14 =	vor.u32 v4, v14;
	v10 =	vld.idx.msk [tilespmem:v10+s5+$0x0], $0xffff  }
0x246: {  	[tilespmem:v11+s21+$0x0] =	vst.idx.add.f32.msk $0xffff, v8;
	s0 =	simm.s32 $0x2  }
0x247: {  	s18 =	simm.s32 $0x0;
	[tilespmem:v20+s21+$0x0] =	vst.idx.add.f32.msk $0xffff, v17;
	v8 =	vadd.s32 s0, v0  }
0x248: {  	v6 =	vshll.u32 v6, $0x7;
	s2 =	simm.s32 $0x4;
	v17 =	vand.u32 $0x7F, v8;
	[tilespmem:v12+s21+$0x0] =	vst.idx.add.f32.msk $0xffff, v7;
	v7 =	vadd.s32 s18, v0  }
0x249: {  	s8 =	simm.s32 $0x7;
	v8 =	vor.u32 v6, v17;
	[tilespmem:v9+s21+$0x0] =	vst.idx.add.f32.msk $0xffff, v18;
	v9 =	vadd.s32 s2, v0;
	v7 =	vand.u32 $0x7F, v7  }
0x24a: {  	v11 =	vadd.s32 s8, v0;
	[tilespmem:v14+s21+$0x0] =	vst.idx.add.f32.msk $0xffff, v10;
	s18 =	simm.s32 $0x3;
	v9 =	vand.u32 $0x7F, v9;
	v10 =	vor.u32 v6, v7  }
0x24b: {  	s7 =	simm.s32 $0x5;
	[tilespmem:v19+s21+$0x0] =	vst.idx.add.f32.msk $0xffff, v13;
	v18 =	vand.u32 $0x7F, v11;
	v12 =	vadd.s32 s18, v0;
	v13 =	vor.u32 v6, v9  }
0x24c: {  	[tilespmem:v21+s21+$0x0] =	vst.idx.add.f32.msk $0xffff, v15;
	v11 =	vadd.s32 s7, v0;
	v21 =	vand.u32 $0x7F, v12;
	v12 =	vor.u32 v6, v18  }
0x24d: {  	s8 =	simm.s32 $0x1;
	v20 =	vand.u32 $0x7F, v11;
	v19 =	vor.u32 v6, v21  }
0x24e: {  	v24 =	vor.u32 v6, v20;
	v14 =	vld.idx.msk [tilespmem:v8+s5+$0x0], $0xffff;
	v8 =	vadd.s32 s8, v0  }
0x24f: {  	v23 =	vor.u32 v5, v7;
	v11 =	vand.u32 $0x7F, v8;
	v22 =	vld.idx.msk [tilespmem:v10+s5+$0x0], $0xffff  }
0x250: {  	s18 =	simm.s32 $0x6;
	v15 =	vor.u32 v6, v11;
	v7 =	vld.idx.msk [tilespmem:v13+s5+$0x0], $0xffff  }
0x251: {  	v8 =	vor.u32 v5, v20;
	v20 =	vor.u32 v5, v17;
	v10 =	vadd.s32 s18, v0;
	v16 =	vld.idx.msk [tilespmem:v12+s5+$0x0], $0xffff  }
0x252: {  	v13 =	vand.u32 $0x7F, v10;
	v12 =	vld.idx.msk [tilespmem:v19+s5+$0x0], $0xffff;
	v19 =	vor.u32 v5, v18  }
0x253: {  	v17 =	vld.idx.msk [tilespmem:v24+s5+$0x0], $0xffff;
	v10 =	vor.u32 v6, v13  }
0x254: {  	v9 =	vor.u32 v5, v9;
	s18 =	simm.s32 $0x8;
	v18 =	vor.u32 v5, v21;
	[tilespmem:v23+s21+$0x0] =	vst.idx.add.f32.msk $0xffff, v22  }
.LBB2_31:
0x255: {  	v21 =	vadd.s32 s18, v0;
	s0 =	sadd.s32 $0x1, s18;
	s2 =	sadd.s32 $0x3, s18;
	s7 =	sadd.s32 $0x4, s18;
	v22 =	vld.idx.msk [tilespmem:v15+s5+$0x0], $0xffff;
	v23 =	vor.u32 v5, v11;
	v24 =	vor.u32 v5, v13  }
0x256: {  	s8 =	sadd.s32 $0x6, s18;
	v21 =	vand.u32 $0x7F, v21;
	v11 =	vadd.s32 s0, v0;
	s0 =	sadd.s32 $0x2, s18;
	v13 =	vadd.s32 s7, v0;
	s7 =	sadd.s32 $0x5, s18;
	[tilespmem:v20+s21+$0x0] =	vst.idx.add.f32.msk $0xffff, v14  }
0x257: {  	p0 =	slt.u32 s18, $0x78;
	v14 =	vor.u32 v6, v21;
	v15 =	vadd.s32 s0, v0;
	v20 =	vadd.s32 s7, v0;
	s0 =	sadd.s32 $0x7, s18;
	s18 =	sadd.s32 $0x8, s18;
	[tilespmem:v19+s21+$0x0] =	vst.idx.add.f32.msk $0xffff, v16  }
0x258: {  	v25 =	vand.u32 $0x7F, v13;
	v16 =	vand.u32 $0x7F, v15;
	v15 =	vadd.s32 s2, v0;
	v19 =	vld.idx.msk [tilespmem:v10+s5+$0x0], $0xffff  }
0x259: {  	v11 =	vand.u32 $0x7F, v11;
	v26 =	vor.u32 v6, v16;
	v27 =	vand.u32 $0x7F, v15;
	[tilespmem:v18+s21+$0x0] =	vst.idx.add.f32.msk $0xffff, v12  }
0x25a: {  	v10 =	vadd.s32 s0, v0;
	v12 =	vor.u32 v6, v25;
	v18 =	vand.u32 $0x7F, v20;
	[tilespmem:v8+s21+$0x0] =	vst.idx.add.f32.msk $0xffff, v17  }
0x25b: {  	v15 =	vor.u32 v6, v11;
	v8 =	vadd.s32 s8, v0;
	v17 =	vand.u32 $0x7F, v10;
	[tilespmem:v23+s21+$0x0] =	vst.idx.add.f32.msk $0xffff, v22  }
0x25c: {  	v23 =	vor.u32 v6, v18;
	v13 =	vand.u32 $0x7F, v8;
	v28 =	vor.u32 v6, v17;
	v22 =	vld.idx.msk [tilespmem:v14+s5+$0x0], $0xffff  }
0x25d: {  	v29 =	vor.u32 v6, v27;
	v10 =	vor.u32 v6, v13;
	[tilespmem:v9+s21+$0x0] =	vst.idx.add.f32.msk $0xffff, v7  }
0x25e: {  	v8 =	vor.u32 v5, v18;
	v9 =	vor.u32 v5, v21;
	[tilespmem:v24+s21+$0x0] =	vst.idx.add.f32.msk $0xffff, v19  }
0x25f: {  	v14 =	vld.idx.msk [tilespmem:v26+s5+$0x0], $0xffff  }
.Ltmp16:
0x260: {  	v7 =	vld.idx.msk [tilespmem:v12+s5+$0x0], $0xffff;
	(pc) =	sbr.rel @p0 .LBB2_31-.Ltmp16, $4  }
0x261: {  	v20 =	vor.u32 v5, v16;
	v16 =	vld.idx.msk [tilespmem:v28+s5+$0x0], $0xffff  }
0x262: {  	v19 =	vor.u32 v5, v17;
	v12 =	vld.idx.msk [tilespmem:v29+s5+$0x0], $0xffff  }
0x263: {  	[tilespmem:v9+s21+$0x0] =	vst.idx.add.f32.msk $0xffff, v22  }
0x264: {  	v18 =	vor.u32 v5, v27;
	v9 =	vor.u32 v5, v25;
	v17 =	vld.idx.msk [tilespmem:v23+s5+$0x0], $0xffff  }
0x265: {  	_ =	sdelay $0x3  }
0x266: {  	v6 =	vld.idx.msk [tilespmem:v15+s5+$0x0], $0xffff  }
0x267: {  	[tilespmem:v20+s21+$0x0] =	vst.idx.add.f32.msk $0xffff, v14  }
0x268: {  	v11 =	vor.u32 v5, v11;
	v10 =	vld.idx.msk [tilespmem:v10+s5+$0x0], $0xffff  }
0x269: {  	v13 =	vor.u32 v5, v13;
	[tilespmem:v9+s21+$0x0] =	vst.idx.add.f32.msk $0xffff, v7  }
0x26a: {  	[tilespmem:v19+s21+$0x0] =	vst.idx.add.f32.msk $0xffff, v16  }
0x26b: {  	[tilespmem:v18+s21+$0x0] =	vst.idx.add.f32.msk $0xffff, v12  }
0x26c: {  	s0 =	sadd.s32 s6, s12;
	[tilespmem:v8+s21+$0x0] =	vst.idx.add.f32.msk $0xffff, v17  }
0x26d: {  	s0 =	sshll.u32 s0, $0x4;
	[tilespmem:v11+s21+$0x0] =	vst.idx.add.f32.msk $0xffff, v6  }
0x26e: {  	p0 =	seq.s32 s10, $0x18;
	s0 =	sadd.s32 s4, s0;
	[tilespmem:v13+s21+$0x0] =	vst.idx.add.f32.msk $0xffff, v10  }
0x26f: {  	[hbm4b:s0+s5] =	stream.linear.scatter [tilespmem:s21], [sflag:$0x8], $0x2800, $0x38;
	[tilespmem:$0xF380] =	vst v63  }
0x270: {  	s0 =	simm.s32 @!p0 $0x6  }
0x271: {  	s12 =	sadd.s32 $0xF0, s11;
	s2 =	sadd.s32 @!p0 s11, s15;
	_ =	swait.ge @!p0 [sflag:s0], $0x2800  }
0x272: {  	s7 =	simm.s32 @!p0 $0x2B80;
	s2 =	sshll.u32 @!p0 s2, $0x4;
	[sflag:s0] =	ssyncset.done @!p0 $0x0  }
0x273: {  	v6 =	vor.u32 s12, v0;
	[sflag:s0] =	ssyncadd.s32 @!p0 $0xFFFFD800;
	s0 =	sadd.s32 @!p0 s1, s2;
	s2 =	simm.s32 @!p0 $0x0  }
0x274: {  	[tilespmem:s7], [sflag:$0x1] =	stream.linear.gather @!p0 [hbm4b:s0+s2], $0x2800, $0x38;
	[tilespmem:$0xF380] =	vst v63  }
0x275: {  	_ =	swait.ge [sflag:s30], $0x2800  }
0x276: {  	s2 =	sadd.s32 $0x100, s11;
	[sflag:s30] =	ssyncset.done $0x0  }
0x277: {  	s8 =	sadd.s32 $0x120, s11;
	v7 =	vor.u32 s2, v0;
	[sflag:s30] =	ssyncadd.s32 $0xFFFFD800  }
0x278: {  	v10 =	vor.u32 s8, v0;
	v11 =	vld.idx.msk [tilespmem:v6+s25+$0x0], $0xffff;
	_ =	sdelay $0x2  }
0x279: {  	s18 =	sadd.s32 $0x130, s11;
	s7 =	sadd.s32 $0x110, s11;
	s2 =	simm.s32 $0x2  }
0x27a: {  	v8 =	vor.u32 s7, v0;
	v12 =	vadd.s32 s2, v0;
	v6 =	vor.u32 s18, v0;
	s18 =	simm.s32 $0x0;
	v9 =	vld.idx.msk [tilespmem:v7+s25+$0x0], $0xffff  }
0x27b: {  	s7 =	simm.s32 $0x4;
	v21 =	vand.u32 $0x7F, v12;
	v7 =	vld.idx.msk [tilespmem:v10+s25+$0x0], $0xffff;
	v10 =	vshll.u32 v11, $0x7;
	v11 =	vadd.s32 s18, v0  }
0x27c: {  	s8 =	simm.s32 $0x7;
	v13 =	vadd.s32 s7, v0;
	v11 =	vand.u32 $0x7F, v11;
	v12 =	vor.u32 v10, v21  }
0x27d: {  	v25 =	vand.u32 $0x7F, v13;
	v13 =	vadd.s32 s8, v0;
	s18 =	simm.s32 $0x3;
	v14 =	vor.u32 v10, v11  }
0x27e: {  	s7 =	simm.s32 $0x5;
	v22 =	vand.u32 $0x7F, v13;
	v15 =	vadd.s32 s18, v0;
	v16 =	vor.u32 v10, v25  }
0x27f: {  	v8 =	vld.idx.msk [tilespmem:v8+s25+$0x0], $0xffff;
	v13 =	vor.u32 v10, v22;
	v26 =	vand.u32 $0x7F, v15;
	v15 =	vadd.s32 s7, v0  }
0x280: {  	s8 =	simm.s32 $0x1;
	v6 =	vld.idx.msk [tilespmem:v6+s25+$0x0], $0xffff;
	v23 =	vor.u32 v10, v26;
	v24 =	vand.u32 $0x7F, v15  }
0x281: {  	v28 =	vor.u32 v10, v24;
	v18 =	vld.idx.msk [tilespmem:v12+s5+$0x0], $0xffff;
	v12 =	vadd.s32 s8, v0  }
0x282: {  	v27 =	vor.u32 v1, v11;
	v14 =	vld.idx.msk [tilespmem:v14+s5+$0x0], $0xffff;
	v15 =	vand.u32 $0x7F, v12  }
0x283: {  	s18 =	simm.s32 $0x6;
	v11 =	vld.idx.msk [tilespmem:v16+s5+$0x0], $0xffff;
	v19 =	vor.u32 v10, v15  }
0x284: {  	v17 =	vadd.s32 s18, v0;
	v20 =	vld.idx.msk [tilespmem:v13+s5+$0x0], $0xffff;
	v12 =	vor.u32 v1, v24;
	v24 =	vor.u32 v1, v21  }
0x285: {  	v17 =	vand.u32 $0x7F, v17;
	v16 =	vld.idx.msk [tilespmem:v23+s5+$0x0], $0xffff;
	v23 =	vor.u32 v1, v22  }
0x286: {  	v13 =	vor.u32 v10, v17;
	v21 =	vld.idx.msk [tilespmem:v28+s5+$0x0], $0xffff  }
0x287: {  	s18 =	simm.s32 $0x8;
	v22 =	vor.u32 v1, v26;
	[tilespmem:v27+s22+$0x0] =	vst.idx.add.f32.msk $0xffff, v14;
	v14 =	vor.u32 v1, v25  }
.LBB2_33:
0x288: {  	v25 =	vadd.s32 s18, v0;
	s0 =	sadd.s32 $0x1, s18;
	s2 =	sadd.s32 $0x3, s18;
	s7 =	sadd.s32 $0x4, s18;
	v26 =	vld.idx.msk [tilespmem:v19+s5+$0x0], $0xffff;
	v27 =	vor.u32 v1, v15;
	v28 =	vor.u32 v1, v17  }
0x289: {  	s8 =	sadd.s32 $0x6, s18;
	v25 =	vand.u32 $0x7F, v25;
	v15 =	vadd.s32 s0, v0;
	s0 =	sadd.s32 $0x2, s18;
	v17 =	vadd.s32 s7, v0;
	s7 =	sadd.s32 $0x5, s18;
	[tilespmem:v24+s22+$0x0] =	vst.idx.add.f32.msk $0xffff, v18  }
0x28a: {  	p1 =	slt.u32 s18, $0x78;
	v18 =	vor.u32 v10, v25;
	v19 =	vadd.s32 s0, v0;
	v24 =	vadd.s32 s7, v0;
	s0 =	sadd.s32 $0x7, s18;
	s18 =	sadd.s32 $0x8, s18;
	[tilespmem:v23+s22+$0x0] =	vst.idx.add.f32.msk $0xffff, v20  }
0x28b: {  	v29 =	vand.u32 $0x7F, v17;
	v20 =	vand.u32 $0x7F, v19;
	v19 =	vadd.s32 s2, v0;
	v23 =	vld.idx.msk [tilespmem:v13+s5+$0x0], $0xffff  }
0x28c: {  	v15 =	vand.u32 $0x7F, v15;
	v30 =	vor.u32 v10, v20;
	v31 =	vand.u32 $0x7F, v19;
	[tilespmem:v22+s22+$0x0] =	vst.idx.add.f32.msk $0xffff, v16  }
0x28d: {  	v13 =	vadd.s32 s0, v0;
	v16 =	vor.u32 v10, v29;
	v22 =	vand.u32 $0x7F, v24;
	[tilespmem:v12+s22+$0x0] =	vst.idx.add.f32.msk $0xffff, v21  }
0x28e: {  	v19 =	vor.u32 v10, v15;
	v12 =	vadd.s32 s8, v0;
	v21 =	vand.u32 $0x7F, v13;
	[tilespmem:v27+s22+$0x0] =	vst.idx.add.f32.msk $0xffff, v26  }
0x28f: {  	v27 =	vor.u32 v10, v22;
	v17 =	vand.u32 $0x7F, v12;
	v32 =	vor.u32 v10, v21;
	v26 =	vld.idx.msk [tilespmem:v18+s5+$0x0], $0xffff  }
0x290: {  	v33 =	vor.u32 v10, v31;
	v13 =	vor.u32 v10, v17;
	[tilespmem:v14+s22+$0x0] =	vst.idx.add.f32.msk $0xffff, v11  }
0x291: {  	v12 =	vor.u32 v1, v22;
	v14 =	vor.u32 v1, v25;
	[tilespmem:v28+s22+$0x0] =	vst.idx.add.f32.msk $0xffff, v23  }
0x292: {  	v18 =	vld.idx.msk [tilespmem:v30+s5+$0x0], $0xffff  }
.Ltmp17:
0x293: {  	v11 =	vld.idx.msk [tilespmem:v16+s5+$0x0], $0xffff;
	(pc) =	sbr.rel @p1 .LBB2_33-.Ltmp17, $4  }
0x294: {  	v24 =	vor.u32 v1, v20;
	v20 =	vld.idx.msk [tilespmem:v32+s5+$0x0], $0xffff  }
0x295: {  	v23 =	vor.u32 v1, v21;
	v16 =	vld.idx.msk [tilespmem:v33+s5+$0x0], $0xffff  }
0x296: {  	[tilespmem:v14+s22+$0x0] =	vst.idx.add.f32.msk $0xffff, v26  }
0x297: {  	v22 =	vor.u32 v1, v31;
	v14 =	vor.u32 v1, v29;
	v21 =	vld.idx.msk [tilespmem:v27+s5+$0x0], $0xffff  }
0x298: {  	_ =	sdelay $0x3  }
0x299: {  	v10 =	vld.idx.msk [tilespmem:v19+s5+$0x0], $0xffff;
	v15 =	vor.u32 v1, v15;
	_ =	sdelay $0x1  }
0x29a: {  	v17 =	vor.u32 v1, v17;
	v13 =	vld.idx.msk [tilespmem:v13+s5+$0x0], $0xffff  }
0x29b: {  	[tilespmem:v14+s22+$0x0] =	vst.idx.add.f32.msk $0xffff, v11;
	s0 =	simm.s32 $0x2  }
0x29c: {  	s18 =	simm.s32 $0x0;
	[tilespmem:v23+s22+$0x0] =	vst.idx.add.f32.msk $0xffff, v20;
	v11 =	vadd.s32 s0, v0  }
0x29d: {  	v9 =	vshll.u32 v9, $0x7;
	s2 =	simm.s32 $0x4;
	v20 =	vand.u32 $0x7F, v11;
	[tilespmem:v15+s22+$0x0] =	vst.idx.add.f32.msk $0xffff, v10;
	v10 =	vadd.s32 s18, v0  }
0x29e: {  	s8 =	simm.s32 $0x7;
	v11 =	vor.u32 v9, v20;
	[tilespmem:v12+s22+$0x0] =	vst.idx.add.f32.msk $0xffff, v21;
	v12 =	vadd.s32 s2, v0;
	v10 =	vand.u32 $0x7F, v10  }
0x29f: {  	[tilespmem:v17+s22+$0x0] =	vst.idx.add.f32.msk $0xffff, v13;
	s18 =	simm.s32 $0x3;
	v63 =	vand.u32 $0x7F, v12;
	v12 =	vadd.s32 s8, v0;
	v13 =	vor.u32 v9, v10  }
0x2a0: {  	s7 =	simm.s32 $0x5;
	v14 =	vadd.s32 s18, v0;
	v15 =	vor.u32 v9, v63;
	v21 =	vand.u32 $0x7F, v12  }
0x2a1: {  	[tilespmem:v24+s22+$0x0] =	vst.idx.add.f32.msk $0xffff, v18;
	v25 =	vand.u32 $0x7F, v14;
	v12 =	vor.u32 v9, v21;
	v14 =	vadd.s32 s7, v0  }
0x2a2: {  	[tilespmem:v22+s22+$0x0] =	vst.idx.add.f32.msk $0xffff, v16;
	s8 =	simm.s32 $0x1;
	v22 =	vor.u32 v9, v25;
	v23 =	vand.u32 $0x7F, v14  }
0x2a3: {  	v17 =	vld.idx.msk [tilespmem:v11+s5+$0x0], $0xffff;
	v11 =	vadd.s32 s8, v0;
	v27 =	vor.u32 v9, v23  }
0x2a4: {  	v26 =	vor.u32 v2, v10;
	v14 =	vand.u32 $0x7F, v11;
	v13 =	vld.idx.msk [tilespmem:v13+s5+$0x0], $0xffff  }
0x2a5: {  	s18 =	simm.s32 $0x6;
	v18 =	vor.u32 v9, v14;
	v10 =	vld.idx.msk [tilespmem:v15+s5+$0x0], $0xffff  }
0x2a6: {  	v16 =	vadd.s32 s18, v0;
	v11 =	vor.u32 v2, v23;
	v23 =	vor.u32 v2, v20;
	v19 =	vld.idx.msk [tilespmem:v12+s5+$0x0], $0xffff  }
0x2a7: {  	v16 =	vand.u32 $0x7F, v16;
	v15 =	vld.idx.msk [tilespmem:v22+s5+$0x0], $0xffff;
	v22 =	vor.u32 v2, v21  }
0x2a8: {  	v12 =	vor.u32 v9, v16;
	v20 =	vld.idx.msk [tilespmem:v27+s5+$0x0], $0xffff  }
0x2a9: {  	s18 =	simm.s32 $0x8;
	v21 =	vor.u32 v2, v25;
	[tilespmem:v26+s22+$0x0] =	vst.idx.add.f32.msk $0xffff, v13;
	v13 =	vor.u32 v2, v63  }
.LBB2_35:
0x2aa: {  	v24 =	vadd.s32 s18, v0;
	s0 =	sadd.s32 $0x1, s18;
	s2 =	sadd.s32 $0x3, s18;
	s7 =	sadd.s32 $0x4, s18;
	v25 =	vld.idx.msk [tilespmem:v18+s5+$0x0], $0xffff;
	v26 =	vor.u32 v2, v14;
	v27 =	vor.u32 v2, v16  }
0x2ab: {  	s8 =	sadd.s32 $0x6, s18;
	v24 =	vand.u32 $0x7F, v24;
	v14 =	vadd.s32 s0, v0;
	s0 =	sadd.s32 $0x2, s18;
	v16 =	vadd.s32 s7, v0;
	s7 =	sadd.s32 $0x5, s18;
	[tilespmem:v23+s22+$0x0] =	vst.idx.add.f32.msk $0xffff, v17  }
0x2ac: {  	p1 =	slt.u32 s18, $0x78;
	v17 =	vor.u32 v9, v24;
	v18 =	vadd.s32 s0, v0;
	v23 =	vadd.s32 s7, v0;
	s0 =	sadd.s32 $0x7, s18;
	s18 =	sadd.s32 $0x8, s18;
	[tilespmem:v22+s22+$0x0] =	vst.idx.add.f32.msk $0xffff, v19  }
0x2ad: {  	v28 =	vand.u32 $0x7F, v16;
	v19 =	vand.u32 $0x7F, v18;
	v18 =	vadd.s32 s2, v0;
	v22 =	vld.idx.msk [tilespmem:v12+s5+$0x0], $0xffff  }
0x2ae: {  	v14 =	vand.u32 $0x7F, v14;
	v29 =	vor.u32 v9, v19;
	v30 =	vand.u32 $0x7F, v18;
	[tilespmem:v21+s22+$0x0] =	vst.idx.add.f32.msk $0xffff, v15  }
0x2af: {  	v12 =	vadd.s32 s0, v0;
	v15 =	vor.u32 v9, v28;
	v21 =	vand.u32 $0x7F, v23;
	[tilespmem:v11+s22+$0x0] =	vst.idx.add.f32.msk $0xffff, v20  }
0x2b0: {  	v18 =	vor.u32 v9, v14;
	v11 =	vadd.s32 s8, v0;
	v20 =	vand.u32 $0x7F, v12;
	[tilespmem:v26+s22+$0x0] =	vst.idx.add.f32.msk $0xffff, v25  }
0x2b1: {  	v26 =	vor.u32 v9, v21;
	v16 =	vand.u32 $0x7F, v11;
	v31 =	vor.u32 v9, v20;
	v25 =	vld.idx.msk [tilespmem:v17+s5+$0x0], $0xffff  }
0x2b2: {  	v32 =	vor.u32 v9, v30;
	v12 =	vor.u32 v9, v16;
	[tilespmem:v13+s22+$0x0] =	vst.idx.add.f32.msk $0xffff, v10  }
0x2b3: {  	v11 =	vor.u32 v2, v21;
	v13 =	vor.u32 v2, v24;
	[tilespmem:v27+s22+$0x0] =	vst.idx.add.f32.msk $0xffff, v22  }
0x2b4: {  	v17 =	vld.idx.msk [tilespmem:v29+s5+$0x0], $0xffff  }
.Ltmp18:
0x2b5: {  	v10 =	vld.idx.msk [tilespmem:v15+s5+$0x0], $0xffff;
	(pc) =	sbr.rel @p1 .LBB2_35-.Ltmp18, $4  }
0x2b6: {  	v23 =	vor.u32 v2, v19;
	v19 =	vld.idx.msk [tilespmem:v31+s5+$0x0], $0xffff  }
0x2b7: {  	v22 =	vor.u32 v2, v20;
	v15 =	vld.idx.msk [tilespmem:v32+s5+$0x0], $0xffff  }
0x2b8: {  	[tilespmem:v13+s22+$0x0] =	vst.idx.add.f32.msk $0xffff, v25  }
0x2b9: {  	v21 =	vor.u32 v2, v30;
	v13 =	vor.u32 v2, v28;
	v20 =	vld.idx.msk [tilespmem:v26+s5+$0x0], $0xffff  }
0x2ba: {  	_ =	sdelay $0x3  }
0x2bb: {  	v9 =	vld.idx.msk [tilespmem:v18+s5+$0x0], $0xffff;
	v14 =	vor.u32 v2, v14  }
0x2bc: {  	[tilespmem:v23+s22+$0x0] =	vst.idx.add.f32.msk $0xffff, v17  }
0x2bd: {  	v16 =	vor.u32 v2, v16;
	v12 =	vld.idx.msk [tilespmem:v12+s5+$0x0], $0xffff  }
0x2be: {  	[tilespmem:v13+s22+$0x0] =	vst.idx.add.f32.msk $0xffff, v10;
	s0 =	simm.s32 $0x2  }
0x2bf: {  	s18 =	simm.s32 $0x0;
	[tilespmem:v22+s22+$0x0] =	vst.idx.add.f32.msk $0xffff, v19;
	v10 =	vadd.s32 s0, v0  }
0x2c0: {  	v8 =	vshll.u32 v8, $0x7;
	s2 =	simm.s32 $0x4;
	v19 =	vand.u32 $0x7F, v10;
	[tilespmem:v14+s22+$0x0] =	vst.idx.add.f32.msk $0xffff, v9;
	v9 =	vadd.s32 s18, v0  }
0x2c1: {  	s8 =	simm.s32 $0x7;
	v10 =	vor.u32 v8, v19;
	[tilespmem:v11+s22+$0x0] =	vst.idx.add.f32.msk $0xffff, v20;
	v11 =	vadd.s32 s2, v0;
	v9 =	vand.u32 $0x7F, v9  }
0x2c2: {  	[tilespmem:v16+s22+$0x0] =	vst.idx.add.f32.msk $0xffff, v12;
	s18 =	simm.s32 $0x3;
	v23 =	vand.u32 $0x7F, v11;
	v11 =	vadd.s32 s8, v0;
	v12 =	vor.u32 v8, v9  }
0x2c3: {  	s7 =	simm.s32 $0x5;
	v13 =	vadd.s32 s18, v0;
	v14 =	vor.u32 v8, v23;
	v20 =	vand.u32 $0x7F, v11  }
0x2c4: {  	v24 =	vand.u32 $0x7F, v13;
	v11 =	vor.u32 v8, v20;
	v13 =	vadd.s32 s7, v0  }
0x2c5: {  	[tilespmem:v21+s22+$0x0] =	vst.idx.add.f32.msk $0xffff, v15;
	s8 =	simm.s32 $0x1;
	v21 =	vor.u32 v8, v24;
	v22 =	vand.u32 $0x7F, v13  }
0x2c6: {  	v16 =	vld.idx.msk [tilespmem:v10+s5+$0x0], $0xffff;
	v10 =	vadd.s32 s8, v0;
	v26 =	vor.u32 v8, v22  }
0x2c7: {  	v25 =	vor.u32 v3, v9;
	v13 =	vand.u32 $0x7F, v10;
	v12 =	vld.idx.msk [tilespmem:v12+s5+$0x0], $0xffff  }
0x2c8: {  	s18 =	simm.s32 $0x6;
	v17 =	vor.u32 v8, v13;
	v9 =	vld.idx.msk [tilespmem:v14+s5+$0x0], $0xffff  }
0x2c9: {  	v15 =	vadd.s32 s18, v0;
	v10 =	vor.u32 v3, v22;
	v22 =	vor.u32 v3, v19;
	v18 =	vld.idx.msk [tilespmem:v11+s5+$0x0], $0xffff  }
0x2ca: {  	v15 =	vand.u32 $0x7F, v15;
	v14 =	vld.idx.msk [tilespmem:v21+s5+$0x0], $0xffff;
	v21 =	vor.u32 v3, v20  }
0x2cb: {  	v11 =	vor.u32 v8, v15;
	v19 =	vld.idx.msk [tilespmem:v26+s5+$0x0], $0xffff  }
0x2cc: {  	s18 =	simm.s32 $0x8;
	v20 =	vor.u32 v3, v24;
	[tilespmem:v25+s22+$0x0] =	vst.idx.add.f32.msk $0xffff, v12;
	v12 =	vor.u32 v3, v23  }
.LBB2_37:
0x2cd: {  	v23 =	vadd.s32 s18, v0;
	s0 =	sadd.s32 $0x1, s18;
	s2 =	sadd.s32 $0x3, s18;
	s7 =	sadd.s32 $0x4, s18;
	v24 =	vld.idx.msk [tilespmem:v17+s5+$0x0], $0xffff;
	v25 =	vor.u32 v3, v13;
	v26 =	vor.u32 v3, v15  }
0x2ce: {  	s8 =	sadd.s32 $0x6, s18;
	v23 =	vand.u32 $0x7F, v23;
	v13 =	vadd.s32 s0, v0;
	s0 =	sadd.s32 $0x2, s18;
	v15 =	vadd.s32 s7, v0;
	s7 =	sadd.s32 $0x5, s18;
	[tilespmem:v22+s22+$0x0] =	vst.idx.add.f32.msk $0xffff, v16  }
0x2cf: {  	p1 =	slt.u32 s18, $0x78;
	v16 =	vor.u32 v8, v23;
	v17 =	vadd.s32 s0, v0;
	v22 =	vadd.s32 s7, v0;
	s0 =	sadd.s32 $0x7, s18;
	s18 =	sadd.s32 $0x8, s18;
	[tilespmem:v21+s22+$0x0] =	vst.idx.add.f32.msk $0xffff, v18  }
0x2d0: {  	v27 =	vand.u32 $0x7F, v15;
	v18 =	vand.u32 $0x7F, v17;
	v17 =	vadd.s32 s2, v0;
	v21 =	vld.idx.msk [tilespmem:v11+s5+$0x0], $0xffff  }
0x2d1: {  	v13 =	vand.u32 $0x7F, v13;
	v28 =	vor.u32 v8, v18;
	v29 =	vand.u32 $0x7F, v17;
	[tilespmem:v20+s22+$0x0] =	vst.idx.add.f32.msk $0xffff, v14  }
0x2d2: {  	v11 =	vadd.s32 s0, v0;
	v14 =	vor.u32 v8, v27;
	v20 =	vand.u32 $0x7F, v22;
	[tilespmem:v10+s22+$0x0] =	vst.idx.add.f32.msk $0xffff, v19  }
0x2d3: {  	v17 =	vor.u32 v8, v13;
	v10 =	vadd.s32 s8, v0;
	v19 =	vand.u32 $0x7F, v11;
	[tilespmem:v25+s22+$0x0] =	vst.idx.add.f32.msk $0xffff, v24  }
0x2d4: {  	v25 =	vor.u32 v8, v20;
	v15 =	vand.u32 $0x7F, v10;
	v30 =	vor.u32 v8, v19;
	v24 =	vld.idx.msk [tilespmem:v16+s5+$0x0], $0xffff  }
0x2d5: {  	v31 =	vor.u32 v8, v29;
	v11 =	vor.u32 v8, v15;
	[tilespmem:v12+s22+$0x0] =	vst.idx.add.f32.msk $0xffff, v9  }
0x2d6: {  	v10 =	vor.u32 v3, v20;
	v12 =	vor.u32 v3, v23;
	[tilespmem:v26+s22+$0x0] =	vst.idx.add.f32.msk $0xffff, v21  }
0x2d7: {  	v16 =	vld.idx.msk [tilespmem:v28+s5+$0x0], $0xffff  }
.Ltmp19:
0x2d8: {  	v9 =	vld.idx.msk [tilespmem:v14+s5+$0x0], $0xffff;
	(pc) =	sbr.rel @p1 .LBB2_37-.Ltmp19, $4  }
0x2d9: {  	v22 =	vor.u32 v3, v18;
	v18 =	vld.idx.msk [tilespmem:v30+s5+$0x0], $0xffff  }
0x2da: {  	v21 =	vor.u32 v3, v19;
	v14 =	vld.idx.msk [tilespmem:v31+s5+$0x0], $0xffff  }
0x2db: {  	[tilespmem:v12+s22+$0x0] =	vst.idx.add.f32.msk $0xffff, v24  }
0x2dc: {  	v20 =	vor.u32 v3, v29;
	v12 =	vor.u32 v3, v27;
	v19 =	vld.idx.msk [tilespmem:v25+s5+$0x0], $0xffff  }
0x2dd: {  	_ =	sdelay $0x3  }
0x2de: {  	v8 =	vld.idx.msk [tilespmem:v17+s5+$0x0], $0xffff;
	v13 =	vor.u32 v3, v13  }
0x2df: {  	[tilespmem:v22+s22+$0x0] =	vst.idx.add.f32.msk $0xffff, v16  }
0x2e0: {  	v15 =	vor.u32 v3, v15;
	v11 =	vld.idx.msk [tilespmem:v11+s5+$0x0], $0xffff  }
0x2e1: {  	[tilespmem:v12+s22+$0x0] =	vst.idx.add.f32.msk $0xffff, v9;
	s0 =	simm.s32 $0x2  }
0x2e2: {  	s18 =	simm.s32 $0x0;
	[tilespmem:v21+s22+$0x0] =	vst.idx.add.f32.msk $0xffff, v18;
	v9 =	vadd.s32 s0, v0  }
0x2e3: {  	v7 =	vshll.u32 v7, $0x7;
	s2 =	simm.s32 $0x4;
	v18 =	vand.u32 $0x7F, v9;
	[tilespmem:v13+s22+$0x0] =	vst.idx.add.f32.msk $0xffff, v8;
	v8 =	vadd.s32 s18, v0  }
0x2e4: {  	s8 =	simm.s32 $0x7;
	v9 =	vor.u32 v7, v18;
	[tilespmem:v10+s22+$0x0] =	vst.idx.add.f32.msk $0xffff, v19;
	v10 =	vadd.s32 s2, v0;
	v8 =	vand.u32 $0x7F, v8  }
0x2e5: {  	[tilespmem:v15+s22+$0x0] =	vst.idx.add.f32.msk $0xffff, v11;
	s18 =	simm.s32 $0x3;
	v22 =	vand.u32 $0x7F, v10;
	v10 =	vadd.s32 s8, v0;
	v11 =	vor.u32 v7, v8  }
0x2e6: {  	s7 =	simm.s32 $0x5;
	v12 =	vadd.s32 s18, v0;
	v13 =	vor.u32 v7, v22;
	v19 =	vand.u32 $0x7F, v10  }
0x2e7: {  	v23 =	vand.u32 $0x7F, v12;
	v10 =	vor.u32 v7, v19;
	v12 =	vadd.s32 s7, v0  }
0x2e8: {  	[tilespmem:v20+s22+$0x0] =	vst.idx.add.f32.msk $0xffff, v14;
	s8 =	simm.s32 $0x1;
	v20 =	vor.u32 v7, v23;
	v21 =	vand.u32 $0x7F, v12  }
0x2e9: {  	v15 =	vld.idx.msk [tilespmem:v9+s5+$0x0], $0xffff;
	v9 =	vadd.s32 s8, v0;
	v25 =	vor.u32 v7, v21  }
0x2ea: {  	v24 =	vor.u32 v4, v8;
	v12 =	vand.u32 $0x7F, v9;
	v11 =	vld.idx.msk [tilespmem:v11+s5+$0x0], $0xffff  }
0x2eb: {  	s18 =	simm.s32 $0x6;
	v16 =	vor.u32 v7, v12;
	v8 =	vld.idx.msk [tilespmem:v13+s5+$0x0], $0xffff  }
0x2ec: {  	v14 =	vadd.s32 s18, v0;
	v9 =	vor.u32 v4, v21;
	v21 =	vor.u32 v4, v18;
	v17 =	vld.idx.msk [tilespmem:v10+s5+$0x0], $0xffff  }
0x2ed: {  	v14 =	vand.u32 $0x7F, v14;
	v13 =	vld.idx.msk [tilespmem:v20+s5+$0x0], $0xffff;
	v20 =	vor.u32 v4, v19  }
0x2ee: {  	v10 =	vor.u32 v7, v14;
	v18 =	vld.idx.msk [tilespmem:v25+s5+$0x0], $0xffff  }
0x2ef: {  	s18 =	simm.s32 $0x8;
	v19 =	vor.u32 v4, v23;
	[tilespmem:v24+s22+$0x0] =	vst.idx.add.f32.msk $0xffff, v11;
	v11 =	vor.u32 v4, v22  }
.LBB2_39:
0x2f0: {  	v22 =	vadd.s32 s18, v0;
	s0 =	sadd.s32 $0x1, s18;
	s2 =	sadd.s32 $0x3, s18;
	s7 =	sadd.s32 $0x4, s18;
	v23 =	vld.idx.msk [tilespmem:v16+s5+$0x0], $0xffff;
	v24 =	vor.u32 v4, v12;
	v25 =	vor.u32 v4, v14  }
0x2f1: {  	s8 =	sadd.s32 $0x6, s18;
	v22 =	vand.u32 $0x7F, v22;
	v12 =	vadd.s32 s0, v0;
	s0 =	sadd.s32 $0x2, s18;
	v14 =	vadd.s32 s7, v0;
	s7 =	sadd.s32 $0x5, s18;
	[tilespmem:v21+s22+$0x0] =	vst.idx.add.f32.msk $0xffff, v15  }
0x2f2: {  	p1 =	slt.u32 s18, $0x78;
	v15 =	vor.u32 v7, v22;
	v16 =	vadd.s32 s0, v0;
	v21 =	vadd.s32 s7, v0;
	s0 =	sadd.s32 $0x7, s18;
	s18 =	sadd.s32 $0x8, s18;
	[tilespmem:v20+s22+$0x0] =	vst.idx.add.f32.msk $0xffff, v17  }
0x2f3: {  	v26 =	vand.u32 $0x7F, v14;
	v17 =	vand.u32 $0x7F, v16;
	v16 =	vadd.s32 s2, v0;
	v20 =	vld.idx.msk [tilespmem:v10+s5+$0x0], $0xffff  }
0x2f4: {  	v12 =	vand.u32 $0x7F, v12;
	v27 =	vor.u32 v7, v17;
	v28 =	vand.u32 $0x7F, v16;
	[tilespmem:v19+s22+$0x0] =	vst.idx.add.f32.msk $0xffff, v13  }
0x2f5: {  	v10 =	vadd.s32 s0, v0;
	v13 =	vor.u32 v7, v26;
	v19 =	vand.u32 $0x7F, v21;
	[tilespmem:v9+s22+$0x0] =	vst.idx.add.f32.msk $0xffff, v18  }
0x2f6: {  	v16 =	vor.u32 v7, v12;
	v9 =	vadd.s32 s8, v0;
	v18 =	vand.u32 $0x7F, v10;
	[tilespmem:v24+s22+$0x0] =	vst.idx.add.f32.msk $0xffff, v23  }
0x2f7: {  	v24 =	vor.u32 v7, v19;
	v14 =	vand.u32 $0x7F, v9;
	v29 =	vor.u32 v7, v18;
	v23 =	vld.idx.msk [tilespmem:v15+s5+$0x0], $0xffff  }
0x2f8: {  	v30 =	vor.u32 v7, v28;
	v10 =	vor.u32 v7, v14;
	[tilespmem:v11+s22+$0x0] =	vst.idx.add.f32.msk $0xffff, v8  }
0x2f9: {  	v9 =	vor.u32 v4, v19;
	v11 =	vor.u32 v4, v22;
	[tilespmem:v25+s22+$0x0] =	vst.idx.add.f32.msk $0xffff, v20  }
0x2fa: {  	v15 =	vld.idx.msk [tilespmem:v27+s5+$0x0], $0xffff  }
.Ltmp20:
0x2fb: {  	v8 =	vld.idx.msk [tilespmem:v13+s5+$0x0], $0xffff;
	(pc) =	sbr.rel @p1 .LBB2_39-.Ltmp20, $4  }
0x2fc: {  	v21 =	vor.u32 v4, v17;
	v17 =	vld.idx.msk [tilespmem:v29+s5+$0x0], $0xffff  }
0x2fd: {  	v20 =	vor.u32 v4, v18;
	v13 =	vld.idx.msk [tilespmem:v30+s5+$0x0], $0xffff  }
0x2fe: {  	[tilespmem:v11+s22+$0x0] =	vst.idx.add.f32.msk $0xffff, v23  }
0x2ff: {  	v19 =	vor.u32 v4, v28;
	v11 =	vor.u32 v4, v26;
	v18 =	vld.idx.msk [tilespmem:v24+s5+$0x0], $0xffff  }
0x300: {  	_ =	sdelay $0x3  }
0x301: {  	v7 =	vld.idx.msk [tilespmem:v16+s5+$0x0], $0xffff;
	v12 =	vor.u32 v4, v12;
	_ =	sdelay $0x1  }
0x302: {  	v14 =	vor.u32 v4, v14;
	v10 =	vld.idx.msk [tilespmem:v10+s5+$0x0], $0xffff  }
0x303: {  	[tilespmem:v11+s22+$0x0] =	vst.idx.add.f32.msk $0xffff, v8;
	s0 =	simm.s32 $0x2  }
0x304: {  	s18 =	simm.s32 $0x0;
	[tilespmem:v20+s22+$0x0] =	vst.idx.add.f32.msk $0xffff, v17;
	v8 =	vadd.s32 s0, v0  }
0x305: {  	v6 =	vshll.u32 v6, $0x7;
	s2 =	simm.s32 $0x4;
	v17 =	vand.u32 $0x7F, v8;
	[tilespmem:v12+s22+$0x0] =	vst.idx.add.f32.msk $0xffff, v7;
	v7 =	vadd.s32 s18, v0  }
0x306: {  	s8 =	simm.s32 $0x7;
	v8 =	vor.u32 v6, v17;
	[tilespmem:v9+s22+$0x0] =	vst.idx.add.f32.msk $0xffff, v18;
	v9 =	vadd.s32 s2, v0;
	v7 =	vand.u32 $0x7F, v7  }
0x307: {  	v11 =	vadd.s32 s8, v0;
	[tilespmem:v14+s22+$0x0] =	vst.idx.add.f32.msk $0xffff, v10;
	s18 =	simm.s32 $0x3;
	v9 =	vand.u32 $0x7F, v9;
	v10 =	vor.u32 v6, v7  }
0x308: {  	s7 =	simm.s32 $0x5;
	[tilespmem:v19+s22+$0x0] =	vst.idx.add.f32.msk $0xffff, v13;
	v18 =	vand.u32 $0x7F, v11;
	v12 =	vadd.s32 s18, v0;
	v13 =	vor.u32 v6, v9  }
0x309: {  	[tilespmem:v21+s22+$0x0] =	vst.idx.add.f32.msk $0xffff, v15;
	v11 =	vadd.s32 s7, v0;
	v21 =	vand.u32 $0x7F, v12;
	v12 =	vor.u32 v6, v18  }
0x30a: {  	s8 =	simm.s32 $0x1;
	v20 =	vand.u32 $0x7F, v11;
	v19 =	vor.u32 v6, v21  }
0x30b: {  	v24 =	vor.u32 v6, v20;
	v14 =	vld.idx.msk [tilespmem:v8+s5+$0x0], $0xffff;
	v8 =	vadd.s32 s8, v0  }
0x30c: {  	v23 =	vor.u32 v5, v7;
	v11 =	vand.u32 $0x7F, v8;
	v22 =	vld.idx.msk [tilespmem:v10+s5+$0x0], $0xffff  }
0x30d: {  	s18 =	simm.s32 $0x6;
	v15 =	vor.u32 v6, v11;
	v7 =	vld.idx.msk [tilespmem:v13+s5+$0x0], $0xffff  }
0x30e: {  	v8 =	vor.u32 v5, v20;
	v20 =	vor.u32 v5, v17;
	v10 =	vadd.s32 s18, v0;
	v16 =	vld.idx.msk [tilespmem:v12+s5+$0x0], $0xffff  }
0x30f: {  	v13 =	vand.u32 $0x7F, v10;
	v12 =	vld.idx.msk [tilespmem:v19+s5+$0x0], $0xffff;
	v19 =	vor.u32 v5, v18  }
0x310: {  	v17 =	vld.idx.msk [tilespmem:v24+s5+$0x0], $0xffff;
	v10 =	vor.u32 v6, v13  }
0x311: {  	v9 =	vor.u32 v5, v9;
	s18 =	simm.s32 $0x8;
	v18 =	vor.u32 v5, v21;
	[tilespmem:v23+s22+$0x0] =	vst.idx.add.f32.msk $0xffff, v22  }
.LBB2_41:
0x312: {  	v21 =	vadd.s32 s18, v0;
	s0 =	sadd.s32 $0x1, s18;
	s2 =	sadd.s32 $0x3, s18;
	s7 =	sadd.s32 $0x4, s18;
	v22 =	vld.idx.msk [tilespmem:v15+s5+$0x0], $0xffff;
	v23 =	vor.u32 v5, v11;
	v24 =	vor.u32 v5, v13  }
0x313: {  	s8 =	sadd.s32 $0x6, s18;
	v21 =	vand.u32 $0x7F, v21;
	v11 =	vadd.s32 s0, v0;
	s0 =	sadd.s32 $0x2, s18;
	v13 =	vadd.s32 s7, v0;
	s7 =	sadd.s32 $0x5, s18;
	[tilespmem:v20+s22+$0x0] =	vst.idx.add.f32.msk $0xffff, v14  }
0x314: {  	p1 =	slt.u32 s18, $0x78;
	v14 =	vor.u32 v6, v21;
	v15 =	vadd.s32 s0, v0;
	v20 =	vadd.s32 s7, v0;
	s0 =	sadd.s32 $0x7, s18;
	s18 =	sadd.s32 $0x8, s18;
	[tilespmem:v19+s22+$0x0] =	vst.idx.add.f32.msk $0xffff, v16  }
0x315: {  	v25 =	vand.u32 $0x7F, v13;
	v16 =	vand.u32 $0x7F, v15;
	v15 =	vadd.s32 s2, v0;
	v19 =	vld.idx.msk [tilespmem:v10+s5+$0x0], $0xffff  }
0x316: {  	v11 =	vand.u32 $0x7F, v11;
	v26 =	vor.u32 v6, v16;
	v27 =	vand.u32 $0x7F, v15;
	[tilespmem:v18+s22+$0x0] =	vst.idx.add.f32.msk $0xffff, v12  }
0x317: {  	v10 =	vadd.s32 s0, v0;
	v12 =	vor.u32 v6, v25;
	v18 =	vand.u32 $0x7F, v20;
	[tilespmem:v8+s22+$0x0] =	vst.idx.add.f32.msk $0xffff, v17  }
0x318: {  	v15 =	vor.u32 v6, v11;
	v8 =	vadd.s32 s8, v0;
	v17 =	vand.u32 $0x7F, v10;
	[tilespmem:v23+s22+$0x0] =	vst.idx.add.f32.msk $0xffff, v22  }
0x319: {  	v23 =	vor.u32 v6, v18;
	v13 =	vand.u32 $0x7F, v8;
	v28 =	vor.u32 v6, v17;
	v22 =	vld.idx.msk [tilespmem:v14+s5+$0x0], $0xffff  }
0x31a: {  	v29 =	vor.u32 v6, v27;
	v10 =	vor.u32 v6, v13;
	[tilespmem:v9+s22+$0x0] =	vst.idx.add.f32.msk $0xffff, v7  }
0x31b: {  	v8 =	vor.u32 v5, v18;
	v9 =	vor.u32 v5, v21;
	[tilespmem:v24+s22+$0x0] =	vst.idx.add.f32.msk $0xffff, v19  }
0x31c: {  	v14 =	vld.idx.msk [tilespmem:v26+s5+$0x0], $0xffff  }
.Ltmp21:
0x31d: {  	v7 =	vld.idx.msk [tilespmem:v12+s5+$0x0], $0xffff;
	(pc) =	sbr.rel @p1 .LBB2_41-.Ltmp21, $4  }
0x31e: {  	v20 =	vor.u32 v5, v16;
	v16 =	vld.idx.msk [tilespmem:v28+s5+$0x0], $0xffff  }
0x31f: {  	v19 =	vor.u32 v5, v17;
	v12 =	vld.idx.msk [tilespmem:v29+s5+$0x0], $0xffff  }
0x320: {  	[tilespmem:v9+s22+$0x0] =	vst.idx.add.f32.msk $0xffff, v22  }
0x321: {  	v18 =	vor.u32 v5, v27;
	v9 =	vor.u32 v5, v25;
	v17 =	vld.idx.msk [tilespmem:v23+s5+$0x0], $0xffff  }
0x322: {  	_ =	sdelay $0x3  }
0x323: {  	v6 =	vld.idx.msk [tilespmem:v15+s5+$0x0], $0xffff  }
0x324: {  	[tilespmem:v20+s22+$0x0] =	vst.idx.add.f32.msk $0xffff, v14  }
0x325: {  	v11 =	vor.u32 v5, v11;
	v10 =	vld.idx.msk [tilespmem:v10+s5+$0x0], $0xffff  }
0x326: {  	v13 =	vor.u32 v5, v13;
	[tilespmem:v9+s22+$0x0] =	vst.idx.add.f32.msk $0xffff, v7  }
0x327: {  	[tilespmem:v19+s22+$0x0] =	vst.idx.add.f32.msk $0xffff, v16  }
0x328: {  	[tilespmem:v18+s22+$0x0] =	vst.idx.add.f32.msk $0xffff, v12  }
0x329: {  	s0 =	sadd.s32 s6, s12;
	[tilespmem:v8+s22+$0x0] =	vst.idx.add.f32.msk $0xffff, v17  }
0x32a: {  	s0 =	sshll.u32 s0, $0x4;
	[tilespmem:v11+s22+$0x0] =	vst.idx.add.f32.msk $0xffff, v6  }
0x32b: {  	s0 =	sadd.s32 s4, s0;
	[tilespmem:v13+s22+$0x0] =	vst.idx.add.f32.msk $0xffff, v10  }
0x32c: {  	[hbm4b:s0+s5] =	stream.linear.scatter [tilespmem:s22], [sflag:$0x9], $0x2800, $0x38;
	[tilespmem:$0xF380] =	vst v63  }
0x32d: {  	s0 =	simm.s32 @!p0 $0x7  }
0x32e: {  	s2 =	sadd.s32 @!p0 s11, s16;
	s7 =	simm.s32 @!p0 $0x5380;
	_ =	swait.ge @!p0 [sflag:s0], $0x2800  }
0x32f: {  	s12 =	sadd.s32 $0x140, s11;
	s2 =	sshll.u32 @!p0 s2, $0x4;
	[sflag:s0] =	ssyncset.done @!p0 $0x0  }
0x330: {  	v6 =	vor.u32 s12, v0;
	[sflag:s0] =	ssyncadd.s32 @!p0 $0xFFFFD800;
	s0 =	sadd.s32 @!p0 s1, s2;
	s2 =	simm.s32 @!p0 $0x0  }
0x331: {  	[tilespmem:s7], [sflag:$0x2] =	stream.linear.gather @!p0 [hbm4b:s0+s2], $0x2800, $0x38;
	[tilespmem:$0xF380] =	vst v63  }
0x332: {  	_ =	swait.ge [sflag:s31], $0x2800  }
0x333: {  	s2 =	sadd.s32 $0x150, s11;
	[sflag:s31] =	ssyncset.done $0x0  }
0x334: {  	s8 =	sadd.s32 $0x170, s11;
	v7 =	vor.u32 s2, v0;
	[sflag:s31] =	ssyncadd.s32 $0xFFFFD800  }
0x335: {  	v10 =	vor.u32 s8, v0;
	v11 =	vld.idx.msk [tilespmem:v6+s25+$0x0], $0xffff;
	_ =	sdelay $0x2  }
0x336: {  	s18 =	sadd.s32 $0x180, s11;
	s7 =	sadd.s32 $0x160, s11;
	s2 =	simm.s32 $0x2  }
0x337: {  	v8 =	vor.u32 s7, v0;
	v12 =	vadd.s32 s2, v0;
	v6 =	vor.u32 s18, v0;
	s18 =	simm.s32 $0x0;
	v9 =	vld.idx.msk [tilespmem:v7+s25+$0x0], $0xffff  }
0x338: {  	s7 =	simm.s32 $0x4;
	v21 =	vand.u32 $0x7F, v12;
	v7 =	vld.idx.msk [tilespmem:v10+s25+$0x0], $0xffff;
	v10 =	vshll.u32 v11, $0x7;
	v11 =	vadd.s32 s18, v0  }
0x339: {  	s8 =	simm.s32 $0x7;
	v13 =	vadd.s32 s7, v0;
	v11 =	vand.u32 $0x7F, v11;
	v12 =	vor.u32 v10, v21  }
0x33a: {  	v25 =	vand.u32 $0x7F, v13;
	v13 =	vadd.s32 s8, v0;
	s18 =	simm.s32 $0x3;
	v14 =	vor.u32 v10, v11  }
0x33b: {  	s7 =	simm.s32 $0x5;
	v22 =	vand.u32 $0x7F, v13;
	v15 =	vadd.s32 s18, v0;
	v16 =	vor.u32 v10, v25  }
0x33c: {  	v8 =	vld.idx.msk [tilespmem:v8+s25+$0x0], $0xffff;
	v13 =	vor.u32 v10, v22;
	v26 =	vand.u32 $0x7F, v15;
	v15 =	vadd.s32 s7, v0  }
0x33d: {  	s8 =	simm.s32 $0x1;
	v6 =	vld.idx.msk [tilespmem:v6+s25+$0x0], $0xffff;
	v23 =	vor.u32 v10, v26;
	v24 =	vand.u32 $0x7F, v15  }
0x33e: {  	v28 =	vor.u32 v10, v24;
	v18 =	vld.idx.msk [tilespmem:v12+s5+$0x0], $0xffff;
	v12 =	vadd.s32 s8, v0  }
0x33f: {  	v27 =	vor.u32 v1, v11;
	v14 =	vld.idx.msk [tilespmem:v14+s5+$0x0], $0xffff;
	v15 =	vand.u32 $0x7F, v12  }
0x340: {  	s18 =	simm.s32 $0x6;
	v11 =	vld.idx.msk [tilespmem:v16+s5+$0x0], $0xffff;
	v19 =	vor.u32 v10, v15  }
0x341: {  	v17 =	vadd.s32 s18, v0;
	v20 =	vld.idx.msk [tilespmem:v13+s5+$0x0], $0xffff;
	v12 =	vor.u32 v1, v24;
	v24 =	vor.u32 v1, v21  }
0x342: {  	v17 =	vand.u32 $0x7F, v17;
	v16 =	vld.idx.msk [tilespmem:v23+s5+$0x0], $0xffff;
	v23 =	vor.u32 v1, v22  }
0x343: {  	v13 =	vor.u32 v10, v17;
	v21 =	vld.idx.msk [tilespmem:v28+s5+$0x0], $0xffff  }
0x344: {  	s18 =	simm.s32 $0x8;
	v22 =	vor.u32 v1, v26;
	[tilespmem:v27+s23+$0x0] =	vst.idx.add.f32.msk $0xffff, v14;
	v14 =	vor.u32 v1, v25  }
.LBB2_43:
0x345: {  	v25 =	vadd.s32 s18, v0;
	s0 =	sadd.s32 $0x1, s18;
	s2 =	sadd.s32 $0x3, s18;
	s7 =	sadd.s32 $0x4, s18;
	v26 =	vld.idx.msk [tilespmem:v19+s5+$0x0], $0xffff;
	v27 =	vor.u32 v1, v15;
	v28 =	vor.u32 v1, v17  }
0x346: {  	s8 =	sadd.s32 $0x6, s18;
	v25 =	vand.u32 $0x7F, v25;
	v15 =	vadd.s32 s0, v0;
	s0 =	sadd.s32 $0x2, s18;
	v17 =	vadd.s32 s7, v0;
	s7 =	sadd.s32 $0x5, s18;
	[tilespmem:v24+s23+$0x0] =	vst.idx.add.f32.msk $0xffff, v18  }
0x347: {  	p1 =	slt.u32 s18, $0x78;
	v18 =	vor.u32 v10, v25;
	v19 =	vadd.s32 s0, v0;
	v24 =	vadd.s32 s7, v0;
	s0 =	sadd.s32 $0x7, s18;
	s18 =	sadd.s32 $0x8, s18;
	[tilespmem:v23+s23+$0x0] =	vst.idx.add.f32.msk $0xffff, v20  }
0x348: {  	v29 =	vand.u32 $0x7F, v17;
	v20 =	vand.u32 $0x7F, v19;
	v19 =	vadd.s32 s2, v0;
	v23 =	vld.idx.msk [tilespmem:v13+s5+$0x0], $0xffff  }
0x349: {  	v15 =	vand.u32 $0x7F, v15;
	v30 =	vor.u32 v10, v20;
	v31 =	vand.u32 $0x7F, v19;
	[tilespmem:v22+s23+$0x0] =	vst.idx.add.f32.msk $0xffff, v16  }
0x34a: {  	v13 =	vadd.s32 s0, v0;
	v16 =	vor.u32 v10, v29;
	v22 =	vand.u32 $0x7F, v24;
	[tilespmem:v12+s23+$0x0] =	vst.idx.add.f32.msk $0xffff, v21  }
0x34b: {  	v19 =	vor.u32 v10, v15;
	v12 =	vadd.s32 s8, v0;
	v21 =	vand.u32 $0x7F, v13;
	[tilespmem:v27+s23+$0x0] =	vst.idx.add.f32.msk $0xffff, v26  }
0x34c: {  	v27 =	vor.u32 v10, v22;
	v17 =	vand.u32 $0x7F, v12;
	v32 =	vor.u32 v10, v21;
	v26 =	vld.idx.msk [tilespmem:v18+s5+$0x0], $0xffff  }
0x34d: {  	v33 =	vor.u32 v10, v31;
	v13 =	vor.u32 v10, v17;
	[tilespmem:v14+s23+$0x0] =	vst.idx.add.f32.msk $0xffff, v11  }
0x34e: {  	v12 =	vor.u32 v1, v22;
	v14 =	vor.u32 v1, v25;
	[tilespmem:v28+s23+$0x0] =	vst.idx.add.f32.msk $0xffff, v23  }
0x34f: {  	v18 =	vld.idx.msk [tilespmem:v30+s5+$0x0], $0xffff  }
.Ltmp22:
0x350: {  	v11 =	vld.idx.msk [tilespmem:v16+s5+$0x0], $0xffff;
	(pc) =	sbr.rel @p1 .LBB2_43-.Ltmp22, $4  }
0x351: {  	v24 =	vor.u32 v1, v20;
	v20 =	vld.idx.msk [tilespmem:v32+s5+$0x0], $0xffff  }
0x352: {  	v23 =	vor.u32 v1, v21;
	v16 =	vld.idx.msk [tilespmem:v33+s5+$0x0], $0xffff  }
0x353: {  	[tilespmem:v14+s23+$0x0] =	vst.idx.add.f32.msk $0xffff, v26  }
0x354: {  	v22 =	vor.u32 v1, v31;
	v14 =	vor.u32 v1, v29;
	v21 =	vld.idx.msk [tilespmem:v27+s5+$0x0], $0xffff  }
0x355: {  	_ =	sdelay $0x3  }
0x356: {  	v10 =	vld.idx.msk [tilespmem:v19+s5+$0x0], $0xffff;
	v15 =	vor.u32 v1, v15;
	_ =	sdelay $0x1  }
0x357: {  	v17 =	vor.u32 v1, v17;
	v13 =	vld.idx.msk [tilespmem:v13+s5+$0x0], $0xffff  }
0x358: {  	[tilespmem:v14+s23+$0x0] =	vst.idx.add.f32.msk $0xffff, v11;
	s0 =	simm.s32 $0x2  }
0x359: {  	s18 =	simm.s32 $0x0;
	[tilespmem:v23+s23+$0x0] =	vst.idx.add.f32.msk $0xffff, v20;
	v11 =	vadd.s32 s0, v0  }
0x35a: {  	v9 =	vshll.u32 v9, $0x7;
	s2 =	simm.s32 $0x4;
	v20 =	vand.u32 $0x7F, v11;
	[tilespmem:v15+s23+$0x0] =	vst.idx.add.f32.msk $0xffff, v10;
	v10 =	vadd.s32 s18, v0  }
0x35b: {  	s8 =	simm.s32 $0x7;
	v11 =	vor.u32 v9, v20;
	[tilespmem:v12+s23+$0x0] =	vst.idx.add.f32.msk $0xffff, v21;
	v12 =	vadd.s32 s2, v0;
	v10 =	vand.u32 $0x7F, v10  }
0x35c: {  	[tilespmem:v17+s23+$0x0] =	vst.idx.add.f32.msk $0xffff, v13;
	s18 =	simm.s32 $0x3;
	v63 =	vand.u32 $0x7F, v12;
	v12 =	vadd.s32 s8, v0;
	v13 =	vor.u32 v9, v10  }
0x35d: {  	s7 =	simm.s32 $0x5;
	v14 =	vadd.s32 s18, v0;
	v15 =	vor.u32 v9, v63;
	v21 =	vand.u32 $0x7F, v12  }
0x35e: {  	[tilespmem:v24+s23+$0x0] =	vst.idx.add.f32.msk $0xffff, v18;
	v25 =	vand.u32 $0x7F, v14;
	v12 =	vor.u32 v9, v21;
	v14 =	vadd.s32 s7, v0  }
0x35f: {  	[tilespmem:v22+s23+$0x0] =	vst.idx.add.f32.msk $0xffff, v16;
	s8 =	simm.s32 $0x1;
	v22 =	vor.u32 v9, v25;
	v23 =	vand.u32 $0x7F, v14  }
0x360: {  	v17 =	vld.idx.msk [tilespmem:v11+s5+$0x0], $0xffff;
	v11 =	vadd.s32 s8, v0;
	v27 =	vor.u32 v9, v23  }
0x361: {  	v26 =	vor.u32 v2, v10;
	v14 =	vand.u32 $0x7F, v11;
	v13 =	vld.idx.msk [tilespmem:v13+s5+$0x0], $0xffff  }
0x362: {  	s18 =	simm.s32 $0x6;
	v18 =	vor.u32 v9, v14;
	v10 =	vld.idx.msk [tilespmem:v15+s5+$0x0], $0xffff  }
0x363: {  	v16 =	vadd.s32 s18, v0;
	v11 =	vor.u32 v2, v23;
	v23 =	vor.u32 v2, v20;
	v19 =	vld.idx.msk [tilespmem:v12+s5+$0x0], $0xffff  }
0x364: {  	v16 =	vand.u32 $0x7F, v16;
	v15 =	vld.idx.msk [tilespmem:v22+s5+$0x0], $0xffff;
	v22 =	vor.u32 v2, v21  }
0x365: {  	v12 =	vor.u32 v9, v16;
	v20 =	vld.idx.msk [tilespmem:v27+s5+$0x0], $0xffff  }
0x366: {  	s18 =	simm.s32 $0x8;
	v21 =	vor.u32 v2, v25;
	[tilespmem:v26+s23+$0x0] =	vst.idx.add.f32.msk $0xffff, v13;
	v13 =	vor.u32 v2, v63  }
.LBB2_45:
0x367: {  	v24 =	vadd.s32 s18, v0;
	s0 =	sadd.s32 $0x1, s18;
	s2 =	sadd.s32 $0x3, s18;
	s7 =	sadd.s32 $0x4, s18;
	v25 =	vld.idx.msk [tilespmem:v18+s5+$0x0], $0xffff;
	v26 =	vor.u32 v2, v14;
	v27 =	vor.u32 v2, v16  }
0x368: {  	s8 =	sadd.s32 $0x6, s18;
	v24 =	vand.u32 $0x7F, v24;
	v14 =	vadd.s32 s0, v0;
	s0 =	sadd.s32 $0x2, s18;
	v16 =	vadd.s32 s7, v0;
	s7 =	sadd.s32 $0x5, s18;
	[tilespmem:v23+s23+$0x0] =	vst.idx.add.f32.msk $0xffff, v17  }
0x369: {  	p1 =	slt.u32 s18, $0x78;
	v17 =	vor.u32 v9, v24;
	v18 =	vadd.s32 s0, v0;
	v23 =	vadd.s32 s7, v0;
	s0 =	sadd.s32 $0x7, s18;
	s18 =	sadd.s32 $0x8, s18;
	[tilespmem:v22+s23+$0x0] =	vst.idx.add.f32.msk $0xffff, v19  }
0x36a: {  	v28 =	vand.u32 $0x7F, v16;
	v19 =	vand.u32 $0x7F, v18;
	v18 =	vadd.s32 s2, v0;
	v22 =	vld.idx.msk [tilespmem:v12+s5+$0x0], $0xffff  }
0x36b: {  	v14 =	vand.u32 $0x7F, v14;
	v29 =	vor.u32 v9, v19;
	v30 =	vand.u32 $0x7F, v18;
	[tilespmem:v21+s23+$0x0] =	vst.idx.add.f32.msk $0xffff, v15  }
0x36c: {  	v12 =	vadd.s32 s0, v0;
	v15 =	vor.u32 v9, v28;
	v21 =	vand.u32 $0x7F, v23;
	[tilespmem:v11+s23+$0x0] =	vst.idx.add.f32.msk $0xffff, v20  }
0x36d: {  	v18 =	vor.u32 v9, v14;
	v11 =	vadd.s32 s8, v0;
	v20 =	vand.u32 $0x7F, v12;
	[tilespmem:v26+s23+$0x0] =	vst.idx.add.f32.msk $0xffff, v25  }
0x36e: {  	v26 =	vor.u32 v9, v21;
	v16 =	vand.u32 $0x7F, v11;
	v31 =	vor.u32 v9, v20;
	v25 =	vld.idx.msk [tilespmem:v17+s5+$0x0], $0xffff  }
0x36f: {  	v32 =	vor.u32 v9, v30;
	v12 =	vor.u32 v9, v16;
	[tilespmem:v13+s23+$0x0] =	vst.idx.add.f32.msk $0xffff, v10  }
0x370: {  	v11 =	vor.u32 v2, v21;
	v13 =	vor.u32 v2, v24;
	[tilespmem:v27+s23+$0x0] =	vst.idx.add.f32.msk $0xffff, v22  }
0x371: {  	v17 =	vld.idx.msk [tilespmem:v29+s5+$0x0], $0xffff  }
.Ltmp23:
0x372: {  	v10 =	vld.idx.msk [tilespmem:v15+s5+$0x0], $0xffff;
	(pc) =	sbr.rel @p1 .LBB2_45-.Ltmp23, $4  }
0x373: {  	v23 =	vor.u32 v2, v19;
	v19 =	vld.idx.msk [tilespmem:v31+s5+$0x0], $0xffff  }
0x374: {  	v22 =	vor.u32 v2, v20;
	v15 =	vld.idx.msk [tilespmem:v32+s5+$0x0], $0xffff  }
0x375: {  	[tilespmem:v13+s23+$0x0] =	vst.idx.add.f32.msk $0xffff, v25  }
0x376: {  	v21 =	vor.u32 v2, v30;
	v13 =	vor.u32 v2, v28;
	v20 =	vld.idx.msk [tilespmem:v26+s5+$0x0], $0xffff  }
0x377: {  	_ =	sdelay $0x3  }
0x378: {  	v9 =	vld.idx.msk [tilespmem:v18+s5+$0x0], $0xffff;
	v14 =	vor.u32 v2, v14  }
0x379: {  	[tilespmem:v23+s23+$0x0] =	vst.idx.add.f32.msk $0xffff, v17  }
0x37a: {  	v16 =	vor.u32 v2, v16;
	v12 =	vld.idx.msk [tilespmem:v12+s5+$0x0], $0xffff  }
0x37b: {  	[tilespmem:v13+s23+$0x0] =	vst.idx.add.f32.msk $0xffff, v10;
	s0 =	simm.s32 $0x2  }
0x37c: {  	s18 =	simm.s32 $0x0;
	[tilespmem:v22+s23+$0x0] =	vst.idx.add.f32.msk $0xffff, v19;
	v10 =	vadd.s32 s0, v0  }
0x37d: {  	v8 =	vshll.u32 v8, $0x7;
	s2 =	simm.s32 $0x4;
	v19 =	vand.u32 $0x7F, v10;
	[tilespmem:v14+s23+$0x0] =	vst.idx.add.f32.msk $0xffff, v9;
	v9 =	vadd.s32 s18, v0  }
0x37e: {  	s8 =	simm.s32 $0x7;
	v10 =	vor.u32 v8, v19;
	[tilespmem:v11+s23+$0x0] =	vst.idx.add.f32.msk $0xffff, v20;
	v11 =	vadd.s32 s2, v0;
	v9 =	vand.u32 $0x7F, v9  }
0x37f: {  	[tilespmem:v16+s23+$0x0] =	vst.idx.add.f32.msk $0xffff, v12;
	s18 =	simm.s32 $0x3;
	v23 =	vand.u32 $0x7F, v11;
	v11 =	vadd.s32 s8, v0;
	v12 =	vor.u32 v8, v9  }
0x380: {  	s7 =	simm.s32 $0x5;
	v13 =	vadd.s32 s18, v0;
	v14 =	vor.u32 v8, v23;
	v20 =	vand.u32 $0x7F, v11  }
0x381: {  	v24 =	vand.u32 $0x7F, v13;
	v11 =	vor.u32 v8, v20;
	v13 =	vadd.s32 s7, v0  }
0x382: {  	[tilespmem:v21+s23+$0x0] =	vst.idx.add.f32.msk $0xffff, v15;
	s8 =	simm.s32 $0x1;
	v21 =	vor.u32 v8, v24;
	v22 =	vand.u32 $0x7F, v13  }
0x383: {  	v16 =	vld.idx.msk [tilespmem:v10+s5+$0x0], $0xffff;
	v10 =	vadd.s32 s8, v0;
	v26 =	vor.u32 v8, v22  }
0x384: {  	v25 =	vor.u32 v3, v9;
	v13 =	vand.u32 $0x7F, v10;
	v12 =	vld.idx.msk [tilespmem:v12+s5+$0x0], $0xffff  }
0x385: {  	s18 =	simm.s32 $0x6;
	v17 =	vor.u32 v8, v13;
	v9 =	vld.idx.msk [tilespmem:v14+s5+$0x0], $0xffff  }
0x386: {  	v15 =	vadd.s32 s18, v0;
	v10 =	vor.u32 v3, v22;
	v22 =	vor.u32 v3, v19;
	v18 =	vld.idx.msk [tilespmem:v11+s5+$0x0], $0xffff  }
0x387: {  	v15 =	vand.u32 $0x7F, v15;
	v14 =	vld.idx.msk [tilespmem:v21+s5+$0x0], $0xffff;
	v21 =	vor.u32 v3, v20  }
0x388: {  	v11 =	vor.u32 v8, v15;
	v19 =	vld.idx.msk [tilespmem:v26+s5+$0x0], $0xffff  }
0x389: {  	s18 =	simm.s32 $0x8;
	v20 =	vor.u32 v3, v24;
	[tilespmem:v25+s23+$0x0] =	vst.idx.add.f32.msk $0xffff, v12;
	v12 =	vor.u32 v3, v23  }
.LBB2_47:
0x38a: {  	v23 =	vadd.s32 s18, v0;
	s0 =	sadd.s32 $0x1, s18;
	s2 =	sadd.s32 $0x3, s18;
	s7 =	sadd.s32 $0x4, s18;
	v24 =	vld.idx.msk [tilespmem:v17+s5+$0x0], $0xffff;
	v25 =	vor.u32 v3, v13;
	v26 =	vor.u32 v3, v15  }
0x38b: {  	s8 =	sadd.s32 $0x6, s18;
	v23 =	vand.u32 $0x7F, v23;
	v13 =	vadd.s32 s0, v0;
	s0 =	sadd.s32 $0x2, s18;
	v15 =	vadd.s32 s7, v0;
	s7 =	sadd.s32 $0x5, s18;
	[tilespmem:v22+s23+$0x0] =	vst.idx.add.f32.msk $0xffff, v16  }
0x38c: {  	p1 =	slt.u32 s18, $0x78;
	v16 =	vor.u32 v8, v23;
	v17 =	vadd.s32 s0, v0;
	v22 =	vadd.s32 s7, v0;
	s0 =	sadd.s32 $0x7, s18;
	s18 =	sadd.s32 $0x8, s18;
	[tilespmem:v21+s23+$0x0] =	vst.idx.add.f32.msk $0xffff, v18  }
0x38d: {  	v27 =	vand.u32 $0x7F, v15;
	v18 =	vand.u32 $0x7F, v17;
	v17 =	vadd.s32 s2, v0;
	v21 =	vld.idx.msk [tilespmem:v11+s5+$0x0], $0xffff  }
0x38e: {  	v13 =	vand.u32 $0x7F, v13;
	v28 =	vor.u32 v8, v18;
	v29 =	vand.u32 $0x7F, v17;
	[tilespmem:v20+s23+$0x0] =	vst.idx.add.f32.msk $0xffff, v14  }
0x38f: {  	v11 =	vadd.s32 s0, v0;
	v14 =	vor.u32 v8, v27;
	v20 =	vand.u32 $0x7F, v22;
	[tilespmem:v10+s23+$0x0] =	vst.idx.add.f32.msk $0xffff, v19  }
0x390: {  	v17 =	vor.u32 v8, v13;
	v10 =	vadd.s32 s8, v0;
	v19 =	vand.u32 $0x7F, v11;
	[tilespmem:v25+s23+$0x0] =	vst.idx.add.f32.msk $0xffff, v24  }
0x391: {  	v25 =	vor.u32 v8, v20;
	v15 =	vand.u32 $0x7F, v10;
	v30 =	vor.u32 v8, v19;
	v24 =	vld.idx.msk [tilespmem:v16+s5+$0x0], $0xffff  }
0x392: {  	v31 =	vor.u32 v8, v29;
	v11 =	vor.u32 v8, v15;
	[tilespmem:v12+s23+$0x0] =	vst.idx.add.f32.msk $0xffff, v9  }
0x393: {  	v10 =	vor.u32 v3, v20;
	v12 =	vor.u32 v3, v23;
	[tilespmem:v26+s23+$0x0] =	vst.idx.add.f32.msk $0xffff, v21  }
0x394: {  	v16 =	vld.idx.msk [tilespmem:v28+s5+$0x0], $0xffff  }
.Ltmp24:
0x395: {  	v9 =	vld.idx.msk [tilespmem:v14+s5+$0x0], $0xffff;
	(pc) =	sbr.rel @p1 .LBB2_47-.Ltmp24, $4  }
0x396: {  	v22 =	vor.u32 v3, v18;
	v18 =	vld.idx.msk [tilespmem:v30+s5+$0x0], $0xffff  }
0x397: {  	v21 =	vor.u32 v3, v19;
	v14 =	vld.idx.msk [tilespmem:v31+s5+$0x0], $0xffff  }
0x398: {  	[tilespmem:v12+s23+$0x0] =	vst.idx.add.f32.msk $0xffff, v24  }
0x399: {  	v20 =	vor.u32 v3, v29;
	v12 =	vor.u32 v3, v27;
	v19 =	vld.idx.msk [tilespmem:v25+s5+$0x0], $0xffff  }
0x39a: {  	_ =	sdelay $0x3  }
0x39b: {  	v8 =	vld.idx.msk [tilespmem:v17+s5+$0x0], $0xffff;
	v13 =	vor.u32 v3, v13  }
0x39c: {  	[tilespmem:v22+s23+$0x0] =	vst.idx.add.f32.msk $0xffff, v16  }
0x39d: {  	v15 =	vor.u32 v3, v15;
	v11 =	vld.idx.msk [tilespmem:v11+s5+$0x0], $0xffff  }
0x39e: {  	[tilespmem:v12+s23+$0x0] =	vst.idx.add.f32.msk $0xffff, v9;
	s0 =	simm.s32 $0x2  }
0x39f: {  	s18 =	simm.s32 $0x0;
	[tilespmem:v21+s23+$0x0] =	vst.idx.add.f32.msk $0xffff, v18;
	v9 =	vadd.s32 s0, v0  }
0x3a0: {  	v7 =	vshll.u32 v7, $0x7;
	s2 =	simm.s32 $0x4;
	v18 =	vand.u32 $0x7F, v9;
	[tilespmem:v13+s23+$0x0] =	vst.idx.add.f32.msk $0xffff, v8;
	v8 =	vadd.s32 s18, v0  }
0x3a1: {  	s8 =	simm.s32 $0x7;
	v9 =	vor.u32 v7, v18;
	[tilespmem:v10+s23+$0x0] =	vst.idx.add.f32.msk $0xffff, v19;
	v10 =	vadd.s32 s2, v0;
	v8 =	vand.u32 $0x7F, v8  }
0x3a2: {  	[tilespmem:v15+s23+$0x0] =	vst.idx.add.f32.msk $0xffff, v11;
	s18 =	simm.s32 $0x3;
	v22 =	vand.u32 $0x7F, v10;
	v10 =	vadd.s32 s8, v0;
	v11 =	vor.u32 v7, v8  }
0x3a3: {  	s7 =	simm.s32 $0x5;
	v12 =	vadd.s32 s18, v0;
	v13 =	vor.u32 v7, v22;
	v19 =	vand.u32 $0x7F, v10  }
0x3a4: {  	v23 =	vand.u32 $0x7F, v12;
	v10 =	vor.u32 v7, v19;
	v12 =	vadd.s32 s7, v0  }
0x3a5: {  	[tilespmem:v20+s23+$0x0] =	vst.idx.add.f32.msk $0xffff, v14;
	s8 =	simm.s32 $0x1;
	v20 =	vor.u32 v7, v23;
	v21 =	vand.u32 $0x7F, v12  }
0x3a6: {  	v15 =	vld.idx.msk [tilespmem:v9+s5+$0x0], $0xffff;
	v9 =	vadd.s32 s8, v0;
	v25 =	vor.u32 v7, v21  }
0x3a7: {  	v24 =	vor.u32 v4, v8;
	v12 =	vand.u32 $0x7F, v9;
	v11 =	vld.idx.msk [tilespmem:v11+s5+$0x0], $0xffff  }
0x3a8: {  	s18 =	simm.s32 $0x6;
	v16 =	vor.u32 v7, v12;
	v8 =	vld.idx.msk [tilespmem:v13+s5+$0x0], $0xffff  }
0x3a9: {  	v14 =	vadd.s32 s18, v0;
	v9 =	vor.u32 v4, v21;
	v21 =	vor.u32 v4, v18;
	v17 =	vld.idx.msk [tilespmem:v10+s5+$0x0], $0xffff  }
0x3aa: {  	v14 =	vand.u32 $0x7F, v14;
	v13 =	vld.idx.msk [tilespmem:v20+s5+$0x0], $0xffff;
	v20 =	vor.u32 v4, v19  }
0x3ab: {  	v10 =	vor.u32 v7, v14;
	v18 =	vld.idx.msk [tilespmem:v25+s5+$0x0], $0xffff  }
0x3ac: {  	s18 =	simm.s32 $0x8;
	v19 =	vor.u32 v4, v23;
	[tilespmem:v24+s23+$0x0] =	vst.idx.add.f32.msk $0xffff, v11;
	v11 =	vor.u32 v4, v22  }
.LBB2_49:
0x3ad: {  	v22 =	vadd.s32 s18, v0;
	s0 =	sadd.s32 $0x1, s18;
	s2 =	sadd.s32 $0x3, s18;
	s7 =	sadd.s32 $0x4, s18;
	v23 =	vld.idx.msk [tilespmem:v16+s5+$0x0], $0xffff;
	v24 =	vor.u32 v4, v12;
	v25 =	vor.u32 v4, v14  }
0x3ae: {  	s8 =	sadd.s32 $0x6, s18;
	v22 =	vand.u32 $0x7F, v22;
	v12 =	vadd.s32 s0, v0;
	s0 =	sadd.s32 $0x2, s18;
	v14 =	vadd.s32 s7, v0;
	s7 =	sadd.s32 $0x5, s18;
	[tilespmem:v21+s23+$0x0] =	vst.idx.add.f32.msk $0xffff, v15  }
0x3af: {  	p1 =	slt.u32 s18, $0x78;
	v15 =	vor.u32 v7, v22;
	v16 =	vadd.s32 s0, v0;
	v21 =	vadd.s32 s7, v0;
	s0 =	sadd.s32 $0x7, s18;
	s18 =	sadd.s32 $0x8, s18;
	[tilespmem:v20+s23+$0x0] =	vst.idx.add.f32.msk $0xffff, v17  }
0x3b0: {  	v26 =	vand.u32 $0x7F, v14;
	v17 =	vand.u32 $0x7F, v16;
	v16 =	vadd.s32 s2, v0;
	v20 =	vld.idx.msk [tilespmem:v10+s5+$0x0], $0xffff  }
0x3b1: {  	v12 =	vand.u32 $0x7F, v12;
	v27 =	vor.u32 v7, v17;
	v28 =	vand.u32 $0x7F, v16;
	[tilespmem:v19+s23+$0x0] =	vst.idx.add.f32.msk $0xffff, v13  }
0x3b2: {  	v10 =	vadd.s32 s0, v0;
	v13 =	vor.u32 v7, v26;
	v19 =	vand.u32 $0x7F, v21;
	[tilespmem:v9+s23+$0x0] =	vst.idx.add.f32.msk $0xffff, v18  }
0x3b3: {  	v16 =	vor.u32 v7, v12;
	v9 =	vadd.s32 s8, v0;
	v18 =	vand.u32 $0x7F, v10;
	[tilespmem:v24+s23+$0x0] =	vst.idx.add.f32.msk $0xffff, v23  }
0x3b4: {  	v24 =	vor.u32 v7, v19;
	v14 =	vand.u32 $0x7F, v9;
	v29 =	vor.u32 v7, v18;
	v23 =	vld.idx.msk [tilespmem:v15+s5+$0x0], $0xffff  }
0x3b5: {  	v30 =	vor.u32 v7, v28;
	v10 =	vor.u32 v7, v14;
	[tilespmem:v11+s23+$0x0] =	vst.idx.add.f32.msk $0xffff, v8  }
0x3b6: {  	v9 =	vor.u32 v4, v19;
	v11 =	vor.u32 v4, v22;
	[tilespmem:v25+s23+$0x0] =	vst.idx.add.f32.msk $0xffff, v20  }
0x3b7: {  	v15 =	vld.idx.msk [tilespmem:v27+s5+$0x0], $0xffff  }
.Ltmp25:
0x3b8: {  	v8 =	vld.idx.msk [tilespmem:v13+s5+$0x0], $0xffff;
	(pc) =	sbr.rel @p1 .LBB2_49-.Ltmp25, $4  }
0x3b9: {  	v21 =	vor.u32 v4, v17;
	v17 =	vld.idx.msk [tilespmem:v29+s5+$0x0], $0xffff  }
0x3ba: {  	v20 =	vor.u32 v4, v18;
	v13 =	vld.idx.msk [tilespmem:v30+s5+$0x0], $0xffff  }
0x3bb: {  	[tilespmem:v11+s23+$0x0] =	vst.idx.add.f32.msk $0xffff, v23  }
0x3bc: {  	v19 =	vor.u32 v4, v28;
	v11 =	vor.u32 v4, v26;
	v18 =	vld.idx.msk [tilespmem:v24+s5+$0x0], $0xffff  }
0x3bd: {  	_ =	sdelay $0x3  }
0x3be: {  	v7 =	vld.idx.msk [tilespmem:v16+s5+$0x0], $0xffff;
	v12 =	vor.u32 v4, v12;
	_ =	sdelay $0x1  }
0x3bf: {  	v14 =	vor.u32 v4, v14;
	v10 =	vld.idx.msk [tilespmem:v10+s5+$0x0], $0xffff  }
0x3c0: {  	[tilespmem:v11+s23+$0x0] =	vst.idx.add.f32.msk $0xffff, v8;
	s0 =	simm.s32 $0x2  }
0x3c1: {  	s18 =	simm.s32 $0x0;
	[tilespmem:v20+s23+$0x0] =	vst.idx.add.f32.msk $0xffff, v17;
	v8 =	vadd.s32 s0, v0  }
0x3c2: {  	v6 =	vshll.u32 v6, $0x7;
	s2 =	simm.s32 $0x4;
	v17 =	vand.u32 $0x7F, v8;
	[tilespmem:v12+s23+$0x0] =	vst.idx.add.f32.msk $0xffff, v7;
	v7 =	vadd.s32 s18, v0  }
0x3c3: {  	s8 =	simm.s32 $0x7;
	v8 =	vor.u32 v6, v17;
	[tilespmem:v9+s23+$0x0] =	vst.idx.add.f32.msk $0xffff, v18;
	v9 =	vadd.s32 s2, v0;
	v7 =	vand.u32 $0x7F, v7  }
0x3c4: {  	v11 =	vadd.s32 s8, v0;
	[tilespmem:v14+s23+$0x0] =	vst.idx.add.f32.msk $0xffff, v10;
	s18 =	simm.s32 $0x3;
	v9 =	vand.u32 $0x7F, v9;
	v10 =	vor.u32 v6, v7  }
0x3c5: {  	s7 =	simm.s32 $0x5;
	[tilespmem:v19+s23+$0x0] =	vst.idx.add.f32.msk $0xffff, v13;
	v18 =	vand.u32 $0x7F, v11;
	v12 =	vadd.s32 s18, v0;
	v13 =	vor.u32 v6, v9  }
0x3c6: {  	[tilespmem:v21+s23+$0x0] =	vst.idx.add.f32.msk $0xffff, v15;
	v11 =	vadd.s32 s7, v0;
	v21 =	vand.u32 $0x7F, v12;
	v12 =	vor.u32 v6, v18  }
0x3c7: {  	s8 =	simm.s32 $0x1;
	v20 =	vand.u32 $0x7F, v11;
	v19 =	vor.u32 v6, v21  }
0x3c8: {  	v24 =	vor.u32 v6, v20;
	v14 =	vld.idx.msk [tilespmem:v8+s5+$0x0], $0xffff;
	v8 =	vadd.s32 s8, v0  }
0x3c9: {  	v23 =	vor.u32 v5, v7;
	v11 =	vand.u32 $0x7F, v8;
	v22 =	vld.idx.msk [tilespmem:v10+s5+$0x0], $0xffff  }
0x3ca: {  	s18 =	simm.s32 $0x6;
	v15 =	vor.u32 v6, v11;
	v7 =	vld.idx.msk [tilespmem:v13+s5+$0x0], $0xffff  }
0x3cb: {  	v8 =	vor.u32 v5, v20;
	v20 =	vor.u32 v5, v17;
	v10 =	vadd.s32 s18, v0;
	v16 =	vld.idx.msk [tilespmem:v12+s5+$0x0], $0xffff  }
0x3cc: {  	v13 =	vand.u32 $0x7F, v10;
	v12 =	vld.idx.msk [tilespmem:v19+s5+$0x0], $0xffff;
	v19 =	vor.u32 v5, v18  }
0x3cd: {  	v17 =	vld.idx.msk [tilespmem:v24+s5+$0x0], $0xffff;
	v10 =	vor.u32 v6, v13  }
0x3ce: {  	v9 =	vor.u32 v5, v9;
	s18 =	simm.s32 $0x8;
	v18 =	vor.u32 v5, v21;
	[tilespmem:v23+s23+$0x0] =	vst.idx.add.f32.msk $0xffff, v22  }
.LBB2_51:
0x3cf: {  	v21 =	vadd.s32 s18, v0;
	s0 =	sadd.s32 $0x1, s18;
	s2 =	sadd.s32 $0x3, s18;
	s7 =	sadd.s32 $0x4, s18;
	v22 =	vld.idx.msk [tilespmem:v15+s5+$0x0], $0xffff;
	v23 =	vor.u32 v5, v11;
	v24 =	vor.u32 v5, v13  }
0x3d0: {  	s8 =	sadd.s32 $0x6, s18;
	v21 =	vand.u32 $0x7F, v21;
	v11 =	vadd.s32 s0, v0;
	s0 =	sadd.s32 $0x2, s18;
	v13 =	vadd.s32 s7, v0;
	s7 =	sadd.s32 $0x5, s18;
	[tilespmem:v20+s23+$0x0] =	vst.idx.add.f32.msk $0xffff, v14  }
0x3d1: {  	p1 =	slt.u32 s18, $0x78;
	v14 =	vor.u32 v6, v21;
	v15 =	vadd.s32 s0, v0;
	v20 =	vadd.s32 s7, v0;
	s0 =	sadd.s32 $0x7, s18;
	s18 =	sadd.s32 $0x8, s18;
	[tilespmem:v19+s23+$0x0] =	vst.idx.add.f32.msk $0xffff, v16  }
0x3d2: {  	v25 =	vand.u32 $0x7F, v13;
	v16 =	vand.u32 $0x7F, v15;
	v15 =	vadd.s32 s2, v0;
	v19 =	vld.idx.msk [tilespmem:v10+s5+$0x0], $0xffff  }
0x3d3: {  	v11 =	vand.u32 $0x7F, v11;
	v26 =	vor.u32 v6, v16;
	v27 =	vand.u32 $0x7F, v15;
	[tilespmem:v18+s23+$0x0] =	vst.idx.add.f32.msk $0xffff, v12  }
0x3d4: {  	v10 =	vadd.s32 s0, v0;
	v12 =	vor.u32 v6, v25;
	v18 =	vand.u32 $0x7F, v20;
	[tilespmem:v8+s23+$0x0] =	vst.idx.add.f32.msk $0xffff, v17  }
0x3d5: {  	v15 =	vor.u32 v6, v11;
	v8 =	vadd.s32 s8, v0;
	v17 =	vand.u32 $0x7F, v10;
	[tilespmem:v23+s23+$0x0] =	vst.idx.add.f32.msk $0xffff, v22  }
0x3d6: {  	v23 =	vor.u32 v6, v18;
	v13 =	vand.u32 $0x7F, v8;
	v28 =	vor.u32 v6, v17;
	v22 =	vld.idx.msk [tilespmem:v14+s5+$0x0], $0xffff  }
0x3d7: {  	v29 =	vor.u32 v6, v27;
	v10 =	vor.u32 v6, v13;
	[tilespmem:v9+s23+$0x0] =	vst.idx.add.f32.msk $0xffff, v7  }
0x3d8: {  	v8 =	vor.u32 v5, v18;
	v9 =	vor.u32 v5, v21;
	[tilespmem:v24+s23+$0x0] =	vst.idx.add.f32.msk $0xffff, v19  }
0x3d9: {  	v14 =	vld.idx.msk [tilespmem:v26+s5+$0x0], $0xffff  }
.Ltmp26:
0x3da: {  	v7 =	vld.idx.msk [tilespmem:v12+s5+$0x0], $0xffff;
	(pc) =	sbr.rel @p1 .LBB2_51-.Ltmp26, $4  }
0x3db: {  	v20 =	vor.u32 v5, v16;
	v16 =	vld.idx.msk [tilespmem:v28+s5+$0x0], $0xffff  }
0x3dc: {  	v19 =	vor.u32 v5, v17;
	v12 =	vld.idx.msk [tilespmem:v29+s5+$0x0], $0xffff  }
0x3dd: {  	[tilespmem:v9+s23+$0x0] =	vst.idx.add.f32.msk $0xffff, v22  }
0x3de: {  	v18 =	vor.u32 v5, v27;
	v9 =	vor.u32 v5, v25;
	v17 =	vld.idx.msk [tilespmem:v23+s5+$0x0], $0xffff  }
0x3df: {  	_ =	sdelay $0x3  }
0x3e0: {  	v6 =	vld.idx.msk [tilespmem:v15+s5+$0x0], $0xffff  }
0x3e1: {  	[tilespmem:v20+s23+$0x0] =	vst.idx.add.f32.msk $0xffff, v14  }
0x3e2: {  	v11 =	vor.u32 v5, v11;
	v10 =	vld.idx.msk [tilespmem:v10+s5+$0x0], $0xffff  }
0x3e3: {  	v13 =	vor.u32 v5, v13;
	[tilespmem:v9+s23+$0x0] =	vst.idx.add.f32.msk $0xffff, v7  }
0x3e4: {  	[tilespmem:v19+s23+$0x0] =	vst.idx.add.f32.msk $0xffff, v16  }
.Ltmp27:
0x3e5: {  	[tilespmem:v18+s23+$0x0] =	vst.idx.add.f32.msk $0xffff, v12;
	(pc) =	sbr.rel @p0 .LBB2_54-.Ltmp27, $4  }
0x3e6: {  	s0 =	sadd.s32 s6, s12;
	[tilespmem:v8+s23+$0x0] =	vst.idx.add.f32.msk $0xffff, v17  }
0x3e7: {  	s0 =	sshll.u32 s0, $0x4;
	[tilespmem:v11+s23+$0x0] =	vst.idx.add.f32.msk $0xffff, v6  }
0x3e8: {  	s0 =	sadd.s32 s4, s0;
	[tilespmem:v13+s23+$0x0] =	vst.idx.add.f32.msk $0xffff, v10  }
0x3e9: {  	[hbm4b:s0+s5] =	stream.linear.scatter [tilespmem:s23], [sflag:$0xA], $0x2800, $0x38;
	[tilespmem:$0xF380] =	vst v63  }
.Ltmp28:
0x3ea: {  	(pc) =	sbr.rel .LBB2_2-.Ltmp28, $4  }
0x3eb: {  	_ =	swait.ge [sflag:s3], $0x2800;
	s0 =	sadd.s32 s11, s17  }
0x3ec: {  	[sflag:s3] =	ssyncset.done $0x0;
	s0 =	sshll.u32 s0, $0x4  }
0x3ed: {  	s10 =	sadd.s32 $0x1, s10;
	[sflag:s3] =	ssyncadd.s32 $0xFFFFD800;
	s0 =	sadd.s32 s1, s0  }
0x3ee: {  	[tilespmem:s21], [sflag:$0x3] =	stream.linear.gather [hbm4b:s0+s5], $0x2800, $0x38;
	[tilespmem:$0xF380] =	vst v63  }
.LBB2_55:
0x3ef: {  	_ =	sfence.sel $0x180000  }
0x3f0: {  	[bflag:$0x0] =	sbarrier.arrive $0xFFFF  }
0x3f1: {  	_ =	strace $0x90000047  }
0x3f2: {  	s0 =	stileid.u32;
	[bflag:$0x2] =	sbarrier.arrive $0xFFFF  }
0x3f3: {  	p0 =	sne.s32 s0, $0x0;
	s0 =	rddreg [dreg:$0x4]  }
0x3f4: {  	s0 =	sadd.s32 @!p0 $0x100000, s0  }
0x3f5: {  	[sflag:s0] =	ssyncadd.tile.s32 @!p0 $0x1;
	_ =	shalt  }
.Lfunc_end2:
_tile_overlayer_lowered:
.L_overlay_start_2:
0x3f6: {  	(tag) =	ssettag $0x2  }
0x3f7: {  	s0 =	rddreg [dreg:$0x0];
	s2 =	stileid.u32  }
0x3f8: {  	s1 =	rddreg [dreg:$0x1];
	p0 =	sne.s32 s2, $0x0  }
0x3f9: {  	s3 =	rddreg [dreg:$0x2];
	[bflag:$0x3] =	sbarrier.arrive $0xFFFF;
	s2 =	simm.s32 @!p0 $0x1C0B  }
0x3fa: {  	[timem:s3], [sflag:s2] =	dma.local @!p0 [hbm:s0], s1  }
0x3fb: {  	s0 =	simm.s32 @!p0 $0xB  }
0x3fc: {  	_ =	swait.ge @!p0 [sflag:s0], s1  }
0x3fd: {  	s1 =	ssub.s32 @!p0 $0x0, s1;
	[sflag:s0] =	ssyncset.done @!p0 $0x0  }
0x3fe: {  	[sflag:s0] =	ssyncadd.s32 @!p0 s1  }
0x3ff: {  	[bflag:$0x3] =	sbarrier.arrive $0xFFFF  }
0x400: {  	_ =	shalt  }

</sc_bundles>
